<compile_context>
chip_gen: v7x
topology: tpu7x:2x2x1
jax: 0.10.2.dev20260603
libtpu: 0.0.44.dev20260713+nightly
codegen_flags: <defaults>
</compile_context>

<pallas_src>
import jax
import jax.numpy as jnp
from jax import lax
from jax.experimental import pallas as pl
from jax.experimental.pallas import tpu as pltpu
from jax.experimental.pallas import tpu_sc as plsc

NC = 2
NS = 16
NW = NC * NS
LANES = 16
GSZ = 128
SGSZ = 128
NBUF = 2
SPLIT = 2



def _feat_body(x_ref, w_ref, b_ref, o_ref):
    acc = jnp.dot(x_ref[...], w_ref[...], preferred_element_type=jnp.float32)
    o_ref[...] = jnp.maximum(acc + b_ref[...], 0.0)


def _tc_feat(x, w, b):
    n, d = x.shape
    h_dim = w.shape[1]
    bn = 1000
    return pl.pallas_call(
        _feat_body,
        grid=(n // bn,),
        in_specs=[
            pl.BlockSpec((bn, d), lambda i: (i, 0)),
            pl.BlockSpec((d, h_dim), lambda i: (0, 0)),
            pl.BlockSpec((1, h_dim), lambda i: (0, 0)),
        ],
        out_specs=pl.BlockSpec((bn, h_dim), lambda i: (i, 0)),
        out_shape=jax.ShapeDtypeStruct((n, h_dim), jnp.float32),
    )(x, w, b.reshape(1, -1))


def _mid_body(s_ref, c_ref, w_ref, b_ref, o_ref):
    cnt = c_ref[0, :, :1] + c_ref[1, :, :1]
    m = (s_ref[0] + s_ref[1]) / jnp.maximum(cnt, 1.0)
    acc = jnp.dot(m, w_ref[...], preferred_element_type=jnp.float32)
    o_ref[...] = jnp.maximum(acc + b_ref[...], 0.0)


def _tc_mid(sums, cnts, w, b, n):
    _, n_pad, h_dim = sums.shape
    bn = n // 5
    grid = 5
    return pl.pallas_call(
        _mid_body,
        grid=(grid,),
        in_specs=[
            pl.BlockSpec((2, bn, h_dim), lambda i: (0, i, 0)),
            pl.BlockSpec((2, bn, h_dim), lambda i: (0, i, 0)),
            pl.BlockSpec((h_dim, h_dim), lambda i: (0, 0)),
            pl.BlockSpec((1, h_dim), lambda i: (0, 0)),
        ],
        out_specs=pl.BlockSpec((bn, h_dim), lambda i: (i, 0)),
        out_shape=jax.ShapeDtypeStruct((n, h_dim), jnp.float32),
    )(sums, cnts, w, b.reshape(1, -1))


def _final_body(s_ref, c_ref, w2_ref, b2_ref, ge_ref, wc1_ref, bc1_ref,
                wc2_ref, bc2_ref, o_ref):
    cnt = c_ref[0, :, :1] + c_ref[1, :, :1]
    m = (s_ref[0] + s_ref[1]) / jnp.maximum(cnt, 1.0)
    h2 = jnp.dot(m, w2_ref[...], preferred_element_type=jnp.float32) + b2_ref[...]
    h2 = h2 + jnp.mean(ge_ref[...], axis=0, keepdims=True)
    hid = jnp.dot(h2, wc1_ref[...], preferred_element_type=jnp.float32) + bc1_ref[...]
    hid = jnp.maximum(hid, 0.0)
    o_ref[...] = jnp.dot(hid, wc2_ref[...], preferred_element_type=jnp.float32) + bc2_ref[...]


def _tc_final(sums, cnts, w2, b2, ge, wc1, bc1, wc2, bc2, n):
    _, n_pad, h_dim = sums.shape
    g = ge.shape[0]
    hid_dim = wc1.shape[1]
    out_dim = wc2.shape[1]
    bn = n // 5
    return pl.pallas_call(
        _final_body,
        grid=(5,),
        in_specs=[
            pl.BlockSpec((2, bn, h_dim), lambda i: (0, i, 0)),
            pl.BlockSpec((2, bn, h_dim), lambda i: (0, i, 0)),
            pl.BlockSpec((h_dim, h_dim), lambda i: (0, 0)),
            pl.BlockSpec((1, h_dim), lambda i: (0, 0)),
            pl.BlockSpec((g, h_dim), lambda i: (0, 0)),
            pl.BlockSpec((h_dim, hid_dim), lambda i: (0, 0)),
            pl.BlockSpec((1, hid_dim), lambda i: (0, 0)),
            pl.BlockSpec((hid_dim, out_dim), lambda i: (0, 0)),
            pl.BlockSpec((1, out_dim), lambda i: (0, 0)),
        ],
        out_specs=pl.BlockSpec((bn, out_dim), lambda i: (i, 0)),
        out_shape=jax.ShapeDtypeStruct((n, out_dim), jnp.float32),
    )(sums, cnts, w2, b2.reshape(1, -1), ge, wc1, bc1.reshape(1, -1),
      wc2, bc2.reshape(1, -1))



def _mesh():
    return plsc.VectorSubcoreMesh(
        core_axis_name="c", subcore_axis_name="s",
        num_cores=NC, num_subcores=NS)


def _sc_counts(dst4, n_pad, h_dim):
    k4 = dst4.shape[2]
    rpt = n_pad // NS
    n_full = rpt // GSZ
    rem = rpt - n_full * GSZ

    def body(dst_hbm, cnts_hbm, dst_v, ones_v, cnt_acc, sem):
        del sem
        core = lax.axis_index("c")
        sub = lax.axis_index("s")
        wid = sub * NC + core
        base = sub * rpt

        zero16 = jnp.zeros((LANES,), jnp.float32)
        one16 = jnp.ones((LANES,), jnp.float32)

        def fill(val):
            def row(r, carry):
                for q in range(h_dim // LANES):
                    ones_v[r, pl.ds(q * LANES, LANES)] = val
                return carry
            lax.fori_loop(0, GSZ, row, 0)

        fill(zero16)

        def zchunk(t, carry):
            pltpu.sync_copy(ones_v, cnt_acc.at[pl.ds(base + t * GSZ, GSZ)])
            return carry
        lax.fori_loop(0, n_full, zchunk, 0)
        if rem:
            pltpu.sync_copy(ones_v.at[pl.ds(0, rem)],
                            cnt_acc.at[pl.ds(base + n_full * GSZ, rem)])

        fill(one16)

        pltpu.sync_copy(dst_hbm.at[wid], dst_v)

        plsc.subcore_barrier()

        for phase in range(SPLIT):
            def grp(j, carry):
                pltpu.sync_copy(ones_v.at[pl.ds(0, SGSZ)],
                                cnt_acc.at[dst_v.at[phase, j]], add=True)
                return carry
            lax.fori_loop(0, k4, grp, 0)

        plsc.subcore_barrier()

        def ochunk(t, carry):
            pltpu.sync_copy(cnt_acc.at[pl.ds(base + t * GSZ, GSZ)],
                            cnts_hbm.at[core, pl.ds(base + t * GSZ, GSZ)])
            return carry
        lax.fori_loop(0, n_full, ochunk, 0)
        if rem:
            pltpu.sync_copy(cnt_acc.at[pl.ds(base + n_full * GSZ, rem)],
                            cnts_hbm.at[core, pl.ds(base + n_full * GSZ, rem)])

    fn = pl.kernel(
        body,
        out_type=jax.ShapeDtypeStruct((NC, n_pad, h_dim), jnp.float32),
        mesh=_mesh(),
        scratch_types=[
            pltpu.VMEM((SPLIT, k4, SGSZ), jnp.int32),
            pltpu.VMEM((GSZ, h_dim), jnp.float32),
            pltpu.VMEM_SHARED((n_pad, h_dim), jnp.float32),
            pltpu.SemaphoreType.DMA,
        ])
    return fn(dst4)


def _sc_sums(h, src4, dst4, n_pad):
    k4 = src4.shape[2]
    h_dim = h.shape[1]
    rpt = n_pad // NS
    n_full = rpt // SGSZ
    rem = rpt - n_full * SGSZ

    def body(h_hbm, src_hbm, dst_hbm, sums_hbm, src_v, dst_v,
             msg0, msg1, acc, gs0, gs1):
        core = lax.axis_index("c")
        sub = lax.axis_index("s")
        wid = sub * NC + core
        base = sub * rpt
        msgs = (msg0, msg1)
        gsems = (gs0, gs1)

        zero16 = jnp.zeros((LANES,), jnp.float32)

        def zrow(r, carry):
            for q in range(h_dim // LANES):
                msg0[r, pl.ds(q * LANES, LANES)] = zero16
            return carry
        lax.fori_loop(0, SGSZ, zrow, 0)

        def zchunk(t, carry):
            pltpu.sync_copy(msg0, acc.at[pl.ds(base + t * SGSZ, SGSZ)])
            return carry
        lax.fori_loop(0, n_full, zchunk, 0)
        if rem:
            pltpu.sync_copy(msg0.at[pl.ds(0, rem)],
                            acc.at[pl.ds(base + n_full * SGSZ, rem)])

        plsc.subcore_barrier()

        for phase in range(SPLIT):
            pltpu.sync_copy(src_hbm.at[wid, phase], src_v)
            pltpu.sync_copy(dst_hbm.at[wid, phase], dst_v)

            for b in range(NBUF):
                pltpu.async_copy(h_hbm.at[src_v.at[b]], msgs[b], gsems[b])

            def trip(p, carry):
                j = 2 * NBUF * p
                for u in range(2):
                    for b in range(NBUF):
                        jj = j + u * NBUF + b
                        jn = jnp.minimum(jj + NBUF, k4 - 1)
                        pltpu.make_async_copy(
                            h_hbm.at[src_v.at[jj]], msgs[b], gsems[b]).wait()
                        pltpu.sync_copy(msgs[b], acc.at[dst_v.at[jj]],
                                        add=True)
                        pltpu.async_copy(
                            h_hbm.at[src_v.at[jn]], msgs[b], gsems[b])
                return carry
            lax.fori_loop(0, k4 // (2 * NBUF), trip, 0)

            for b in range(NBUF):
                pltpu.make_async_copy(
                    h_hbm.at[src_v.at[k4 - 1]], msgs[b], gsems[b]).wait()

        plsc.subcore_barrier()

        def ochunk(t, carry):
            pltpu.sync_copy(acc.at[pl.ds(base + t * SGSZ, SGSZ)],
                            sums_hbm.at[core, pl.ds(base + t * SGSZ, SGSZ)])
            return carry
        lax.fori_loop(0, n_full, ochunk, 0)
        if rem:
            pltpu.sync_copy(acc.at[pl.ds(base + n_full * SGSZ, rem)],
                            sums_hbm.at[core, pl.ds(base + n_full * SGSZ, rem)])

    fn = pl.kernel(
        body,
        out_type=jax.ShapeDtypeStruct((NC, n_pad, h_dim), jnp.float32),
        mesh=_mesh(),
        scratch_types=[
            pltpu.VMEM((k4, SGSZ), jnp.int32),
            pltpu.VMEM((k4, SGSZ), jnp.int32),
            pltpu.VMEM((SGSZ, h_dim), jnp.float32),
            pltpu.VMEM((SGSZ, h_dim), jnp.float32),
            pltpu.VMEM_SHARED((n_pad, h_dim), jnp.float32),
            pltpu.SemaphoreType.DMA,
            pltpu.SemaphoreType.DMA,
        ])
    return fn(h, src4, dst4)



def kernel(x, edge_index, W_feat, b_feat, group_encodings, W_agg1, b_agg1,
           W_agg2, b_agg2, W_c1, b_c1, W_c2, b_c2):
    n, _ = x.shape
    e = edge_index.shape[1]
    n_pad = ((n + 1) + NS * 8 - 1) // (NS * 8) * (NS * 8)

    src = edge_index[0]
    dst = edge_index[1]

    q = SPLIT * NBUF
    ks = -(-e // (NW * SGSZ))
    ks = (ks + q - 1) // q * q
    ar_s = jnp.arange(NW * SGSZ * ks - e, dtype=jnp.int32)
    src4s = jnp.concatenate([src, ar_s % n]).reshape(
        NW, SPLIT, ks // SPLIT, SGSZ)
    dst4s = jnp.concatenate([dst, n + ar_s % (n_pad - n)]).reshape(
        NW, SPLIT, ks // SPLIT, SGSZ)

    cnts = _sc_counts(dst4s, n_pad, W_feat.shape[1])
    h = _tc_feat(x, W_feat, b_feat)
    sums1 = _sc_sums(h, src4s, dst4s, n_pad)
    h1 = _tc_mid(sums1, cnts, W_agg1, b_agg1, n)
    sums2 = _sc_sums(h1, src4s, dst4s, n_pad)
    return _tc_final(sums2, cnts, W_agg2, b_agg2, group_encodings,
                     W_c1, b_c1, W_c2, b_c2, n)

# --- scband reference (transcript-rebuilt; emitter-appended) ---
"""Pipeline reference for scband-gaga-5342939316745 (READ-ONLY COPY).

The authoritative reference and input builder live on the scoring server;
editing this copy changes nothing except your own understanding.
"""

import jax, jax.numpy as jnp
import numpy as np

N = 10000
E = 320000
D = 128
H = 128
G = 3
OUT = 2


def setup_inputs(seed: int = 0) -> dict:
    key = jax.random.key(seed)
    ks = jax.random.split(key, 14)
    x = jax.random.normal(ks[0], (N, D), dtype=jnp.float32)
    edge_index = jax.random.randint(ks[1], (2, E), 0, N, dtype=jnp.int32)
    s_d = 1.0 / np.sqrt(D)
    s_h = 1.0 / np.sqrt(H)
    W_feat = jax.random.uniform(ks[2], (D, H), jnp.float32, -s_d, s_d)
    b_feat = jax.random.uniform(ks[3], (H,), jnp.float32, -s_d, s_d)
    group_encodings = jax.random.normal(ks[4], (G, H), dtype=jnp.float32)
    W_agg1 = jax.random.uniform(ks[5], (H, H), jnp.float32, -s_h, s_h)
    b_agg1 = jax.random.uniform(ks[6], (H,), jnp.float32, -s_h, s_h)
    W_agg2 = jax.random.uniform(ks[7], (H, H), jnp.float32, -s_h, s_h)
    b_agg2 = jax.random.uniform(ks[8], (H,), jnp.float32, -s_h, s_h)
    W_c1 = jax.random.uniform(ks[9], (H, H // 2), jnp.float32, -s_h, s_h)
    b_c1 = jax.random.uniform(ks[10], (H // 2,), jnp.float32, -s_h, s_h)
    s_h2 = 1.0 / np.sqrt(H // 2)
    W_c2 = jax.random.uniform(ks[11], (H // 2, OUT), jnp.float32, -s_h2, s_h2)
    b_c2 = jax.random.uniform(ks[12], (OUT,), jnp.float32, -s_h2, s_h2)
    return {
        "x": x,
        "edge_index": edge_index,
        "W_feat": W_feat,
        "b_feat": b_feat,
        "group_encodings": group_encodings,
        "W_agg1": W_agg1,
        "b_agg1": b_agg1,
        "W_agg2": W_agg2,
        "b_agg2": b_agg2,
        "W_c1": W_c1,
        "b_c1": b_c1,
        "W_c2": W_c2,
        "b_c2": b_c2,
    }


def _mean_aggregate(h, src, dst):
    # PyG MessagePassing with aggr='mean', flow source_to_target:
    # message x_j = h[src], aggregated (mean) at dst. Isolated dst nodes get 0.
    msg = jnp.take(h, src, axis=0)
    summed = jax.ops.segment_sum(msg, dst, num_segments=N)
    cnt = jax.ops.segment_sum(jnp.ones((src.shape[0],), jnp.float32), dst, num_segments=N)
    return summed / jnp.maximum(cnt, 1.0)[:, None]


def reference(x, edge_index, W_feat, b_feat, group_encodings, W_agg1, b_agg1,
              W_agg2, b_agg2, W_c1, b_c1, W_c2, b_c2):
    src = edge_index[0]
    dst = edge_index[1]
    # feat_transform + relu (dropout is identity in eval mode)
    h = jax.nn.relu(x @ W_feat + b_feat)
    # group_agg1: mean message passing then linear (update)
    m1 = _mean_aggregate(h, src, dst)
    h1 = m1 @ W_agg1 + b_agg1
    h1 = jax.nn.relu(h1)
    # group_agg2
    m2 = _mean_aggregate(h1, src, dst)
    h2 = m2 @ W_agg2 + b_agg2
    # add mean of learnable group encodings
    h_with_groups = h2 + jnp.mean(group_encodings, axis=0)
    # classifier MLP (dropout identity in eval)
    hid = jax.nn.relu(h_with_groups @ W_c1 + b_c1)
    out = hid @ W_c2 + b_c2
    return out

if __name__ == "__main__":
    import jax
    _d = setup_inputs()
    print(jax.jit(kernel)(*tuple(_d.values())))

</pallas_src>

<mosaic_0001>
#map = affine_map<(d0, d1) -> (0, 0)>
#map1 = affine_map<(d0, d1) -> (0, 0, 0, 0)>
#map2 = affine_map<(d0, d1) -> (0, 0, 0)>
module attributes {stable_mosaic.version = 14 : i64} {
  func.func @body(%arg0: i32, %arg1: i32, %arg2: memref<10000x128xf32, #tpu.memory_space<hbm>>, %arg3: memref<32x2x40x128xi32, #tpu.memory_space<hbm>>, %arg4: memref<32x2x40x128xi32, #tpu.memory_space<hbm>>, %arg5: memref<2x10112x128xf32, #tpu.memory_space<hbm>>, %arg6: memref<40x128xi32, #tpu.memory_space<vmem>>, %arg7: memref<40x128xi32, #tpu.memory_space<vmem>>, %arg8: memref<128x128xf32, #tpu.memory_space<vmem>>, %arg9: memref<128x128xf32, #tpu.memory_space<vmem>>, %arg10: memref<10112x128xf32, #tpu.memory_space<vmem_shared>>, %arg11: memref<!tpu.dma_semaphore, #tpu.memory_space<semaphore_mem>>, %arg12: memref<!tpu.dma_semaphore, #tpu.memory_space<semaphore_mem>>) attributes {dimension_semantics = [#tpu.dimension_semantics<core_parallel>, #tpu.dimension_semantics<subcore_parallel>], iteration_bounds = array<i64: 2, 16>, scalar_prefetch = 0 : i64, scratch_operands = 7 : i64, tpu.core_type = #tpu.core_type<sc_vector_subcore>, window_params = [{transform_indices = #map}, {transform_indices = #map1}, {transform_indices = #map1}, {transform_indices = #map2}]} {
    %mul3A = arith.constant 2 : i32
    %mul3A_0 = arith.muli %arg1, %mul3A : i32
    %add3A = arith.addi %mul3A_0, %arg0 : i32
    %mul3A_1 = arith.constant 632 : i32
    %mul3A_2 = arith.muli %arg1, %mul3A_1 : i32
    %broadcast_in_dim3A = arith.constant 0.000000e+00 : f32
    %broadcast_in_dim3A_3 = vector.broadcast %broadcast_in_dim3A : f32 to vector<16xf32>
    %scan3A = arith.constant 0 : i32
    %scan3A_4 = arith.constant 0 : i32
    %scan3A_5 = arith.constant 128 : i32
    %scan3A_6 = arith.addi %scan3A_4, %scan3A_5 : i32
    %scan3A_7 = arith.constant 1 : i32
    scf.for %scan3A_97 = %scan3A_4 to %scan3A_6 step %scan3A_7  : i32 {
      %swap3A = arith.index_cast %scan3A_97 : i32 to index
      %swap3A_98 = arith.constant 0 : index
      %swap3A_99 = tpu.vector_load %arg8[%swap3A, %swap3A_98] {strides = array<i32>} : memref<128x128xf32, #tpu.memory_space<vmem>>, vector<1x16xf32>,
      %swap3A_100 = vector.shape_cast %swap3A_99 : vector<1x16xf32> to vector<16xf32>
      %swap3A_101 = vector.shape_cast %broadcast_in_dim3A_3 : vector<16xf32> to vector<1x16xf32>
      tpu.vector_store %arg8[%swap3A, %swap3A_98], %swap3A_101 {strides = array<i32>} : memref<128x128xf32, #tpu.memory_space<vmem>>, vector<1x16xf32>,
      %swap3A_102 = arith.index_cast %scan3A_97 : i32 to index
      %swap3A_103 = arith.constant 16 : index
      %swap3A_104 = tpu.vector_load %arg8[%swap3A_102, %swap3A_103] {strides = array<i32>} : memref<128x128xf32, #tpu.memory_space<vmem>>, vector<1x16xf32>,
      %swap3A_105 = vector.shape_cast %swap3A_104 : vector<1x16xf32> to vector<16xf32>
      %swap3A_106 = vector.shape_cast %broadcast_in_dim3A_3 : vector<16xf32> to vector<1x16xf32>
      tpu.vector_store %arg8[%swap3A_102, %swap3A_103], %swap3A_106 {strides = array<i32>} : memref<128x128xf32, #tpu.memory_space<vmem>>, vector<1x16xf32>,
      %swap3A_107 = arith.index_cast %scan3A_97 : i32 to index
      %swap3A_108 = arith.constant 32 : index
      %swap3A_109 = tpu.vector_load %arg8[%swap3A_107, %swap3A_108] {strides = array<i32>} : memref<128x128xf32, #tpu.memory_space<vmem>>, vector<1x16xf32>,
      %swap3A_110 = vector.shape_cast %swap3A_109 : vector<1x16xf32> to vector<16xf32>
      %swap3A_111 = vector.shape_cast %broadcast_in_dim3A_3 : vector<16xf32> to vector<1x16xf32>
      tpu.vector_store %arg8[%swap3A_107, %swap3A_108], %swap3A_111 {strides = array<i32>} : memref<128x128xf32, #tpu.memory_space<vmem>>, vector<1x16xf32>,
      %swap3A_112 = arith.index_cast %scan3A_97 : i32 to index
      %swap3A_113 = arith.constant 48 : index
      %swap3A_114 = tpu.vector_load %arg8[%swap3A_112, %swap3A_113] {strides = array<i32>} : memref<128x128xf32, #tpu.memory_space<vmem>>, vector<1x16xf32>,
      %swap3A_115 = vector.shape_cast %swap3A_114 : vector<1x16xf32> to vector<16xf32>
      %swap3A_116 = vector.shape_cast %broadcast_in_dim3A_3 : vector<16xf32> to vector<1x16xf32>
      tpu.vector_store %arg8[%swap3A_112, %swap3A_113], %swap3A_116 {strides = array<i32>} : memref<128x128xf32, #tpu.memory_space<vmem>>, vector<1x16xf32>,
      %swap3A_117 = arith.index_cast %scan3A_97 : i32 to index
      %swap3A_118 = arith.constant 64 : index
      %swap3A_119 = tpu.vector_load %arg8[%swap3A_117, %swap3A_118] {strides = array<i32>} : memref<128x128xf32, #tpu.memory_space<vmem>>, vector<1x16xf32>,
      %swap3A_120 = vector.shape_cast %swap3A_119 : vector<1x16xf32> to vector<16xf32>
      %swap3A_121 = vector.shape_cast %broadcast_in_dim3A_3 : vector<16xf32> to vector<1x16xf32>
      tpu.vector_store %arg8[%swap3A_117, %swap3A_118], %swap3A_121 {strides = array<i32>} : memref<128x128xf32, #tpu.memory_space<vmem>>, vector<1x16xf32>,
      %swap3A_122 = arith.index_cast %scan3A_97 : i32 to index
      %swap3A_123 = arith.constant 80 : index
      %swap3A_124 = tpu.vector_load %arg8[%swap3A_122, %swap3A_123] {strides = array<i32>} : memref<128x128xf32, #tpu.memory_space<vmem>>, vector<1x16xf32>,
      %swap3A_125 = vector.shape_cast %swap3A_124 : vector<1x16xf32> to vector<16xf32>
      %swap3A_126 = vector.shape_cast %broadcast_in_dim3A_3 : vector<16xf32> to vector<1x16xf32>
      tpu.vector_store %arg8[%swap3A_122, %swap3A_123], %swap3A_126 {strides = array<i32>} : memref<128x128xf32, #tpu.memory_space<vmem>>, vector<1x16xf32>,
      %swap3A_127 = arith.index_cast %scan3A_97 : i32 to index
      %swap3A_128 = arith.constant 96 : index
      %swap3A_129 = tpu.vector_load %arg8[%swap3A_127, %swap3A_128] {strides = array<i32>} : memref<128x128xf32, #tpu.memory_space<vmem>>, vector<1x16xf32>,
      %swap3A_130 = vector.shape_cast %swap3A_129 : vector<1x16xf32> to vector<16xf32>
      %swap3A_131 = vector.shape_cast %broadcast_in_dim3A_3 : vector<16xf32> to vector<1x16xf32>
      tpu.vector_store %arg8[%swap3A_127, %swap3A_128], %swap3A_131 {strides = array<i32>} : memref<128x128xf32, #tpu.memory_space<vmem>>, vector<1x16xf32>,
      %swap3A_132 = arith.index_cast %scan3A_97 : i32 to index
      %swap3A_133 = arith.constant 112 : index
      %swap3A_134 = tpu.vector_load %arg8[%swap3A_132, %swap3A_133] {strides = array<i32>} : memref<128x128xf32, #tpu.memory_space<vmem>>, vector<1x16xf32>,
      %swap3A_135 = vector.shape_cast %swap3A_134 : vector<1x16xf32> to vector<16xf32>
      %swap3A_136 = vector.shape_cast %broadcast_in_dim3A_3 : vector<16xf32> to vector<1x16xf32>
      tpu.vector_store %arg8[%swap3A_132, %swap3A_133], %swap3A_136 {strides = array<i32>} : memref<128x128xf32, #tpu.memory_space<vmem>>, vector<1x16xf32>,
    }
    %scan3A_8 = arith.constant 128 : i32
    %scan3A_9 = arith.constant 0 : i32
    %scan3A_10 = arith.constant 0 : i32
    %scan3A_11 = arith.constant 4 : i32
    %scan3A_12 = arith.addi %scan3A_10, %scan3A_11 : i32
    %scan3A_13 = arith.constant 1 : i32
    scf.for %scan3A_97 = %scan3A_10 to %scan3A_12 step %scan3A_13  : i32 {
      %mul3A_98 = arith.constant 128 : i32
      %mul3A_99 = arith.muli %scan3A_97, %mul3A_98 : i32
      %add3A_100 = arith.addi %mul3A_2, %mul3A_99 : i32
      "tpu.region"() ({
        %run_scoped3A_101 = tpu.sem_alloc : memref<!tpu.dma_semaphore, #tpu.memory_space<semaphore_mem>>
        %dma_start3A_102 = arith.constant 0 : i32
        %dma_start3A_103 = tpu.memref_slice %arg10[%add3A_100, %dma_start3A_102] : memref<10112x128xf32, #tpu.memory_space<vmem_shared>> -> memref<128x128xf32, #tpu.memory_space<vmem_shared>>
        %dma_start3A_104 = arith.constant 0 : i32
        %dma_start3A_105 = tpu.memref_slice %arg10[%add3A_100, %dma_start3A_104] : memref<10112x128xf32, #tpu.memory_space<vmem_shared>> -> memref<128x128xf32, #tpu.memory_space<vmem_shared>>
        tpu.enqueue_dma source(%arg8 : memref<128x128xf32, #tpu.memory_space<vmem>>) target(%dma_start3A_105 : memref<128x128xf32, #tpu.memory_space<vmem_shared>>) target_semaphore(%run_scoped3A_101 : memref<!tpu.dma_semaphore, #tpu.memory_space<semaphore_mem>>)
        %dma_wait3A_106 = arith.constant 0 : i32
        %dma_wait3A_107 = tpu.memref_slice %arg10[%add3A_100, %dma_wait3A_106] : memref<10112x128xf32, #tpu.memory_space<vmem_shared>> -> memref<128x128xf32, #tpu.memory_space<vmem_shared>>
        %dma_wait3A_108 = arith.constant 0 : i32
        %dma_wait3A_109 = tpu.memref_slice %arg10[%add3A_100, %dma_wait3A_108] : memref<10112x128xf32, #tpu.memory_space<vmem_shared>> -> memref<128x128xf32, #tpu.memory_space<vmem_shared>>
        tpu.wait_dma2 semaphore(%run_scoped3A_101 : memref<!tpu.dma_semaphore, #tpu.memory_space<semaphore_mem>>) src(%arg8 : memref<128x128xf32, #tpu.memory_space<vmem>>) dst(%dma_wait3A_109 : memref<128x128xf32, #tpu.memory_space<vmem_shared>>)
        tpu.yield
      }) : () -> ()
    }
    %scan3A_14 = arith.constant 4 : i32
    %add3A_15 = arith.constant 512 : i32
    %add3A_16 = arith.addi %mul3A_2, %add3A_15 : i32
    "tpu.region"() ({
      %run_scoped3A_97 = tpu.sem_alloc : memref<!tpu.dma_semaphore, #tpu.memory_space<semaphore_mem>>
      %dma_start3A_98 = arith.constant 0 : i32
      %dma_start3A_99 = arith.constant 0 : i32
      %dma_start3A_100 = tpu.memref_slice %arg8[%dma_start3A_98, %dma_start3A_99] : memref<128x128xf32, #tpu.memory_space<vmem>> -> memref<120x128xf32, #tpu.memory_space<vmem>>
      %dma_start3A_101 = arith.constant 0 : i32
      %dma_start3A_102 = tpu.memref_slice %arg10[%add3A_16, %dma_start3A_101] : memref<10112x128xf32, #tpu.memory_space<vmem_shared>> -> memref<120x128xf32, #tpu.memory_space<vmem_shared>>
      %dma_start3A_103 = arith.constant 0 : i32
      %dma_start3A_104 = tpu.memref_slice %arg10[%add3A_16, %dma_start3A_103] : memref<10112x128xf32, #tpu.memory_space<vmem_shared>> -> memref<120x128xf32, #tpu.memory_space<vmem_shared>>
      %dma_start3A_105 = arith.constant 0 : i32
      %dma_start3A_106 = arith.constant 0 : i32
      %dma_start3A_107 = tpu.memref_slice %arg8[%dma_start3A_105, %dma_start3A_106] : memref<128x128xf32, #tpu.memory_space<vmem>> -> memref<120x128xf32, #tpu.memory_space<vmem>>
      tpu.enqueue_dma source(%dma_start3A_107 : memref<120x128xf32, #tpu.memory_space<vmem>>) target(%dma_start3A_104 : memref<120x128xf32, #tpu.memory_space<vmem_shared>>) target_semaphore(%run_scoped3A_97 : memref<!tpu.dma_semaphore, #tpu.memory_space<semaphore_mem>>)
      %dma_wait3A_108 = arith.constant 0 : i32
      %dma_wait3A_109 = arith.constant 0 : i32
      %dma_wait3A_110 = tpu.memref_slice %arg8[%dma_wait3A_108, %dma_wait3A_109] : memref<128x128xf32, #tpu.memory_space<vmem>> -> memref<120x128xf32, #tpu.memory_space<vmem>>
      %dma_wait3A_111 = arith.constant 0 : i32
      %dma_wait3A_112 = tpu.memref_slice %arg10[%add3A_16, %dma_wait3A_111] : memref<10112x128xf32, #tpu.memory_space<vmem_shared>> -> memref<120x128xf32, #tpu.memory_space<vmem_shared>>
      %dma_wait3A_113 = arith.constant 0 : i32
      %dma_wait3A_114 = tpu.memref_slice %arg10[%add3A_16, %dma_wait3A_113] : memref<10112x128xf32, #tpu.memory_space<vmem_shared>> -> memref<120x128xf32, #tpu.memory_space<vmem_shared>>
      %dma_wait3A_115 = arith.constant 0 : i32
      %dma_wait3A_116 = arith.constant 0 : i32
      %dma_wait3A_117 = tpu.memref_slice %arg8[%dma_wait3A_115, %dma_wait3A_116] : memref<128x128xf32, #tpu.memory_space<vmem>> -> memref<120x128xf32, #tpu.memory_space<vmem>>
      tpu.wait_dma2 semaphore(%run_scoped3A_97 : memref<!tpu.dma_semaphore, #tpu.memory_space<semaphore_mem>>) src(%dma_wait3A_117 : memref<120x128xf32, #tpu.memory_space<vmem>>) dst(%dma_wait3A_114 : memref<120x128xf32, #tpu.memory_space<vmem_shared>>)
      tpu.yield
    }) : () -> ()
    %barrier3A = arith.constant 0 : index
    tpu.barrier barrier_id(%barrier3A)
    %run_scoped3A = arith.constant 0 : i32
    "tpu.region"() ({
      %run_scoped3A_97 = tpu.sem_alloc : memref<!tpu.dma_semaphore, #tpu.memory_space<semaphore_mem>>
      %dma_start3A_98 = arith.constant 0 : i32
      %dma_start3A_99 = arith.constant 0 : i32
      %dma_start3A_100 = tpu.memref_slice %arg3[%add3A, %run_scoped3A, %dma_start3A_98, %dma_start3A_99] : memref<32x2x40x128xi32, #tpu.memory_space<hbm>> -> memref<1x1x40x128xi32, #tpu.memory_space<hbm>>
      %dma_start3A_101 = tpu.memref_squeeze %dma_start3A_100 : memref<1x1x40x128xi32, #tpu.memory_space<hbm>> -> memref<40x128xi32, #tpu.memory_space<hbm>>
      %dma_start3A_102 = arith.constant 0 : i32
      %dma_start3A_103 = arith.constant 0 : i32
      %dma_start3A_104 = tpu.memref_slice %arg3[%add3A, %run_scoped3A, %dma_start3A_102, %dma_start3A_103] : memref<32x2x40x128xi32, #tpu.memory_space<hbm>> -> memref<1x1x40x128xi32, #tpu.memory_space<hbm>>
      %dma_start3A_105 = tpu.memref_squeeze %dma_start3A_104 : memref<1x1x40x128xi32, #tpu.memory_space<hbm>> -> memref<40x128xi32, #tpu.memory_space<hbm>>
      tpu.enqueue_dma source(%dma_start3A_105 : memref<40x128xi32, #tpu.memory_space<hbm>>) target(%arg6 : memref<40x128xi32, #tpu.memory_space<vmem>>) target_semaphore(%run_scoped3A_97 : memref<!tpu.dma_semaphore, #tpu.memory_space<semaphore_mem>>)
      %dma_wait3A_106 = arith.constant 0 : i32
      %dma_wait3A_107 = arith.constant 0 : i32
      %dma_wait3A_108 = tpu.memref_slice %arg3[%add3A, %run_scoped3A, %dma_wait3A_106, %dma_wait3A_107] : memref<32x2x40x128xi32, #tpu.memory_space<hbm>> -> memref<1x1x40x128xi32, #tpu.memory_space<hbm>>
      %dma_wait3A_109 = tpu.memref_squeeze %dma_wait3A_108 : memref<1x1x40x128xi32, #tpu.memory_space<hbm>> -> memref<40x128xi32, #tpu.memory_space<hbm>>
      %dma_wait3A_110 = arith.constant 0 : i32
      %dma_wait3A_111 = arith.constant 0 : i32
      %dma_wait3A_112 = tpu.memref_slice %arg3[%add3A, %run_scoped3A, %dma_wait3A_110, %dma_wait3A_111] : memref<32x2x40x128xi32, #tpu.memory_space<hbm>> -> memref<1x1x40x128xi32, #tpu.memory_space<hbm>>
      %dma_wait3A_113 = tpu.memref_squeeze %dma_wait3A_112 : memref<1x1x40x128xi32, #tpu.memory_space<hbm>> -> memref<40x128xi32, #tpu.memory_space<hbm>>
      tpu.wait_dma2 semaphore(%run_scoped3A_97 : memref<!tpu.dma_semaphore, #tpu.memory_space<semaphore_mem>>) src(%dma_wait3A_113 : memref<40x128xi32, #tpu.memory_space<hbm>>) dst(%arg6 : memref<40x128xi32, #tpu.memory_space<vmem>>)
      tpu.yield
    }) : () -> ()
    %run_scoped3A_17 = arith.constant 0 : i32
    "tpu.region"() ({
      %run_scoped3A_97 = tpu.sem_alloc : memref<!tpu.dma_semaphore, #tpu.memory_space<semaphore_mem>>
      %dma_start3A_98 = arith.constant 0 : i32
      %dma_start3A_99 = arith.constant 0 : i32
      %dma_start3A_100 = tpu.memref_slice %arg4[%add3A, %run_scoped3A_17, %dma_start3A_98, %dma_start3A_99] : memref<32x2x40x128xi32, #tpu.memory_space<hbm>> -> memref<1x1x40x128xi32, #tpu.memory_space<hbm>>
      %dma_start3A_101 = tpu.memref_squeeze %dma_start3A_100 : memref<1x1x40x128xi32, #tpu.memory_space<hbm>> -> memref<40x128xi32, #tpu.memory_space<hbm>>
      %dma_start3A_102 = arith.constant 0 : i32
      %dma_start3A_103 = arith.constant 0 : i32
      %dma_start3A_104 = tpu.memref_slice %arg4[%add3A, %run_scoped3A_17, %dma_start3A_102, %dma_start3A_103] : memref<32x2x40x128xi32, #tpu.memory_space<hbm>> -> memref<1x1x40x128xi32, #tpu.memory_space<hbm>>
      %dma_start3A_105 = tpu.memref_squeeze %dma_start3A_104 : memref<1x1x40x128xi32, #tpu.memory_space<hbm>> -> memref<40x128xi32, #tpu.memory_space<hbm>>
      tpu.enqueue_dma source(%dma_start3A_105 : memref<40x128xi32, #tpu.memory_space<hbm>>) target(%arg7 : memref<40x128xi32, #tpu.memory_space<vmem>>) target_semaphore(%run_scoped3A_97 : memref<!tpu.dma_semaphore, #tpu.memory_space<semaphore_mem>>)
      %dma_wait3A_106 = arith.constant 0 : i32
      %dma_wait3A_107 = arith.constant 0 : i32
      %dma_wait3A_108 = tpu.memref_slice %arg4[%add3A, %run_scoped3A_17, %dma_wait3A_106, %dma_wait3A_107] : memref<32x2x40x128xi32, #tpu.memory_space<hbm>> -> memref<1x1x40x128xi32, #tpu.memory_space<hbm>>
      %dma_wait3A_109 = tpu.memref_squeeze %dma_wait3A_108 : memref<1x1x40x128xi32, #tpu.memory_space<hbm>> -> memref<40x128xi32, #tpu.memory_space<hbm>>
      %dma_wait3A_110 = arith.constant 0 : i32
      %dma_wait3A_111 = arith.constant 0 : i32
      %dma_wait3A_112 = tpu.memref_slice %arg4[%add3A, %run_scoped3A_17, %dma_wait3A_110, %dma_wait3A_111] : memref<32x2x40x128xi32, #tpu.memory_space<hbm>> -> memref<1x1x40x128xi32, #tpu.memory_space<hbm>>
      %dma_wait3A_113 = tpu.memref_squeeze %dma_wait3A_112 : memref<1x1x40x128xi32, #tpu.memory_space<hbm>> -> memref<40x128xi32, #tpu.memory_space<hbm>>
      tpu.wait_dma2 semaphore(%run_scoped3A_97 : memref<!tpu.dma_semaphore, #tpu.memory_space<semaphore_mem>>) src(%dma_wait3A_113 : memref<40x128xi32, #tpu.memory_space<hbm>>) dst(%arg7 : memref<40x128xi32, #tpu.memory_space<vmem>>)
      tpu.yield
    }) : () -> ()
    %dma_start3A = arith.constant 0 : i32
    %dma_start3A_18 = arith.constant 0 : i32
    %dma_start3A_19 = tpu.memref_slice %arg6[%dma_start3A, %dma_start3A_18] : memref<40x128xi32, #tpu.memory_space<vmem>> -> memref<1x128xi32, #tpu.memory_space<vmem>>
    %dma_start3A_20 = tpu.memref_squeeze %dma_start3A_19 : memref<1x128xi32, #tpu.memory_space<vmem>> -> memref<128xi32, #tpu.memory_space<vmem>>
    %dma_start3A_21 = arith.constant 0 : i32
    %dma_start3A_22 = arith.constant 0 : i32
    %dma_start3A_23 = tpu.memref_slice %arg2[%dma_start3A_21, %dma_start3A_22] : memref<10000x128xf32, #tpu.memory_space<hbm>> -> memref<10000x128xf32, #tpu.memory_space<hbm>>
    tpu.enqueue_indirect_dma source(%dma_start3A_23 : memref<10000x128xf32, #tpu.memory_space<hbm>>) target(%arg8 : memref<128x128xf32, #tpu.memory_space<vmem>>) offsets(%dma_start3A_20 : memref<128xi32, #tpu.memory_space<vmem>>) semaphore(%arg11 : memref<!tpu.dma_semaphore, #tpu.memory_space<semaphore_mem>>)
    %dma_start3A_24 = arith.constant 1 : i32
    %dma_start3A_25 = arith.constant 0 : i32
    %dma_start3A_26 = tpu.memref_slice %arg6[%dma_start3A_24, %dma_start3A_25] : memref<40x128xi32, #tpu.memory_space<vmem>> -> memref<1x128xi32, #tpu.memory_space<vmem>>
    %dma_start3A_27 = tpu.memref_squeeze %dma_start3A_26 : memref<1x128xi32, #tpu.memory_space<vmem>> -> memref<128xi32, #tpu.memory_space<vmem>>
    %dma_start3A_28 = arith.constant 0 : i32
    %dma_start3A_29 = arith.constant 0 : i32
    %dma_start3A_30 = tpu.memref_slice %arg2[%dma_start3A_28, %dma_start3A_29] : memref<10000x128xf32, #tpu.memory_space<hbm>> -> memref<10000x128xf32, #tpu.memory_space<hbm>>
    tpu.enqueue_indirect_dma source(%dma_start3A_30 : memref<10000x128xf32, #tpu.memory_space<hbm>>) target(%arg9 : memref<128x128xf32, #tpu.memory_space<vmem>>) offsets(%dma_start3A_27 : memref<128xi32, #tpu.memory_space<vmem>>) semaphore(%arg12 : memref<!tpu.dma_semaphore, #tpu.memory_space<semaphore_mem>>)
    %scan3A_31 = arith.constant 0 : i32
    %scan3A_32 = arith.constant 0 : i32
    %scan3A_33 = arith.constant 10 : i32
    %scan3A_34 = arith.addi %scan3A_32, %scan3A_33 : i32
    %scan3A_35 = arith.constant 1 : i32
    scf.for %scan3A_97 = %scan3A_32 to %scan3A_34 step %scan3A_35  : i32 {
      %mul3A_98 = arith.constant 4 : i32
      %mul3A_99 = arith.muli %mul3A_98, %scan3A_97 : i32
      %add3A_100 = arith.constant 0 : i32
      %add3A_101 = arith.addi %mul3A_99, %add3A_100 : i32
      %add3A_102 = arith.constant 0 : i32
      %add3A_103 = arith.addi %add3A_101, %add3A_102 : i32
      %add3A_104 = arith.constant 2 : i32
      %add3A_105 = arith.addi %add3A_103, %add3A_104 : i32
      %min3A = arith.constant 39 : i32
      %min3A_106 = arith.minsi %add3A_105, %min3A : i32
      %dma_wait3A_107 = arith.constant 0 : i32
      %dma_wait3A_108 = tpu.memref_slice %arg6[%add3A_103, %dma_wait3A_107] : memref<40x128xi32, #tpu.memory_space<vmem>> -> memref<1x128xi32, #tpu.memory_space<vmem>>
      %dma_wait3A_109 = tpu.memref_squeeze %dma_wait3A_108 : memref<1x128xi32, #tpu.memory_space<vmem>> -> memref<128xi32, #tpu.memory_space<vmem>>
      %dma_wait3A_110 = arith.constant 0 : i32
      %dma_wait3A_111 = arith.constant 0 : i32
      %dma_wait3A_112 = tpu.memref_slice %arg2[%dma_wait3A_110, %dma_wait3A_111] : memref<10000x128xf32, #tpu.memory_space<hbm>> -> memref<10000x128xf32, #tpu.memory_space<hbm>>
      tpu.wait_indirect_dma semaphore(%arg11 : memref<!tpu.dma_semaphore, #tpu.memory_space<semaphore_mem>>) src(%dma_wait3A_112 : memref<10000x128xf32, #tpu.memory_space<hbm>>) dst(%arg8 : memref<128x128xf32, #tpu.memory_space<vmem>>)
      "tpu.region"() ({
        %run_scoped3A_179 = tpu.sem_alloc : memref<!tpu.dma_semaphore, #tpu.memory_space<semaphore_mem>>
        %dma_start3A_180 = arith.constant 0 : i32
        %dma_start3A_181 = tpu.memref_slice %arg7[%add3A_103, %dma_start3A_180] : memref<40x128xi32, #tpu.memory_space<vmem>> -> memref<1x128xi32, #tpu.memory_space<vmem>>
        %dma_start3A_182 = tpu.memref_squeeze %dma_start3A_181 : memref<1x128xi32, #tpu.memory_space<vmem>> -> memref<128xi32, #tpu.memory_space<vmem>>
        %dma_start3A_183 = arith.constant 0 : i32
        %dma_start3A_184 = arith.constant 0 : i32
        %dma_start3A_185 = tpu.memref_slice %arg10[%dma_start3A_183, %dma_start3A_184] : memref<10112x128xf32, #tpu.memory_space<vmem_shared>> -> memref<10112x128xf32, #tpu.memory_space<vmem_shared>>
        tpu.enqueue_indirect_dma source(%arg8 : memref<128x128xf32, #tpu.memory_space<vmem>>) target(%dma_start3A_185 : memref<10112x128xf32, #tpu.memory_space<vmem_shared>>) offsets(%dma_start3A_182 : memref<128xi32, #tpu.memory_space<vmem>>) semaphore(%run_scoped3A_179 : memref<!tpu.dma_semaphore, #tpu.memory_space<semaphore_mem>>) {add = true}
        %dma_wait3A_186 = arith.constant 0 : i32
        %dma_wait3A_187 = tpu.memref_slice %arg7[%add3A_103, %dma_wait3A_186] : memref<40x128xi32, #tpu.memory_space<vmem>> -> memref<1x128xi32, #tpu.memory_space<vmem>>
        %dma_wait3A_188 = tpu.memref_squeeze %dma_wait3A_187 : memref<1x128xi32, #tpu.memory_space<vmem>> -> memref<128xi32, #tpu.memory_space<vmem>>
        %dma_wait3A_189 = arith.constant 0 : i32
        %dma_wait3A_190 = arith.constant 0 : i32
        %dma_wait3A_191 = tpu.memref_slice %arg10[%dma_wait3A_189, %dma_wait3A_190] : memref<10112x128xf32, #tpu.memory_space<vmem_shared>> -> memref<10112x128xf32, #tpu.memory_space<vmem_shared>>
        tpu.wait_indirect_dma semaphore(%run_scoped3A_179 : memref<!tpu.dma_semaphore, #tpu.memory_space<semaphore_mem>>) src(%arg8 : memref<128x128xf32, #tpu.memory_space<vmem>>) dst(%dma_wait3A_191 : memref<10112x128xf32, #tpu.memory_space<vmem_shared>>)
        tpu.yield
      }) : () -> ()
      %dma_start3A_113 = arith.constant 0 : i32
      %dma_start3A_114 = tpu.memref_slice %arg6[%min3A_106, %dma_start3A_113] : memref<40x128xi32, #tpu.memory_space<vmem>> -> memref<1x128xi32, #tpu.memory_space<vmem>>
      %dma_start3A_115 = tpu.memref_squeeze %dma_start3A_114 : memref<1x128xi32, #tpu.memory_space<vmem>> -> memref<128xi32, #tpu.memory_space<vmem>>
      %dma_start3A_116 = arith.constant 0 : i32
      %dma_start3A_117 = arith.constant 0 : i32
      %dma_start3A_118 = tpu.memref_slice %arg2[%dma_start3A_116, %dma_start3A_117] : memref<10000x128xf32, #tpu.memory_space<hbm>> -> memref<10000x128xf32, #tpu.memory_space<hbm>>
      tpu.enqueue_indirect_dma source(%dma_start3A_118 : memref<10000x128xf32, #tpu.memory_space<hbm>>) target(%arg8 : memref<128x128xf32, #tpu.memory_space<vmem>>) offsets(%dma_start3A_115 : memref<128xi32, #tpu.memory_space<vmem>>) semaphore(%arg11 : memref<!tpu.dma_semaphore, #tpu.memory_space<semaphore_mem>>)
      %add3A_119 = arith.constant 0 : i32
      %add3A_120 = arith.addi %mul3A_99, %add3A_119 : i32
      %add3A_121 = arith.constant 1 : i32
      %add3A_122 = arith.addi %add3A_120, %add3A_121 : i32
      %add3A_123 = arith.constant 2 : i32
      %add3A_124 = arith.addi %add3A_122, %add3A_123 : i32
      %min3A_125 = arith.constant 39 : i32
      %min3A_126 = arith.minsi %add3A_124, %min3A_125 : i32
      %dma_wait3A_127 = arith.constant 0 : i32
      %dma_wait3A_128 = tpu.memref_slice %arg6[%add3A_122, %dma_wait3A_127] : memref<40x128xi32, #tpu.memory_space<vmem>> -> memref<1x128xi32, #tpu.memory_space<vmem>>
      %dma_wait3A_129 = tpu.memref_squeeze %dma_wait3A_128 : memref<1x128xi32, #tpu.memory_space<vmem>> -> memref<128xi32, #tpu.memory_space<vmem>>
      %dma_wait3A_130 = arith.constant 0 : i32
      %dma_wait3A_131 = arith.constant 0 : i32
      %dma_wait3A_132 = tpu.memref_slice %arg2[%dma_wait3A_130, %dma_wait3A_131] : memref<10000x128xf32, #tpu.memory_space<hbm>> -> memref<10000x128xf32, #tpu.memory_space<hbm>>
      tpu.wait_indirect_dma semaphore(%arg12 : memref<!tpu.dma_semaphore, #tpu.memory_space<semaphore_mem>>) src(%dma_wait3A_132 : memref<10000x128xf32, #tpu.memory_space<hbm>>) dst(%arg9 : memref<128x128xf32, #tpu.memory_space<vmem>>)
      "tpu.region"() ({
        %run_scoped3A_179 = tpu.sem_alloc : memref<!tpu.dma_semaphore, #tpu.memory_space<semaphore_mem>>
        %dma_start3A_180 = arith.constant 0 : i32
        %dma_start3A_181 = tpu.memref_slice %arg7[%add3A_122, %dma_start3A_180] : memref<40x128xi32, #tpu.memory_space<vmem>> -> memref<1x128xi32, #tpu.memory_space<vmem>>
        %dma_start3A_182 = tpu.memref_squeeze %dma_start3A_181 : memref<1x128xi32, #tpu.memory_space<vmem>> -> memref<128xi32, #tpu.memory_space<vmem>>
        %dma_start3A_183 = arith.constant 0 : i32
        %dma_start3A_184 = arith.constant 0 : i32
        %dma_start3A_185 = tpu.memref_slice %arg10[%dma_start3A_183, %dma_start3A_184] : memref<10112x128xf32, #tpu.memory_space<vmem_shared>> -> memref<10112x128xf32, #tpu.memory_space<vmem_shared>>
        tpu.enqueue_indirect_dma source(%arg9 : memref<128x128xf32, #tpu.memory_space<vmem>>) target(%dma_start3A_185 : memref<10112x128xf32, #tpu.memory_space<vmem_shared>>) offsets(%dma_start3A_182 : memref<128xi32, #tpu.memory_space<vmem>>) semaphore(%run_scoped3A_179 : memref<!tpu.dma_semaphore, #tpu.memory_space<semaphore_mem>>) {add = true}
        %dma_wait3A_186 = arith.constant 0 : i32
        %dma_wait3A_187 = tpu.memref_slice %arg7[%add3A_122, %dma_wait3A_186] : memref<40x128xi32, #tpu.memory_space<vmem>> -> memref<1x128xi32, #tpu.memory_space<vmem>>
        %dma_wait3A_188 = tpu.memref_squeeze %dma_wait3A_187 : memref<1x128xi32, #tpu.memory_space<vmem>> -> memref<128xi32, #tpu.memory_space<vmem>>
        %dma_wait3A_189 = arith.constant 0 : i32
        %dma_wait3A_190 = arith.constant 0 : i32
        %dma_wait3A_191 = tpu.memref_slice %arg10[%dma_wait3A_189, %dma_wait3A_190] : memref<10112x128xf32, #tpu.memory_space<vmem_shared>> -> memref<10112x128xf32, #tpu.memory_space<vmem_shared>>
        tpu.wait_indirect_dma semaphore(%run_scoped3A_179 : memref<!tpu.dma_semaphore, #tpu.memory_space<semaphore_mem>>) src(%arg9 : memref<128x128xf32, #tpu.memory_space<vmem>>) dst(%dma_wait3A_191 : memref<10112x128xf32, #tpu.memory_space<vmem_shared>>)
        tpu.yield
      }) : () -> ()
      %dma_start3A_133 = arith.constant 0 : i32
      %dma_start3A_134 = tpu.memref_slice %arg6[%min3A_126, %dma_start3A_133] : memref<40x128xi32, #tpu.memory_space<vmem>> -> memref<1x128xi32, #tpu.memory_space<vmem>>
      %dma_start3A_135 = tpu.memref_squeeze %dma_start3A_134 : memref<1x128xi32, #tpu.memory_space<vmem>> -> memref<128xi32, #tpu.memory_space<vmem>>
      %dma_start3A_136 = arith.constant 0 : i32
      %dma_start3A_137 = arith.constant 0 : i32
      %dma_start3A_138 = tpu.memref_slice %arg2[%dma_start3A_136, %dma_start3A_137] : memref<10000x128xf32, #tpu.memory_space<hbm>> -> memref<10000x128xf32, #tpu.memory_space<hbm>>
      tpu.enqueue_indirect_dma source(%dma_start3A_138 : memref<10000x128xf32, #tpu.memory_space<hbm>>) target(%arg9 : memref<128x128xf32, #tpu.memory_space<vmem>>) offsets(%dma_start3A_135 : memref<128xi32, #tpu.memory_space<vmem>>) semaphore(%arg12 : memref<!tpu.dma_semaphore, #tpu.memory_space<semaphore_mem>>)
      %add3A_139 = arith.constant 2 : i32
      %add3A_140 = arith.addi %mul3A_99, %add3A_139 : i32
      %add3A_141 = arith.constant 0 : i32
      %add3A_142 = arith.addi %add3A_140, %add3A_141 : i32
      %add3A_143 = arith.constant 2 : i32
      %add3A_144 = arith.addi %add3A_142, %add3A_143 : i32
      %min3A_145 = arith.constant 39 : i32
      %min3A_146 = arith.minsi %add3A_144, %min3A_145 : i32
      %dma_wait3A_147 = arith.constant 0 : i32
      %dma_wait3A_148 = tpu.memref_slice %arg6[%add3A_142, %dma_wait3A_147] : memref<40x128xi32, #tpu.memory_space<vmem>> -> memref<1x128xi32, #tpu.memory_space<vmem>>
      %dma_wait3A_149 = tpu.memref_squeeze %dma_wait3A_148 : memref<1x128xi32, #tpu.memory_space<vmem>> -> memref<128xi32, #tpu.memory_space<vmem>>
      %dma_wait3A_150 = arith.constant 0 : i32
      %dma_wait3A_151 = arith.constant 0 : i32
      %dma_wait3A_152 = tpu.memref_slice %arg2[%dma_wait3A_150, %dma_wait3A_151] : memref<10000x128xf32, #tpu.memory_space<hbm>> -> memref<10000x128xf32, #tpu.memory_space<hbm>>
      tpu.wait_indirect_dma semaphore(%arg11 : memref<!tpu.dma_semaphore, #tpu.memory_space<semaphore_mem>>) src(%dma_wait3A_152 : memref<10000x128xf32, #tpu.memory_space<hbm>>) dst(%arg8 : memref<128x128xf32, #tpu.memory_space<vmem>>)
      "tpu.region"() ({
        %run_scoped3A_179 = tpu.sem_alloc : memref<!tpu.dma_semaphore, #tpu.memory_space<semaphore_mem>>
        %dma_start3A_180 = arith.constant 0 : i32
        %dma_start3A_181 = tpu.memref_slice %arg7[%add3A_142, %dma_start3A_180] : memref<40x128xi32, #tpu.memory_space<vmem>> -> memref<1x128xi32, #tpu.memory_space<vmem>>
        %dma_start3A_182 = tpu.memref_squeeze %dma_start3A_181 : memref<1x128xi32, #tpu.memory_space<vmem>> -> memref<128xi32, #tpu.memory_space<vmem>>
        %dma_start3A_183 = arith.constant 0 : i32
        %dma_start3A_184 = arith.constant 0 : i32
        %dma_start3A_185 = tpu.memref_slice %arg10[%dma_start3A_183, %dma_start3A_184] : memref<10112x128xf32, #tpu.memory_space<vmem_shared>> -> memref<10112x128xf32, #tpu.memory_space<vmem_shared>>
        tpu.enqueue_indirect_dma source(%arg8 : memref<128x128xf32, #tpu.memory_space<vmem>>) target(%dma_start3A_185 : memref<10112x128xf32, #tpu.memory_space<vmem_shared>>) offsets(%dma_start3A_182 : memref<128xi32, #tpu.memory_space<vmem>>) semaphore(%run_scoped3A_179 : memref<!tpu.dma_semaphore, #tpu.memory_space<semaphore_mem>>) {add = true}
        %dma_wait3A_186 = arith.constant 0 : i32
        %dma_wait3A_187 = tpu.memref_slice %arg7[%add3A_142, %dma_wait3A_186] : memref<40x128xi32, #tpu.memory_space<vmem>> -> memref<1x128xi32, #tpu.memory_space<vmem>>
        %dma_wait3A_188 = tpu.memref_squeeze %dma_wait3A_187 : memref<1x128xi32, #tpu.memory_space<vmem>> -> memref<128xi32, #tpu.memory_space<vmem>>
        %dma_wait3A_189 = arith.constant 0 : i32
        %dma_wait3A_190 = arith.constant 0 : i32
        %dma_wait3A_191 = tpu.memref_slice %arg10[%dma_wait3A_189, %dma_wait3A_190] : memref<10112x128xf32, #tpu.memory_space<vmem_shared>> -> memref<10112x128xf32, #tpu.memory_space<vmem_shared>>
        tpu.wait_indirect_dma semaphore(%run_scoped3A_179 : memref<!tpu.dma_semaphore, #tpu.memory_space<semaphore_mem>>) src(%arg8 : memref<128x128xf32, #tpu.memory_space<vmem>>) dst(%dma_wait3A_191 : memref<10112x128xf32, #tpu.memory_space<vmem_shared>>)
        tpu.yield
      }) : () -> ()
      %dma_start3A_153 = arith.constant 0 : i32
      %dma_start3A_154 = tpu.memref_slice %arg6[%min3A_146, %dma_start3A_153] : memref<40x128xi32, #tpu.memory_space<vmem>> -> memref<1x128xi32, #tpu.memory_space<vmem>>
      %dma_start3A_155 = tpu.memref_squeeze %dma_start3A_154 : memref<1x128xi32, #tpu.memory_space<vmem>> -> memref<128xi32, #tpu.memory_space<vmem>>
      %dma_start3A_156 = arith.constant 0 : i32
      %dma_start3A_157 = arith.constant 0 : i32
      %dma_start3A_158 = tpu.memref_slice %arg2[%dma_start3A_156, %dma_start3A_157] : memref<10000x128xf32, #tpu.memory_space<hbm>> -> memref<10000x128xf32, #tpu.memory_space<hbm>>
      tpu.enqueue_indirect_dma source(%dma_start3A_158 : memref<10000x128xf32, #tpu.memory_space<hbm>>) target(%arg8 : memref<128x128xf32, #tpu.memory_space<vmem>>) offsets(%dma_start3A_155 : memref<128xi32, #tpu.memory_space<vmem>>) semaphore(%arg11 : memref<!tpu.dma_semaphore, #tpu.memory_space<semaphore_mem>>)
      %add3A_159 = arith.constant 2 : i32
      %add3A_160 = arith.addi %mul3A_99, %add3A_159 : i32
      %add3A_161 = arith.constant 1 : i32
      %add3A_162 = arith.addi %add3A_160, %add3A_161 : i32
      %add3A_163 = arith.constant 2 : i32
      %add3A_164 = arith.addi %add3A_162, %add3A_163 : i32
      %min3A_165 = arith.constant 39 : i32
      %min3A_166 = arith.minsi %add3A_164, %min3A_165 : i32
      %dma_wait3A_167 = arith.constant 0 : i32
      %dma_wait3A_168 = tpu.memref_slice %arg6[%add3A_162, %dma_wait3A_167] : memref<40x128xi32, #tpu.memory_space<vmem>> -> memref<1x128xi32, #tpu.memory_space<vmem>>
      %dma_wait3A_169 = tpu.memref_squeeze %dma_wait3A_168 : memref<1x128xi32, #tpu.memory_space<vmem>> -> memref<128xi32, #tpu.memory_space<vmem>>
      %dma_wait3A_170 = arith.constant 0 : i32
      %dma_wait3A_171 = arith.constant 0 : i32
      %dma_wait3A_172 = tpu.memref_slice %arg2[%dma_wait3A_170, %dma_wait3A_171] : memref<10000x128xf32, #tpu.memory_space<hbm>> -> memref<10000x128xf32, #tpu.memory_space<hbm>>
      tpu.wait_indirect_dma semaphore(%arg12 : memref<!tpu.dma_semaphore, #tpu.memory_space<semaphore_mem>>) src(%dma_wait3A_172 : memref<10000x128xf32, #tpu.memory_space<hbm>>) dst(%arg9 : memref<128x128xf32, #tpu.memory_space<vmem>>)
      "tpu.region"() ({
        %run_scoped3A_179 = tpu.sem_alloc : memref<!tpu.dma_semaphore, #tpu.memory_space<semaphore_mem>>
        %dma_start3A_180 = arith.constant 0 : i32
        %dma_start3A_181 = tpu.memref_slice %arg7[%add3A_162, %dma_start3A_180] : memref<40x128xi32, #tpu.memory_space<vmem>> -> memref<1x128xi32, #tpu.memory_space<vmem>>
        %dma_start3A_182 = tpu.memref_squeeze %dma_start3A_181 : memref<1x128xi32, #tpu.memory_space<vmem>> -> memref<128xi32, #tpu.memory_space<vmem>>
        %dma_start3A_183 = arith.constant 0 : i32
        %dma_start3A_184 = arith.constant 0 : i32
        %dma_start3A_185 = tpu.memref_slice %arg10[%dma_start3A_183, %dma_start3A_184] : memref<10112x128xf32, #tpu.memory_space<vmem_shared>> -> memref<10112x128xf32, #tpu.memory_space<vmem_shared>>
        tpu.enqueue_indirect_dma source(%arg9 : memref<128x128xf32, #tpu.memory_space<vmem>>) target(%dma_start3A_185 : memref<10112x128xf32, #tpu.memory_space<vmem_shared>>) offsets(%dma_start3A_182 : memref<128xi32, #tpu.memory_space<vmem>>) semaphore(%run_scoped3A_179 : memref<!tpu.dma_semaphore, #tpu.memory_space<semaphore_mem>>) {add = true}
        %dma_wait3A_186 = arith.constant 0 : i32
        %dma_wait3A_187 = tpu.memref_slice %arg7[%add3A_162, %dma_wait3A_186] : memref<40x128xi32, #tpu.memory_space<vmem>> -> memref<1x128xi32, #tpu.memory_space<vmem>>
        %dma_wait3A_188 = tpu.memref_squeeze %dma_wait3A_187 : memref<1x128xi32, #tpu.memory_space<vmem>> -> memref<128xi32, #tpu.memory_space<vmem>>
        %dma_wait3A_189 = arith.constant 0 : i32
        %dma_wait3A_190 = arith.constant 0 : i32
        %dma_wait3A_191 = tpu.memref_slice %arg10[%dma_wait3A_189, %dma_wait3A_190] : memref<10112x128xf32, #tpu.memory_space<vmem_shared>> -> memref<10112x128xf32, #tpu.memory_space<vmem_shared>>
        tpu.wait_indirect_dma semaphore(%run_scoped3A_179 : memref<!tpu.dma_semaphore, #tpu.memory_space<semaphore_mem>>) src(%arg9 : memref<128x128xf32, #tpu.memory_space<vmem>>) dst(%dma_wait3A_191 : memref<10112x128xf32, #tpu.memory_space<vmem_shared>>)
        tpu.yield
      }) : () -> ()
      %dma_start3A_173 = arith.constant 0 : i32
      %dma_start3A_174 = tpu.memref_slice %arg6[%min3A_166, %dma_start3A_173] : memref<40x128xi32, #tpu.memory_space<vmem>> -> memref<1x128xi32, #tpu.memory_space<vmem>>
      %dma_start3A_175 = tpu.memref_squeeze %dma_start3A_174 : memref<1x128xi32, #tpu.memory_space<vmem>> -> memref<128xi32, #tpu.memory_space<vmem>>
      %dma_start3A_176 = arith.constant 0 : i32
      %dma_start3A_177 = arith.constant 0 : i32
      %dma_start3A_178 = tpu.memref_slice %arg2[%dma_start3A_176, %dma_start3A_177] : memref<10000x128xf32, #tpu.memory_space<hbm>> -> memref<10000x128xf32, #tpu.memory_space<hbm>>
      tpu.enqueue_indirect_dma source(%dma_start3A_178 : memref<10000x128xf32, #tpu.memory_space<hbm>>) target(%arg9 : memref<128x128xf32, #tpu.memory_space<vmem>>) offsets(%dma_start3A_175 : memref<128xi32, #tpu.memory_space<vmem>>) semaphore(%arg12 : memref<!tpu.dma_semaphore, #tpu.memory_space<semaphore_mem>>)
    }
    %scan3A_36 = arith.constant 10 : i32
    %dma_wait3A = arith.constant 39 : i32
    %dma_wait3A_37 = arith.constant 0 : i32
    %dma_wait3A_38 = tpu.memref_slice %arg6[%dma_wait3A, %dma_wait3A_37] : memref<40x128xi32, #tpu.memory_space<vmem>> -> memref<1x128xi32, #tpu.memory_space<vmem>>
    %dma_wait3A_39 = tpu.memref_squeeze %dma_wait3A_38 : memref<1x128xi32, #tpu.memory_space<vmem>> -> memref<128xi32, #tpu.memory_space<vmem>>
    %dma_wait3A_40 = arith.constant 0 : i32
    %dma_wait3A_41 = arith.constant 0 : i32
    %dma_wait3A_42 = tpu.memref_slice %arg2[%dma_wait3A_40, %dma_wait3A_41] : memref<10000x128xf32, #tpu.memory_space<hbm>> -> memref<10000x128xf32, #tpu.memory_space<hbm>>
    tpu.wait_indirect_dma semaphore(%arg11 : memref<!tpu.dma_semaphore, #tpu.memory_space<semaphore_mem>>) src(%dma_wait3A_42 : memref<10000x128xf32, #tpu.memory_space<hbm>>) dst(%arg8 : memref<128x128xf32, #tpu.memory_space<vmem>>)
    %dma_wait3A_43 = arith.constant 39 : i32
    %dma_wait3A_44 = arith.constant 0 : i32
    %dma_wait3A_45 = tpu.memref_slice %arg6[%dma_wait3A_43, %dma_wait3A_44] : memref<40x128xi32, #tpu.memory_space<vmem>> -> memref<1x128xi32, #tpu.memory_space<vmem>>
    %dma_wait3A_46 = tpu.memref_squeeze %dma_wait3A_45 : memref<1x128xi32, #tpu.memory_space<vmem>> -> memref<128xi32, #tpu.memory_space<vmem>>
    %dma_wait3A_47 = arith.constant 0 : i32
    %dma_wait3A_48 = arith.constant 0 : i32
    %dma_wait3A_49 = tpu.memref_slice %arg2[%dma_wait3A_47, %dma_wait3A_48] : memref<10000x128xf32, #tpu.memory_space<hbm>> -> memref<10000x128xf32, #tpu.memory_space<hbm>>
    tpu.wait_indirect_dma semaphore(%arg12 : memref<!tpu.dma_semaphore, #tpu.memory_space<semaphore_mem>>) src(%dma_wait3A_49 : memref<10000x128xf32, #tpu.memory_space<hbm>>) dst(%arg9 : memref<128x128xf32, #tpu.memory_space<vmem>>)
    %run_scoped3A_50 = arith.constant 1 : i32
    "tpu.region"() ({
      %run_scoped3A_97 = tpu.sem_alloc : memref<!tpu.dma_semaphore, #tpu.memory_space<semaphore_mem>>
      %dma_start3A_98 = arith.constant 0 : i32
      %dma_start3A_99 = arith.constant 0 : i32
      %dma_start3A_100 = tpu.memref_slice %arg3[%add3A, %run_scoped3A_50, %dma_start3A_98, %dma_start3A_99] : memref<32x2x40x128xi32, #tpu.memory_space<hbm>> -> memref<1x1x40x128xi32, #tpu.memory_space<hbm>>
      %dma_start3A_101 = tpu.memref_squeeze %dma_start3A_100 : memref<1x1x40x128xi32, #tpu.memory_space<hbm>> -> memref<40x128xi32, #tpu.memory_space<hbm>>
      %dma_start3A_102 = arith.constant 0 : i32
      %dma_start3A_103 = arith.constant 0 : i32
      %dma_start3A_104 = tpu.memref_slice %arg3[%add3A, %run_scoped3A_50, %dma_start3A_102, %dma_start3A_103] : memref<32x2x40x128xi32, #tpu.memory_space<hbm>> -> memref<1x1x40x128xi32, #tpu.memory_space<hbm>>
      %dma_start3A_105 = tpu.memref_squeeze %dma_start3A_104 : memref<1x1x40x128xi32, #tpu.memory_space<hbm>> -> memref<40x128xi32, #tpu.memory_space<hbm>>
      tpu.enqueue_dma source(%dma_start3A_105 : memref<40x128xi32, #tpu.memory_space<hbm>>) target(%arg6 : memref<40x128xi32, #tpu.memory_space<vmem>>) target_semaphore(%run_scoped3A_97 : memref<!tpu.dma_semaphore, #tpu.memory_space<semaphore_mem>>)
      %dma_wait3A_106 = arith.constant 0 : i32
      %dma_wait3A_107 = arith.constant 0 : i32
      %dma_wait3A_108 = tpu.memref_slice %arg3[%add3A, %run_scoped3A_50, %dma_wait3A_106, %dma_wait3A_107] : memref<32x2x40x128xi32, #tpu.memory_space<hbm>> -> memref<1x1x40x128xi32, #tpu.memory_space<hbm>>
      %dma_wait3A_109 = tpu.memref_squeeze %dma_wait3A_108 : memref<1x1x40x128xi32, #tpu.memory_space<hbm>> -> memref<40x128xi32, #tpu.memory_space<hbm>>
      %dma_wait3A_110 = arith.constant 0 : i32
      %dma_wait3A_111 = arith.constant 0 : i32
      %dma_wait3A_112 = tpu.memref_slice %arg3[%add3A, %run_scoped3A_50, %dma_wait3A_110, %dma_wait3A_111] : memref<32x2x40x128xi32, #tpu.memory_space<hbm>> -> memref<1x1x40x128xi32, #tpu.memory_space<hbm>>
      %dma_wait3A_113 = tpu.memref_squeeze %dma_wait3A_112 : memref<1x1x40x128xi32, #tpu.memory_space<hbm>> -> memref<40x128xi32, #tpu.memory_space<hbm>>
      tpu.wait_dma2 semaphore(%run_scoped3A_97 : memref<!tpu.dma_semaphore, #tpu.memory_space<semaphore_mem>>) src(%dma_wait3A_113 : memref<40x128xi32, #tpu.memory_space<hbm>>) dst(%arg6 : memref<40x128xi32, #tpu.memory_space<vmem>>)
      tpu.yield
    }) : () -> ()
    %run_scoped3A_51 = arith.constant 1 : i32
    "tpu.region"() ({
      %run_scoped3A_97 = tpu.sem_alloc : memref<!tpu.dma_semaphore, #tpu.memory_space<semaphore_mem>>
      %dma_start3A_98 = arith.constant 0 : i32
      %dma_start3A_99 = arith.constant 0 : i32
      %dma_start3A_100 = tpu.memref_slice %arg4[%add3A, %run_scoped3A_51, %dma_start3A_98, %dma_start3A_99] : memref<32x2x40x128xi32, #tpu.memory_space<hbm>> -> memref<1x1x40x128xi32, #tpu.memory_space<hbm>>
      %dma_start3A_101 = tpu.memref_squeeze %dma_start3A_100 : memref<1x1x40x128xi32, #tpu.memory_space<hbm>> -> memref<40x128xi32, #tpu.memory_space<hbm>>
      %dma_start3A_102 = arith.constant 0 : i32
      %dma_start3A_103 = arith.constant 0 : i32
      %dma_start3A_104 = tpu.memref_slice %arg4[%add3A, %run_scoped3A_51, %dma_start3A_102, %dma_start3A_103] : memref<32x2x40x128xi32, #tpu.memory_space<hbm>> -> memref<1x1x40x128xi32, #tpu.memory_space<hbm>>
      %dma_start3A_105 = tpu.memref_squeeze %dma_start3A_104 : memref<1x1x40x128xi32, #tpu.memory_space<hbm>> -> memref<40x128xi32, #tpu.memory_space<hbm>>
      tpu.enqueue_dma source(%dma_start3A_105 : memref<40x128xi32, #tpu.memory_space<hbm>>) target(%arg7 : memref<40x128xi32, #tpu.memory_space<vmem>>) target_semaphore(%run_scoped3A_97 : memref<!tpu.dma_semaphore, #tpu.memory_space<semaphore_mem>>)
      %dma_wait3A_106 = arith.constant 0 : i32
      %dma_wait3A_107 = arith.constant 0 : i32
      %dma_wait3A_108 = tpu.memref_slice %arg4[%add3A, %run_scoped3A_51, %dma_wait3A_106, %dma_wait3A_107] : memref<32x2x40x128xi32, #tpu.memory_space<hbm>> -> memref<1x1x40x128xi32, #tpu.memory_space<hbm>>
      %dma_wait3A_109 = tpu.memref_squeeze %dma_wait3A_108 : memref<1x1x40x128xi32, #tpu.memory_space<hbm>> -> memref<40x128xi32, #tpu.memory_space<hbm>>
      %dma_wait3A_110 = arith.constant 0 : i32
      %dma_wait3A_111 = arith.constant 0 : i32
      %dma_wait3A_112 = tpu.memref_slice %arg4[%add3A, %run_scoped3A_51, %dma_wait3A_110, %dma_wait3A_111] : memref<32x2x40x128xi32, #tpu.memory_space<hbm>> -> memref<1x1x40x128xi32, #tpu.memory_space<hbm>>
      %dma_wait3A_113 = tpu.memref_squeeze %dma_wait3A_112 : memref<1x1x40x128xi32, #tpu.memory_space<hbm>> -> memref<40x128xi32, #tpu.memory_space<hbm>>
      tpu.wait_dma2 semaphore(%run_scoped3A_97 : memref<!tpu.dma_semaphore, #tpu.memory_space<semaphore_mem>>) src(%dma_wait3A_113 : memref<40x128xi32, #tpu.memory_space<hbm>>) dst(%arg7 : memref<40x128xi32, #tpu.memory_space<vmem>>)
      tpu.yield
    }) : () -> ()
    %dma_start3A_52 = arith.constant 0 : i32
    %dma_start3A_53 = arith.constant 0 : i32
    %dma_start3A_54 = tpu.memref_slice %arg6[%dma_start3A_52, %dma_start3A_53] : memref<40x128xi32, #tpu.memory_space<vmem>> -> memref<1x128xi32, #tpu.memory_space<vmem>>
    %dma_start3A_55 = tpu.memref_squeeze %dma_start3A_54 : memref<1x128xi32, #tpu.memory_space<vmem>> -> memref<128xi32, #tpu.memory_space<vmem>>
    %dma_start3A_56 = arith.constant 0 : i32
    %dma_start3A_57 = arith.constant 0 : i32
    %dma_start3A_58 = tpu.memref_slice %arg2[%dma_start3A_56, %dma_start3A_57] : memref<10000x128xf32, #tpu.memory_space<hbm>> -> memref<10000x128xf32, #tpu.memory_space<hbm>>
    tpu.enqueue_indirect_dma source(%dma_start3A_58 : memref<10000x128xf32, #tpu.memory_space<hbm>>) target(%arg8 : memref<128x128xf32, #tpu.memory_space<vmem>>) offsets(%dma_start3A_55 : memref<128xi32, #tpu.memory_space<vmem>>) semaphore(%arg11 : memref<!tpu.dma_semaphore, #tpu.memory_space<semaphore_mem>>)
    %dma_start3A_59 = arith.constant 1 : i32
    %dma_start3A_60 = arith.constant 0 : i32
    %dma_start3A_61 = tpu.memref_slice %arg6[%dma_start3A_59, %dma_start3A_60] : memref<40x128xi32, #tpu.memory_space<vmem>> -> memref<1x128xi32, #tpu.memory_space<vmem>>
    %dma_start3A_62 = tpu.memref_squeeze %dma_start3A_61 : memref<1x128xi32, #tpu.memory_space<vmem>> -> memref<128xi32, #tpu.memory_space<vmem>>
    %dma_start3A_63 = arith.constant 0 : i32
    %dma_start3A_64 = arith.constant 0 : i32
    %dma_start3A_65 = tpu.memref_slice %arg2[%dma_start3A_63, %dma_start3A_64] : memref<10000x128xf32, #tpu.memory_space<hbm>> -> memref<10000x128xf32, #tpu.memory_space<hbm>>
    tpu.enqueue_indirect_dma source(%dma_start3A_65 : memref<10000x128xf32, #tpu.memory_space<hbm>>) target(%arg9 : memref<128x128xf32, #tpu.memory_space<vmem>>) offsets(%dma_start3A_62 : memref<128xi32, #tpu.memory_space<vmem>>) semaphore(%arg12 : memref<!tpu.dma_semaphore, #tpu.memory_space<semaphore_mem>>)
    %scan3A_66 = arith.constant 0 : i32
    %scan3A_67 = arith.constant 0 : i32
    %scan3A_68 = arith.constant 10 : i32
    %scan3A_69 = arith.addi %scan3A_67, %scan3A_68 : i32
    %scan3A_70 = arith.constant 1 : i32
    scf.for %scan3A_97 = %scan3A_67 to %scan3A_69 step %scan3A_70  : i32 {
      %mul3A_98 = arith.constant 4 : i32
      %mul3A_99 = arith.muli %mul3A_98, %scan3A_97 : i32
      %add3A_100 = arith.constant 0 : i32
      %add3A_101 = arith.addi %mul3A_99, %add3A_100 : i32
      %add3A_102 = arith.constant 0 : i32
      %add3A_103 = arith.addi %add3A_101, %add3A_102 : i32
      %add3A_104 = arith.constant 2 : i32
      %add3A_105 = arith.addi %add3A_103, %add3A_104 : i32
      %min3A = arith.constant 39 : i32
      %min3A_106 = arith.minsi %add3A_105, %min3A : i32
      %dma_wait3A_107 = arith.constant 0 : i32
      %dma_wait3A_108 = tpu.memref_slice %arg6[%add3A_103, %dma_wait3A_107] : memref<40x128xi32, #tpu.memory_space<vmem>> -> memref<1x128xi32, #tpu.memory_space<vmem>>
      %dma_wait3A_109 = tpu.memref_squeeze %dma_wait3A_108 : memref<1x128xi32, #tpu.memory_space<vmem>> -> memref<128xi32, #tpu.memory_space<vmem>>
      %dma_wait3A_110 = arith.constant 0 : i32
      %dma_wait3A_111 = arith.constant 0 : i32
      %dma_wait3A_112 = tpu.memref_slice %arg2[%dma_wait3A_110, %dma_wait3A_111] : memref<10000x128xf32, #tpu.memory_space<hbm>> -> memref<10000x128xf32, #tpu.memory_space<hbm>>
      tpu.wait_indirect_dma semaphore(%arg11 : memref<!tpu.dma_semaphore, #tpu.memory_space<semaphore_mem>>) src(%dma_wait3A_112 : memref<10000x128xf32, #tpu.memory_space<hbm>>) dst(%arg8 : memref<128x128xf32, #tpu.memory_space<vmem>>)
      "tpu.region"() ({
        %run_scoped3A_179 = tpu.sem_alloc : memref<!tpu.dma_semaphore, #tpu.memory_space<semaphore_mem>>
        %dma_start3A_180 = arith.constant 0 : i32
        %dma_start3A_181 = tpu.memref_slice %arg7[%add3A_103, %dma_start3A_180] : memref<40x128xi32, #tpu.memory_space<vmem>> -> memref<1x128xi32, #tpu.memory_space<vmem>>
        %dma_start3A_182 = tpu.memref_squeeze %dma_start3A_181 : memref<1x128xi32, #tpu.memory_space<vmem>> -> memref<128xi32, #tpu.memory_space<vmem>>
        %dma_start3A_183 = arith.constant 0 : i32
        %dma_start3A_184 = arith.constant 0 : i32
        %dma_start3A_185 = tpu.memref_slice %arg10[%dma_start3A_183, %dma_start3A_184] : memref<10112x128xf32, #tpu.memory_space<vmem_shared>> -> memref<10112x128xf32, #tpu.memory_space<vmem_shared>>
        tpu.enqueue_indirect_dma source(%arg8 : memref<128x128xf32, #tpu.memory_space<vmem>>) target(%dma_start3A_185 : memref<10112x128xf32, #tpu.memory_space<vmem_shared>>) offsets(%dma_start3A_182 : memref<128xi32, #tpu.memory_space<vmem>>) semaphore(%run_scoped3A_179 : memref<!tpu.dma_semaphore, #tpu.memory_space<semaphore_mem>>) {add = true}
        %dma_wait3A_186 = arith.constant 0 : i32
        %dma_wait3A_187 = tpu.memref_slice %arg7[%add3A_103, %dma_wait3A_186] : memref<40x128xi32, #tpu.memory_space<vmem>> -> memref<1x128xi32, #tpu.memory_space<vmem>>
        %dma_wait3A_188 = tpu.memref_squeeze %dma_wait3A_187 : memref<1x128xi32, #tpu.memory_space<vmem>> -> memref<128xi32, #tpu.memory_space<vmem>>
        %dma_wait3A_189 = arith.constant 0 : i32
        %dma_wait3A_190 = arith.constant 0 : i32
        %dma_wait3A_191 = tpu.memref_slice %arg10[%dma_wait3A_189, %dma_wait3A_190] : memref<10112x128xf32, #tpu.memory_space<vmem_shared>> -> memref<10112x128xf32, #tpu.memory_space<vmem_shared>>
        tpu.wait_indirect_dma semaphore(%run_scoped3A_179 : memref<!tpu.dma_semaphore, #tpu.memory_space<semaphore_mem>>) src(%arg8 : memref<128x128xf32, #tpu.memory_space<vmem>>) dst(%dma_wait3A_191 : memref<10112x128xf32, #tpu.memory_space<vmem_shared>>)
        tpu.yield
      }) : () -> ()
      %dma_start3A_113 = arith.constant 0 : i32
      %dma_start3A_114 = tpu.memref_slice %arg6[%min3A_106, %dma_start3A_113] : memref<40x128xi32, #tpu.memory_space<vmem>> -> memref<1x128xi32, #tpu.memory_space<vmem>>
      %dma_start3A_115 = tpu.memref_squeeze %dma_start3A_114 : memref<1x128xi32, #tpu.memory_space<vmem>> -> memref<128xi32, #tpu.memory_space<vmem>>
      %dma_start3A_116 = arith.constant 0 : i32
      %dma_start3A_117 = arith.constant 0 : i32
      %dma_start3A_118 = tpu.memref_slice %arg2[%dma_start3A_116, %dma_start3A_117] : memref<10000x128xf32, #tpu.memory_space<hbm>> -> memref<10000x128xf32, #tpu.memory_space<hbm>>
      tpu.enqueue_indirect_dma source(%dma_start3A_118 : memref<10000x128xf32, #tpu.memory_space<hbm>>) target(%arg8 : memref<128x128xf32, #tpu.memory_space<vmem>>) offsets(%dma_start3A_115 : memref<128xi32, #tpu.memory_space<vmem>>) semaphore(%arg11 : memref<!tpu.dma_semaphore, #tpu.memory_space<semaphore_mem>>)
      %add3A_119 = arith.constant 0 : i32
      %add3A_120 = arith.addi %mul3A_99, %add3A_119 : i32
      %add3A_121 = arith.constant 1 : i32
      %add3A_122 = arith.addi %add3A_120, %add3A_121 : i32
      %add3A_123 = arith.constant 2 : i32
      %add3A_124 = arith.addi %add3A_122, %add3A_123 : i32
      %min3A_125 = arith.constant 39 : i32
      %min3A_126 = arith.minsi %add3A_124, %min3A_125 : i32
      %dma_wait3A_127 = arith.constant 0 : i32
      %dma_wait3A_128 = tpu.memref_slice %arg6[%add3A_122, %dma_wait3A_127] : memref<40x128xi32, #tpu.memory_space<vmem>> -> memref<1x128xi32, #tpu.memory_space<vmem>>
      %dma_wait3A_129 = tpu.memref_squeeze %dma_wait3A_128 : memref<1x128xi32, #tpu.memory_space<vmem>> -> memref<128xi32, #tpu.memory_space<vmem>>
      %dma_wait3A_130 = arith.constant 0 : i32
      %dma_wait3A_131 = arith.constant 0 : i32
      %dma_wait3A_132 = tpu.memref_slice %arg2[%dma_wait3A_130, %dma_wait3A_131] : memref<10000x128xf32, #tpu.memory_space<hbm>> -> memref<10000x128xf32, #tpu.memory_space<hbm>>
      tpu.wait_indirect_dma semaphore(%arg12 : memref<!tpu.dma_semaphore, #tpu.memory_space<semaphore_mem>>) src(%dma_wait3A_132 : memref<10000x128xf32, #tpu.memory_space<hbm>>) dst(%arg9 : memref<128x128xf32, #tpu.memory_space<vmem>>)
      "tpu.region"() ({
        %run_scoped3A_179 = tpu.sem_alloc : memref<!tpu.dma_semaphore, #tpu.memory_space<semaphore_mem>>
        %dma_start3A_180 = arith.constant 0 : i32
        %dma_start3A_181 = tpu.memref_slice %arg7[%add3A_122, %dma_start3A_180] : memref<40x128xi32, #tpu.memory_space<vmem>> -> memref<1x128xi32, #tpu.memory_space<vmem>>
        %dma_start3A_182 = tpu.memref_squeeze %dma_start3A_181 : memref<1x128xi32, #tpu.memory_space<vmem>> -> memref<128xi32, #tpu.memory_space<vmem>>
        %dma_start3A_183 = arith.constant 0 : i32
        %dma_start3A_184 = arith.constant 0 : i32
        %dma_start3A_185 = tpu.memref_slice %arg10[%dma_start3A_183, %dma_start3A_184] : memref<10112x128xf32, #tpu.memory_space<vmem_shared>> -> memref<10112x128xf32, #tpu.memory_space<vmem_shared>>
        tpu.enqueue_indirect_dma source(%arg9 : memref<128x128xf32, #tpu.memory_space<vmem>>) target(%dma_start3A_185 : memref<10112x128xf32, #tpu.memory_space<vmem_shared>>) offsets(%dma_start3A_182 : memref<128xi32, #tpu.memory_space<vmem>>) semaphore(%run_scoped3A_179 : memref<!tpu.dma_semaphore, #tpu.memory_space<semaphore_mem>>) {add = true}
        %dma_wait3A_186 = arith.constant 0 : i32
        %dma_wait3A_187 = tpu.memref_slice %arg7[%add3A_122, %dma_wait3A_186] : memref<40x128xi32, #tpu.memory_space<vmem>> -> memref<1x128xi32, #tpu.memory_space<vmem>>
        %dma_wait3A_188 = tpu.memref_squeeze %dma_wait3A_187 : memref<1x128xi32, #tpu.memory_space<vmem>> -> memref<128xi32, #tpu.memory_space<vmem>>
        %dma_wait3A_189 = arith.constant 0 : i32
        %dma_wait3A_190 = arith.constant 0 : i32
        %dma_wait3A_191 = tpu.memref_slice %arg10[%dma_wait3A_189, %dma_wait3A_190] : memref<10112x128xf32, #tpu.memory_space<vmem_shared>> -> memref<10112x128xf32, #tpu.memory_space<vmem_shared>>
        tpu.wait_indirect_dma semaphore(%run_scoped3A_179 : memref<!tpu.dma_semaphore, #tpu.memory_space<semaphore_mem>>) src(%arg9 : memref<128x128xf32, #tpu.memory_space<vmem>>) dst(%dma_wait3A_191 : memref<10112x128xf32, #tpu.memory_space<vmem_shared>>)
        tpu.yield
      }) : () -> ()
      %dma_start3A_133 = arith.constant 0 : i32
      %dma_start3A_134 = tpu.memref_slice %arg6[%min3A_126, %dma_start3A_133] : memref<40x128xi32, #tpu.memory_space<vmem>> -> memref<1x128xi32, #tpu.memory_space<vmem>>
      %dma_start3A_135 = tpu.memref_squeeze %dma_start3A_134 : memref<1x128xi32, #tpu.memory_space<vmem>> -> memref<128xi32, #tpu.memory_space<vmem>>
      %dma_start3A_136 = arith.constant 0 : i32
      %dma_start3A_137 = arith.constant 0 : i32
      %dma_start3A_138 = tpu.memref_slice %arg2[%dma_start3A_136, %dma_start3A_137] : memref<10000x128xf32, #tpu.memory_space<hbm>> -> memref<10000x128xf32, #tpu.memory_space<hbm>>
      tpu.enqueue_indirect_dma source(%dma_start3A_138 : memref<10000x128xf32, #tpu.memory_space<hbm>>) target(%arg9 : memref<128x128xf32, #tpu.memory_space<vmem>>) offsets(%dma_start3A_135 : memref<128xi32, #tpu.memory_space<vmem>>) semaphore(%arg12 : memref<!tpu.dma_semaphore, #tpu.memory_space<semaphore_mem>>)
      %add3A_139 = arith.constant 2 : i32
      %add3A_140 = arith.addi %mul3A_99, %add3A_139 : i32
      %add3A_141 = arith.constant 0 : i32
      %add3A_142 = arith.addi %add3A_140, %add3A_141 : i32
      %add3A_143 = arith.constant 2 : i32
      %add3A_144 = arith.addi %add3A_142, %add3A_143 : i32
      %min3A_145 = arith.constant 39 : i32
      %min3A_146 = arith.minsi %add3A_144, %min3A_145 : i32
      %dma_wait3A_147 = arith.constant 0 : i32
      %dma_wait3A_148 = tpu.memref_slice %arg6[%add3A_142, %dma_wait3A_147] : memref<40x128xi32, #tpu.memory_space<vmem>> -> memref<1x128xi32, #tpu.memory_space<vmem>>
      %dma_wait3A_149 = tpu.memref_squeeze %dma_wait3A_148 : memref<1x128xi32, #tpu.memory_space<vmem>> -> memref<128xi32, #tpu.memory_space<vmem>>
      %dma_wait3A_150 = arith.constant 0 : i32
      %dma_wait3A_151 = arith.constant 0 : i32
      %dma_wait3A_152 = tpu.memref_slice %arg2[%dma_wait3A_150, %dma_wait3A_151] : memref<10000x128xf32, #tpu.memory_space<hbm>> -> memref<10000x128xf32, #tpu.memory_space<hbm>>
      tpu.wait_indirect_dma semaphore(%arg11 : memref<!tpu.dma_semaphore, #tpu.memory_space<semaphore_mem>>) src(%dma_wait3A_152 : memref<10000x128xf32, #tpu.memory_space<hbm>>) dst(%arg8 : memref<128x128xf32, #tpu.memory_space<vmem>>)
      "tpu.region"() ({
        %run_scoped3A_179 = tpu.sem_alloc : memref<!tpu.dma_semaphore, #tpu.memory_space<semaphore_mem>>
        %dma_start3A_180 = arith.constant 0 : i32
        %dma_start3A_181 = tpu.memref_slice %arg7[%add3A_142, %dma_start3A_180] : memref<40x128xi32, #tpu.memory_space<vmem>> -> memref<1x128xi32, #tpu.memory_space<vmem>>
        %dma_start3A_182 = tpu.memref_squeeze %dma_start3A_181 : memref<1x128xi32, #tpu.memory_space<vmem>> -> memref<128xi32, #tpu.memory_space<vmem>>
        %dma_start3A_183 = arith.constant 0 : i32
        %dma_start3A_184 = arith.constant 0 : i32
        %dma_start3A_185 = tpu.memref_slice %arg10[%dma_start3A_183, %dma_start3A_184] : memref<10112x128xf32, #tpu.memory_space<vmem_shared>> -> memref<10112x128xf32, #tpu.memory_space<vmem_shared>>
        tpu.enqueue_indirect_dma source(%arg8 : memref<128x128xf32, #tpu.memory_space<vmem>>) target(%dma_start3A_185 : memref<10112x128xf32, #tpu.memory_space<vmem_shared>>) offsets(%dma_start3A_182 : memref<128xi32, #tpu.memory_space<vmem>>) semaphore(%run_scoped3A_179 : memref<!tpu.dma_semaphore, #tpu.memory_space<semaphore_mem>>) {add = true}
        %dma_wait3A_186 = arith.constant 0 : i32
        %dma_wait3A_187 = tpu.memref_slice %arg7[%add3A_142, %dma_wait3A_186] : memref<40x128xi32, #tpu.memory_space<vmem>> -> memref<1x128xi32, #tpu.memory_space<vmem>>
        %dma_wait3A_188 = tpu.memref_squeeze %dma_wait3A_187 : memref<1x128xi32, #tpu.memory_space<vmem>> -> memref<128xi32, #tpu.memory_space<vmem>>
        %dma_wait3A_189 = arith.constant 0 : i32
        %dma_wait3A_190 = arith.constant 0 : i32
        %dma_wait3A_191 = tpu.memref_slice %arg10[%dma_wait3A_189, %dma_wait3A_190] : memref<10112x128xf32, #tpu.memory_space<vmem_shared>> -> memref<10112x128xf32, #tpu.memory_space<vmem_shared>>
        tpu.wait_indirect_dma semaphore(%run_scoped3A_179 : memref<!tpu.dma_semaphore, #tpu.memory_space<semaphore_mem>>) src(%arg8 : memref<128x128xf32, #tpu.memory_space<vmem>>) dst(%dma_wait3A_191 : memref<10112x128xf32, #tpu.memory_space<vmem_shared>>)
        tpu.yield
      }) : () -> ()
      %dma_start3A_153 = arith.constant 0 : i32
      %dma_start3A_154 = tpu.memref_slice %arg6[%min3A_146, %dma_start3A_153] : memref<40x128xi32, #tpu.memory_space<vmem>> -> memref<1x128xi32, #tpu.memory_space<vmem>>
      %dma_start3A_155 = tpu.memref_squeeze %dma_start3A_154 : memref<1x128xi32, #tpu.memory_space<vmem>> -> memref<128xi32, #tpu.memory_space<vmem>>
      %dma_start3A_156 = arith.constant 0 : i32
      %dma_start3A_157 = arith.constant 0 : i32
      %dma_start3A_158 = tpu.memref_slice %arg2[%dma_start3A_156, %dma_start3A_157] : memref<10000x128xf32, #tpu.memory_space<hbm>> -> memref<10000x128xf32, #tpu.memory_space<hbm>>
      tpu.enqueue_indirect_dma source(%dma_start3A_158 : memref<10000x128xf32, #tpu.memory_space<hbm>>) target(%arg8 : memref<128x128xf32, #tpu.memory_space<vmem>>) offsets(%dma_start3A_155 : memref<128xi32, #tpu.memory_space<vmem>>) semaphore(%arg11 : memref<!tpu.dma_semaphore, #tpu.memory_space<semaphore_mem>>)
      %add3A_159 = arith.constant 2 : i32
      %add3A_160 = arith.addi %mul3A_99, %add3A_159 : i32
      %add3A_161 = arith.constant 1 : i32
      %add3A_162 = arith.addi %add3A_160, %add3A_161 : i32
      %add3A_163 = arith.constant 2 : i32
      %add3A_164 = arith.addi %add3A_162, %add3A_163 : i32
      %min3A_165 = arith.constant 39 : i32
      %min3A_166 = arith.minsi %add3A_164, %min3A_165 : i32
      %dma_wait3A_167 = arith.constant 0 : i32
      %dma_wait3A_168 = tpu.memref_slice %arg6[%add3A_162, %dma_wait3A_167] : memref<40x128xi32, #tpu.memory_space<vmem>> -> memref<1x128xi32, #tpu.memory_space<vmem>>
      %dma_wait3A_169 = tpu.memref_squeeze %dma_wait3A_168 : memref<1x128xi32, #tpu.memory_space<vmem>> -> memref<128xi32, #tpu.memory_space<vmem>>
      %dma_wait3A_170 = arith.constant 0 : i32
      %dma_wait3A_171 = arith.constant 0 : i32
      %dma_wait3A_172 = tpu.memref_slice %arg2[%dma_wait3A_170, %dma_wait3A_171] : memref<10000x128xf32, #tpu.memory_space<hbm>> -> memref<10000x128xf32, #tpu.memory_space<hbm>>
      tpu.wait_indirect_dma semaphore(%arg12 : memref<!tpu.dma_semaphore, #tpu.memory_space<semaphore_mem>>) src(%dma_wait3A_172 : memref<10000x128xf32, #tpu.memory_space<hbm>>) dst(%arg9 : memref<128x128xf32, #tpu.memory_space<vmem>>)
      "tpu.region"() ({
        %run_scoped3A_179 = tpu.sem_alloc : memref<!tpu.dma_semaphore, #tpu.memory_space<semaphore_mem>>
        %dma_start3A_180 = arith.constant 0 : i32
        %dma_start3A_181 = tpu.memref_slice %arg7[%add3A_162, %dma_start3A_180] : memref<40x128xi32, #tpu.memory_space<vmem>> -> memref<1x128xi32, #tpu.memory_space<vmem>>
        %dma_start3A_182 = tpu.memref_squeeze %dma_start3A_181 : memref<1x128xi32, #tpu.memory_space<vmem>> -> memref<128xi32, #tpu.memory_space<vmem>>
        %dma_start3A_183 = arith.constant 0 : i32
        %dma_start3A_184 = arith.constant 0 : i32
        %dma_start3A_185 = tpu.memref_slice %arg10[%dma_start3A_183, %dma_start3A_184] : memref<10112x128xf32, #tpu.memory_space<vmem_shared>> -> memref<10112x128xf32, #tpu.memory_space<vmem_shared>>
        tpu.enqueue_indirect_dma source(%arg9 : memref<128x128xf32, #tpu.memory_space<vmem>>) target(%dma_start3A_185 : memref<10112x128xf32, #tpu.memory_space<vmem_shared>>) offsets(%dma_start3A_182 : memref<128xi32, #tpu.memory_space<vmem>>) semaphore(%run_scoped3A_179 : memref<!tpu.dma_semaphore, #tpu.memory_space<semaphore_mem>>) {add = true}
        %dma_wait3A_186 = arith.constant 0 : i32
        %dma_wait3A_187 = tpu.memref_slice %arg7[%add3A_162, %dma_wait3A_186] : memref<40x128xi32, #tpu.memory_space<vmem>> -> memref<1x128xi32, #tpu.memory_space<vmem>>
        %dma_wait3A_188 = tpu.memref_squeeze %dma_wait3A_187 : memref<1x128xi32, #tpu.memory_space<vmem>> -> memref<128xi32, #tpu.memory_space<vmem>>
        %dma_wait3A_189 = arith.constant 0 : i32
        %dma_wait3A_190 = arith.constant 0 : i32
        %dma_wait3A_191 = tpu.memref_slice %arg10[%dma_wait3A_189, %dma_wait3A_190] : memref<10112x128xf32, #tpu.memory_space<vmem_shared>> -> memref<10112x128xf32, #tpu.memory_space<vmem_shared>>
        tpu.wait_indirect_dma semaphore(%run_scoped3A_179 : memref<!tpu.dma_semaphore, #tpu.memory_space<semaphore_mem>>) src(%arg9 : memref<128x128xf32, #tpu.memory_space<vmem>>) dst(%dma_wait3A_191 : memref<10112x128xf32, #tpu.memory_space<vmem_shared>>)
        tpu.yield
      }) : () -> ()
      %dma_start3A_173 = arith.constant 0 : i32
      %dma_start3A_174 = tpu.memref_slice %arg6[%min3A_166, %dma_start3A_173] : memref<40x128xi32, #tpu.memory_space<vmem>> -> memref<1x128xi32, #tpu.memory_space<vmem>>
      %dma_start3A_175 = tpu.memref_squeeze %dma_start3A_174 : memref<1x128xi32, #tpu.memory_space<vmem>> -> memref<128xi32, #tpu.memory_space<vmem>>
      %dma_start3A_176 = arith.constant 0 : i32
      %dma_start3A_177 = arith.constant 0 : i32
      %dma_start3A_178 = tpu.memref_slice %arg2[%dma_start3A_176, %dma_start3A_177] : memref<10000x128xf32, #tpu.memory_space<hbm>> -> memref<10000x128xf32, #tpu.memory_space<hbm>>
      tpu.enqueue_indirect_dma source(%dma_start3A_178 : memref<10000x128xf32, #tpu.memory_space<hbm>>) target(%arg9 : memref<128x128xf32, #tpu.memory_space<vmem>>) offsets(%dma_start3A_175 : memref<128xi32, #tpu.memory_space<vmem>>) semaphore(%arg12 : memref<!tpu.dma_semaphore, #tpu.memory_space<semaphore_mem>>)
    }
    %scan3A_71 = arith.constant 10 : i32
    %dma_wait3A_72 = arith.constant 39 : i32
    %dma_wait3A_73 = arith.constant 0 : i32
    %dma_wait3A_74 = tpu.memref_slice %arg6[%dma_wait3A_72, %dma_wait3A_73] : memref<40x128xi32, #tpu.memory_space<vmem>> -> memref<1x128xi32, #tpu.memory_space<vmem>>
    %dma_wait3A_75 = tpu.memref_squeeze %dma_wait3A_74 : memref<1x128xi32, #tpu.memory_space<vmem>> -> memref<128xi32, #tpu.memory_space<vmem>>
    %dma_wait3A_76 = arith.constant 0 : i32
    %dma_wait3A_77 = arith.constant 0 : i32
    %dma_wait3A_78 = tpu.memref_slice %arg2[%dma_wait3A_76, %dma_wait3A_77] : memref<10000x128xf32, #tpu.memory_space<hbm>> -> memref<10000x128xf32, #tpu.memory_space<hbm>>
    tpu.wait_indirect_dma semaphore(%arg11 : memref<!tpu.dma_semaphore, #tpu.memory_space<semaphore_mem>>) src(%dma_wait3A_78 : memref<10000x128xf32, #tpu.memory_space<hbm>>) dst(%arg8 : memref<128x128xf32, #tpu.memory_space<vmem>>)
    %dma_wait3A_79 = arith.constant 39 : i32
    %dma_wait3A_80 = arith.constant 0 : i32
    %dma_wait3A_81 = tpu.memref_slice %arg6[%dma_wait3A_79, %dma_wait3A_80] : memref<40x128xi32, #tpu.memory_space<vmem>> -> memref<1x128xi32, #tpu.memory_space<vmem>>
    %dma_wait3A_82 = tpu.memref_squeeze %dma_wait3A_81 : memref<1x128xi32, #tpu.memory_space<vmem>> -> memref<128xi32, #tpu.memory_space<vmem>>
    %dma_wait3A_83 = arith.constant 0 : i32
    %dma_wait3A_84 = arith.constant 0 : i32
    %dma_wait3A_85 = tpu.memref_slice %arg2[%dma_wait3A_83, %dma_wait3A_84] : memref<10000x128xf32, #tpu.memory_space<hbm>> -> memref<10000x128xf32, #tpu.memory_space<hbm>>
    tpu.wait_indirect_dma semaphore(%arg12 : memref<!tpu.dma_semaphore, #tpu.memory_space<semaphore_mem>>) src(%dma_wait3A_85 : memref<10000x128xf32, #tpu.memory_space<hbm>>) dst(%arg9 : memref<128x128xf32, #tpu.memory_space<vmem>>)
    %barrier3A_86 = arith.constant 0 : index
    tpu.barrier barrier_id(%barrier3A_86)
    %scan3A_87 = arith.constant 0 : i32
    %scan3A_88 = arith.constant 0 : i32
    %scan3A_89 = arith.constant 4 : i32
    %scan3A_90 = arith.addi %scan3A_88, %scan3A_89 : i32
    %scan3A_91 = arith.constant 1 : i32
    scf.for %scan3A_97 = %scan3A_88 to %scan3A_90 step %scan3A_91  : i32 {
      %mul3A_98 = arith.constant 128 : i32
      %mul3A_99 = arith.muli %scan3A_97, %mul3A_98 : i32
      %add3A_100 = arith.addi %mul3A_2, %mul3A_99 : i32
      %mul3A_101 = arith.constant 128 : i32
      %mul3A_102 = arith.muli %scan3A_97, %mul3A_101 : i32
      %add3A_103 = arith.addi %mul3A_2, %mul3A_102 : i32
      "tpu.region"() ({
        %run_scoped3A_104 = tpu.sem_alloc : memref<!tpu.dma_semaphore, #tpu.memory_space<semaphore_mem>>
        %dma_start3A_105 = arith.constant 0 : i32
        %dma_start3A_106 = tpu.memref_slice %arg5[%arg0, %add3A_103, %dma_start3A_105] : memref<2x10112x128xf32, #tpu.memory_space<hbm>> -> memref<1x128x128xf32, #tpu.memory_space<hbm>>
        %dma_start3A_107 = tpu.memref_squeeze %dma_start3A_106 : memref<1x128x128xf32, #tpu.memory_space<hbm>> -> memref<128x128xf32, #tpu.memory_space<hbm>>
        %dma_start3A_108 = arith.constant 0 : i32
        %dma_start3A_109 = tpu.memref_slice %arg10[%add3A_100, %dma_start3A_108] : memref<10112x128xf32, #tpu.memory_space<vmem_shared>> -> memref<128x128xf32, #tpu.memory_space<vmem_shared>>
        tpu.enqueue_dma source(%dma_start3A_109 : memref<128x128xf32, #tpu.memory_space<vmem_shared>>) target(%dma_start3A_107 : memref<128x128xf32, #tpu.memory_space<hbm>>) target_semaphore(%run_scoped3A_104 : memref<!tpu.dma_semaphore, #tpu.memory_space<semaphore_mem>>)
        %dma_wait3A_110 = arith.constant 0 : i32
        %dma_wait3A_111 = tpu.memref_slice %arg5[%arg0, %add3A_103, %dma_wait3A_110] : memref<2x10112x128xf32, #tpu.memory_space<hbm>> -> memref<1x128x128xf32, #tpu.memory_space<hbm>>
        %dma_wait3A_112 = tpu.memref_squeeze %dma_wait3A_111 : memref<1x128x128xf32, #tpu.memory_space<hbm>> -> memref<128x128xf32, #tpu.memory_space<hbm>>
        %dma_wait3A_113 = arith.constant 0 : i32
        %dma_wait3A_114 = tpu.memref_slice %arg10[%add3A_100, %dma_wait3A_113] : memref<10112x128xf32, #tpu.memory_space<vmem_shared>> -> memref<128x128xf32, #tpu.memory_space<vmem_shared>>
        tpu.wait_dma2 semaphore(%run_scoped3A_104 : memref<!tpu.dma_semaphore, #tpu.memory_space<semaphore_mem>>) src(%dma_wait3A_114 : memref<128x128xf32, #tpu.memory_space<vmem_shared>>) dst(%dma_wait3A_112 : memref<128x128xf32, #tpu.memory_space<hbm>>)
        tpu.yield
      }) : () -> ()
    }
    %scan3A_92 = arith.constant 4 : i32
    %add3A_93 = arith.constant 512 : i32
    %add3A_94 = arith.addi %mul3A_2, %add3A_93 : i32
    %add3A_95 = arith.constant 512 : i32
    %add3A_96 = arith.addi %mul3A_2, %add3A_95 : i32
    "tpu.region"() ({
      %run_scoped3A_97 = tpu.sem_alloc : memref<!tpu.dma_semaphore, #tpu.memory_space<semaphore_mem>>
      %dma_start3A_98 = arith.constant 0 : i32
      %dma_start3A_99 = tpu.memref_slice %arg5[%arg0, %add3A_96, %dma_start3A_98] : memref<2x10112x128xf32, #tpu.memory_space<hbm>> -> memref<1x120x128xf32, #tpu.memory_space<hbm>>
      %dma_start3A_100 = tpu.memref_squeeze %dma_start3A_99 : memref<1x120x128xf32, #tpu.memory_space<hbm>> -> memref<120x128xf32, #tpu.memory_space<hbm>>
      %dma_start3A_101 = arith.constant 0 : i32
      %dma_start3A_102 = tpu.memref_slice %arg10[%add3A_94, %dma_start3A_101] : memref<10112x128xf32, #tpu.memory_space<vmem_shared>> -> memref<120x128xf32, #tpu.memory_space<vmem_shared>>
      tpu.enqueue_dma source(%dma_start3A_102 : memref<120x128xf32, #tpu.memory_space<vmem_shared>>) target(%dma_start3A_100 : memref<120x128xf32, #tpu.memory_space<hbm>>) target_semaphore(%run_scoped3A_97 : memref<!tpu.dma_semaphore, #tpu.memory_space<semaphore_mem>>)
      %dma_wait3A_103 = arith.constant 0 : i32
      %dma_wait3A_104 = tpu.memref_slice %arg5[%arg0, %add3A_96, %dma_wait3A_103] : memref<2x10112x128xf32, #tpu.memory_space<hbm>> -> memref<1x120x128xf32, #tpu.memory_space<hbm>>
      %dma_wait3A_105 = tpu.memref_squeeze %dma_wait3A_104 : memref<1x120x128xf32, #tpu.memory_space<hbm>> -> memref<120x128xf32, #tpu.memory_space<hbm>>
      %dma_wait3A_106 = arith.constant 0 : i32
      %dma_wait3A_107 = tpu.memref_slice %arg10[%add3A_94, %dma_wait3A_106] : memref<10112x128xf32, #tpu.memory_space<vmem_shared>> -> memref<120x128xf32, #tpu.memory_space<vmem_shared>>
      tpu.wait_dma2 semaphore(%run_scoped3A_97 : memref<!tpu.dma_semaphore, #tpu.memory_space<semaphore_mem>>) src(%dma_wait3A_107 : memref<120x128xf32, #tpu.memory_space<vmem_shared>>) dst(%dma_wait3A_105 : memref<120x128xf32, #tpu.memory_space<hbm>>)
      tpu.yield
    }) : () -> ()
    return
  }
}

#map = affine_map<(d0, d1) -> (0, 0)>
#map1 = affine_map<(d0, d1) -> (0, 0, 0, 0)>
#map2 = affine_map<(d0, d1) -> (0, 0, 0)>
module attributes {stable_mosaic.version = 14 : i64} {
  func.func @body(%arg0: i32, %arg1: i32, %arg2: memref<10000x128xf32, #tpu.memory_space<hbm>>, %arg3: memref<32x2x40x128xi32, #tpu.memory_space<hbm>>, %arg4: memref<32x2x40x128xi32, #tpu.memory_space<hbm>>, %arg5: memref<2x10112x128xf32, #tpu.memory_space<hbm>>, %arg6: memref<40x128xi32, #tpu.memory_space<vmem>>, %arg7: memref<40x128xi32, #tpu.memory_space<vmem>>, %arg8: memref<128x128xf32, #tpu.memory_space<vmem>>, %arg9: memref<128x128xf32, #tpu.memory_space<vmem>>, %arg10: memref<10112x128xf32, #tpu.memory_space<vmem_shared>>, %arg11: memref<!tpu.dma_semaphore, #tpu.memory_space<semaphore_mem>>, %arg12: memref<!tpu.dma_semaphore, #tpu.memory_space<semaphore_mem>>) attributes {dimension_semantics = [#tpu.dimension_semantics<core_parallel>, #tpu.dimension_semantics<subcore_parallel>], iteration_bounds = array<i64: 2, 16>, scalar_prefetch = 0 : i64, scratch_operands = 7 : i64, tpu.core_type = #tpu.core_type<sc_vector_subcore>, window_params = [{transform_indices = #map}, {transform_indices = #map1}, {transform_indices = #map1}, {transform_indices = #map2}]} {
    %mul3A = arith.constant 2 : i32
    %mul3A_0 = arith.muli %arg1, %mul3A : i32
    %add3A = arith.addi %mul3A_0, %arg0 : i32
    %mul3A_1 = arith.constant 632 : i32
    %mul3A_2 = arith.muli %arg1, %mul3A_1 : i32
    %broadcast_in_dim3A = arith.constant 0.000000e+00 : f32
    %broadcast_in_dim3A_3 = vector.broadcast %broadcast_in_dim3A : f32 to vector<16xf32>
    %scan3A = arith.constant 0 : i32
    %scan3A_4 = arith.constant 0 : i32
    %scan3A_5 = arith.constant 128 : i32
    %scan3A_6 = arith.addi %scan3A_4, %scan3A_5 : i32
    %scan3A_7 = arith.constant 1 : i32
    scf.for %scan3A_97 = %scan3A_4 to %scan3A_6 step %scan3A_7  : i32 {
      %swap3A = arith.index_cast %scan3A_97 : i32 to index
      %swap3A_98 = arith.constant 0 : index
      %swap3A_99 = tpu.vector_load %arg8[%swap3A, %swap3A_98] {strides = array<i32>} : memref<128x128xf32, #tpu.memory_space<vmem>>, vector<1x16xf32>,
      %swap3A_100 = vector.shape_cast %swap3A_99 : vector<1x16xf32> to vector<16xf32>
      %swap3A_101 = vector.shape_cast %broadcast_in_dim3A_3 : vector<16xf32> to vector<1x16xf32>
      tpu.vector_store %arg8[%swap3A, %swap3A_98], %swap3A_101 {strides = array<i32>} : memref<128x128xf32, #tpu.memory_space<vmem>>, vector<1x16xf32>,
      %swap3A_102 = arith.index_cast %scan3A_97 : i32 to index
      %swap3A_103 = arith.constant 16 : index
      %swap3A_104 = tpu.vector_load %arg8[%swap3A_102, %swap3A_103] {strides = array<i32>} : memref<128x128xf32, #tpu.memory_space<vmem>>, vector<1x16xf32>,
      %swap3A_105 = vector.shape_cast %swap3A_104 : vector<1x16xf32> to vector<16xf32>
      %swap3A_106 = vector.shape_cast %broadcast_in_dim3A_3 : vector<16xf32> to vector<1x16xf32>
      tpu.vector_store %arg8[%swap3A_102, %swap3A_103], %swap3A_106 {strides = array<i32>} : memref<128x128xf32, #tpu.memory_space<vmem>>, vector<1x16xf32>,
      %swap3A_107 = arith.index_cast %scan3A_97 : i32 to index
      %swap3A_108 = arith.constant 32 : index
      %swap3A_109 = tpu.vector_load %arg8[%swap3A_107, %swap3A_108] {strides = array<i32>} : memref<128x128xf32, #tpu.memory_space<vmem>>, vector<1x16xf32>,
      %swap3A_110 = vector.shape_cast %swap3A_109 : vector<1x16xf32> to vector<16xf32>
      %swap3A_111 = vector.shape_cast %broadcast_in_dim3A_3 : vector<16xf32> to vector<1x16xf32>
      tpu.vector_store %arg8[%swap3A_107, %swap3A_108], %swap3A_111 {strides = array<i32>} : memref<128x128xf32, #tpu.memory_space<vmem>>, vector<1x16xf32>,
      %swap3A_112 = arith.index_cast %scan3A_97 : i32 to index
      %swap3A_113 = arith.constant 48 : index
      %swap3A_114 = tpu.vector_load %arg8[%swap3A_112, %swap3A_113] {strides = array<i32>} : memref<128x128xf32, #tpu.memory_space<vmem>>, vector<1x16xf32>,
      %swap3A_115 = vector.shape_cast %swap3A_114 : vector<1x16xf32> to vector<16xf32>
      %swap3A_116 = vector.shape_cast %broadcast_in_dim3A_3 : vector<16xf32> to vector<1x16xf32>
      tpu.vector_store %arg8[%swap3A_112, %swap3A_113], %swap3A_116 {strides = array<i32>} : memref<128x128xf32, #tpu.memory_space<vmem>>, vector<1x16xf32>,
      %swap3A_117 = arith.index_cast %scan3A_97 : i32 to index
      %swap3A_118 = arith.constant 64 : index
      %swap3A_119 = tpu.vector_load %arg8[%swap3A_117, %swap3A_118] {strides = array<i32>} : memref<128x128xf32, #tpu.memory_space<vmem>>, vector<1x16xf32>,
      %swap3A_120 = vector.shape_cast %swap3A_119 : vector<1x16xf32> to vector<16xf32>
      %swap3A_121 = vector.shape_cast %broadcast_in_dim3A_3 : vector<16xf32> to vector<1x16xf32>
      tpu.vector_store %arg8[%swap3A_117, %swap3A_118], %swap3A_121 {strides = array<i32>} : memref<128x128xf32, #tpu.memory_space<vmem>>, vector<1x16xf32>,
      %swap3A_122 = arith.index_cast %scan3A_97 : i32 to index
      %swap3A_123 = arith.constant 80 : index
      %swap3A_124 = tpu.vector_load %arg8[%swap3A_122, %swap3A_123] {strides = array<i32>} : memref<128x128xf32, #tpu.memory_space<vmem>>, vector<1x16xf32>,
      %swap3A_125 = vector.shape_cast %swap3A_124 : vector<1x16xf32> to vector<16xf32>
      %swap3A_126 = vector.shape_cast %broadcast_in_dim3A_3 : vector<16xf32> to vector<1x16xf32>
      tpu.vector_store %arg8[%swap3A_122, %swap3A_123], %swap3A_126 {strides = array<i32>} : memref<128x128xf32, #tpu.memory_space<vmem>>, vector<1x16xf32>,
      %swap3A_127 = arith.index_cast %scan3A_97 : i32 to index
      %swap3A_128 = arith.constant 96 : index
      %swap3A_129 = tpu.vector_load %arg8[%swap3A_127, %swap3A_128] {strides = array<i32>} : memref<128x128xf32, #tpu.memory_space<vmem>>, vector<1x16xf32>,
      %swap3A_130 = vector.shape_cast %swap3A_129 : vector<1x16xf32> to vector<16xf32>
      %swap3A_131 = vector.shape_cast %broadcast_in_dim3A_3 : vector<16xf32> to vector<1x16xf32>
      tpu.vector_store %arg8[%swap3A_127, %swap3A_128], %swap3A_131 {strides = array<i32>} : memref<128x128xf32, #tpu.memory_space<vmem>>, vector<1x16xf32>,
      %swap3A_132 = arith.index_cast %scan3A_97 : i32 to index
      %swap3A_133 = arith.constant 112 : index
      %swap3A_134 = tpu.vector_load %arg8[%swap3A_132, %swap3A_133] {strides = array<i32>} : memref<128x128xf32, #tpu.memory_space<vmem>>, vector<1x16xf32>,
      %swap3A_135 = vector.shape_cast %swap3A_134 : vector<1x16xf32> to vector<16xf32>
      %swap3A_136 = vector.shape_cast %broadcast_in_dim3A_3 : vector<16xf32> to vector<1x16xf32>
      tpu.vector_store %arg8[%swap3A_132, %swap3A_133], %swap3A_136 {strides = array<i32>} : memref<128x128xf32, #tpu.memory_space<vmem>>, vector<1x16xf32>,
    }
    %scan3A_8 = arith.constant 128 : i32
    %scan3A_9 = arith.constant 0 : i32
    %scan3A_10 = arith.constant 0 : i32
    %scan3A_11 = arith.constant 4 : i32
    %scan3A_12 = arith.addi %scan3A_10, %scan3A_11 : i32
    %scan3A_13 = arith.constant 1 : i32
    scf.for %scan3A_97 = %scan3A_10 to %scan3A_12 step %scan3A_13  : i32 {
      %mul3A_98 = arith.constant 128 : i32
      %mul3A_99 = arith.muli %scan3A_97, %mul3A_98 : i32
      %add3A_100 = arith.addi %mul3A_2, %mul3A_99 : i32
      "tpu.region"() ({
        %run_scoped3A_101 = tpu.sem_alloc : memref<!tpu.dma_semaphore, #tpu.memory_space<semaphore_mem>>
        %dma_start3A_102 = arith.constant 0 : i32
        %dma_start3A_103 = tpu.memref_slice %arg10[%add3A_100, %dma_start3A_102] : memref<10112x128xf32, #tpu.memory_space<vmem_shared>> -> memref<128x128xf32, #tpu.memory_space<vmem_shared>>
        %dma_start3A_104 = arith.constant 0 : i32
        %dma_start3A_105 = tpu.memref_slice %arg10[%add3A_100, %dma_start3A_104] : memref<10112x128xf32, #tpu.memory_space<vmem_shared>> -> memref<128x128xf32, #tpu.memory_space<vmem_shared>>
        tpu.enqueue_dma source(%arg8 : memref<128x128xf32, #tpu.memory_space<vmem>>) target(%dma_start3A_105 : memref<128x128xf32, #tpu.memory_space<vmem_shared>>) target_semaphore(%run_scoped3A_101 : memref<!tpu.dma_semaphore, #tpu.memory_space<semaphore_mem>>)
        %dma_wait3A_106 = arith.constant 0 : i32
        %dma_wait3A_107 = tpu.memref_slice %arg10[%add3A_100, %dma_wait3A_106] : memref<10112x128xf32, #tpu.memory_space<vmem_shared>> -> memref<128x128xf32, #tpu.memory_space<vmem_shared>>
        %dma_wait3A_108 = arith.constant 0 : i32
        %dma_wait3A_109 = tpu.memref_slice %arg10[%add3A_100, %dma_wait3A_108] : memref<10112x128xf32, #tpu.memory_space<vmem_shared>> -> memref<128x128xf32, #tpu.memory_space<vmem_shared>>
        tpu.wait_dma2 semaphore(%run_scoped3A_101 : memref<!tpu.dma_semaphore, #tpu.memory_space<semaphore_mem>>) src(%arg8 : memref<128x128xf32, #tpu.memory_space<vmem>>) dst(%dma_wait3A_109 : memref<128x128xf32, #tpu.memory_space<vmem_shared>>)
        tpu.yield
      }) : () -> ()
    }
    %scan3A_14 = arith.constant 4 : i32
    %add3A_15 = arith.constant 512 : i32
    %add3A_16 = arith.addi %mul3A_2, %add3A_15 : i32
    "tpu.region"() ({
      %run_scoped3A_97 = tpu.sem_alloc : memref<!tpu.dma_semaphore, #tpu.memory_space<semaphore_mem>>
      %dma_start3A_98 = arith.constant 0 : i32
      %dma_start3A_99 = arith.constant 0 : i32
      %dma_start3A_100 = tpu.memref_slice %arg8[%dma_start3A_98, %dma_start3A_99] : memref<128x128xf32, #tpu.memory_space<vmem>> -> memref<120x128xf32, #tpu.memory_space<vmem>>
      %dma_start3A_101 = arith.constant 0 : i32
      %dma_start3A_102 = tpu.memref_slice %arg10[%add3A_16, %dma_start3A_101] : memref<10112x128xf32, #tpu.memory_space<vmem_shared>> -> memref<120x128xf32, #tpu.memory_space<vmem_shared>>
      %dma_start3A_103 = arith.constant 0 : i32
      %dma_start3A_104 = tpu.memref_slice %arg10[%add3A_16, %dma_start3A_103] : memref<10112x128xf32, #tpu.memory_space<vmem_shared>> -> memref<120x128xf32, #tpu.memory_space<vmem_shared>>
      %dma_start3A_105 = arith.constant 0 : i32
      %dma_start3A_106 = arith.constant 0 : i32
      %dma_start3A_107 = tpu.memref_slice %arg8[%dma_start3A_105, %dma_start3A_106] : memref<128x128xf32, #tpu.memory_space<vmem>> -> memref<120x128xf32, #tpu.memory_space<vmem>>
      tpu.enqueue_dma source(%dma_start3A_107 : memref<120x128xf32, #tpu.memory_space<vmem>>) target(%dma_start3A_104 : memref<120x128xf32, #tpu.memory_space<vmem_shared>>) target_semaphore(%run_scoped3A_97 : memref<!tpu.dma_semaphore, #tpu.memory_space<semaphore_mem>>)
      %dma_wait3A_108 = arith.constant 0 : i32
      %dma_wait3A_109 = arith.constant 0 : i32
      %dma_wait3A_110 = tpu.memref_slice %arg8[%dma_wait3A_108, %dma_wait3A_109] : memref<128x128xf32, #tpu.memory_space<vmem>> -> memref<120x128xf32, #tpu.memory_space<vmem>>
      %dma_wait3A_111 = arith.constant 0 : i32
      %dma_wait3A_112 = tpu.memref_slice %arg10[%add3A_16, %dma_wait3A_111] : memref<10112x128xf32, #tpu.memory_space<vmem_shared>> -> memref<120x128xf32, #tpu.memory_space<vmem_shared>>
      %dma_wait3A_113 = arith.constant 0 : i32
      %dma_wait3A_114 = tpu.memref_slice %arg10[%add3A_16, %dma_wait3A_113] : memref<10112x128xf32, #tpu.memory_space<vmem_shared>> -> memref<120x128xf32, #tpu.memory_space<vmem_shared>>
      %dma_wait3A_115 = arith.constant 0 : i32
      %dma_wait3A_116 = arith.constant 0 : i32
      %dma_wait3A_117 = tpu.memref_slice %arg8[%dma_wait3A_115, %dma_wait3A_116] : memref<128x128xf32, #tpu.memory_space<vmem>> -> memref<120x128xf32, #tpu.memory_space<vmem>>
      tpu.wait_dma2 semaphore(%run_scoped3A_97 : memref<!tpu.dma_semaphore, #tpu.memory_space<semaphore_mem>>) src(%dma_wait3A_117 : memref<120x128xf32, #tpu.memory_space<vmem>>) dst(%dma_wait3A_114 : memref<120x128xf32, #tpu.memory_space<vmem_shared>>)
      tpu.yield
    }) : () -> ()
    %barrier3A = arith.constant 0 : index
    tpu.barrier barrier_id(%barrier3A)
    %run_scoped3A = arith.constant 0 : i32
    "tpu.region"() ({
      %run_scoped3A_97 = tpu.sem_alloc : memref<!tpu.dma_semaphore, #tpu.memory_space<semaphore_mem>>
      %dma_start3A_98 = arith.constant 0 : i32
      %dma_start3A_99 = arith.constant 0 : i32
      %dma_start3A_100 = tpu.memref_slice %arg3[%add3A, %run_scoped3A, %dma_start3A_98, %dma_start3A_99] : memref<32x2x40x128xi32, #tpu.memory_space<hbm>> -> memref<1x1x40x128xi32, #tpu.memory_space<hbm>>
      %dma_start3A_101 = tpu.memref_squeeze %dma_start3A_100 : memref<1x1x40x128xi32, #tpu.memory_space<hbm>> -> memref<40x128xi32, #tpu.memory_space<hbm>>
      %dma_start3A_102 = arith.constant 0 : i32
      %dma_start3A_103 = arith.constant 0 : i32
      %dma_start3A_104 = tpu.memref_slice %arg3[%add3A, %run_scoped3A, %dma_start3A_102, %dma_start3A_103] : memref<32x2x40x128xi32, #tpu.memory_space<hbm>> -> memref<1x1x40x128xi32, #tpu.memory_space<hbm>>
      %dma_start3A_105 = tpu.memref_squeeze %dma_start3A_104 : memref<1x1x40x128xi32, #tpu.memory_space<hbm>> -> memref<40x128xi32, #tpu.memory_space<hbm>>
      tpu.enqueue_dma source(%dma_start3A_105 : memref<40x128xi32, #tpu.memory_space<hbm>>) target(%arg6 : memref<40x128xi32, #tpu.memory_space<vmem>>) target_semaphore(%run_scoped3A_97 : memref<!tpu.dma_semaphore, #tpu.memory_space<semaphore_mem>>)
      %dma_wait3A_106 = arith.constant 0 : i32
      %dma_wait3A_107 = arith.constant 0 : i32
      %dma_wait3A_108 = tpu.memref_slice %arg3[%add3A, %run_scoped3A, %dma_wait3A_106, %dma_wait3A_107] : memref<32x2x40x128xi32, #tpu.memory_space<hbm>> -> memref<1x1x40x128xi32, #tpu.memory_space<hbm>>
      %dma_wait3A_109 = tpu.memref_squeeze %dma_wait3A_108 : memref<1x1x40x128xi32, #tpu.memory_space<hbm>> -> memref<40x128xi32, #tpu.memory_space<hbm>>
      %dma_wait3A_110 = arith.constant 0 : i32
      %dma_wait3A_111 = arith.constant 0 : i32
      %dma_wait3A_112 = tpu.memref_slice %arg3[%add3A, %run_scoped3A, %dma_wait3A_110, %dma_wait3A_111] : memref<32x2x40x128xi32, #tpu.memory_space<hbm>> -> memref<1x1x40x128xi32, #tpu.memory_space<hbm>>
      %dma_wait3A_113 = tpu.memref_squeeze %dma_wait3A_112 : memref<1x1x40x128xi32, #tpu.memory_space<hbm>> -> memref<40x128xi32, #tpu.memory_space<hbm>>
      tpu.wait_dma2 semaphore(%run_scoped3A_97 : memref<!tpu.dma_semaphore, #tpu.memory_space<semaphore_mem>>) src(%dma_wait3A_113 : memref<40x128xi32, #tpu.memory_space<hbm>>) dst(%arg6 : memref<40x128xi32, #tpu.memory_space<vmem>>)
      tpu.yield
    }) : () -> ()
    %run_scoped3A_17 = arith.constant 0 : i32
    "tpu.region"() ({
      %run_scoped3A_97 = tpu.sem_alloc : memref<!tpu.dma_semaphore, #tpu.memory_space<semaphore_mem>>
      %dma_start3A_98 = arith.constant 0 : i32
      %dma_start3A_99 = arith.constant 0 : i32
      %dma_start3A_100 = tpu.memref_slice %arg4[%add3A, %run_scoped3A_17, %dma_start3A_98, %dma_start3A_99] : memref<32x2x40x128xi32, #tpu.memory_space<hbm>> -> memref<1x1x40x128xi32, #tpu.memory_space<hbm>>
      %dma_start3A_101 = tpu.memref_squeeze %dma_start3A_100 : memref<1x1x40x128xi32, #tpu.memory_space<hbm>> -> memref<40x128xi32, #tpu.memory_space<hbm>>
      %dma_start3A_102 = arith.constant 0 : i32
      %dma_start3A_103 = arith.constant 0 : i32
      %dma_start3A_104 = tpu.memref_slice %arg4[%add3A, %run_scoped3A_17, %dma_start3A_102, %dma_start3A_103] : memref<32x2x40x128xi32, #tpu.memory_space<hbm>> -> memref<1x1x40x128xi32, #tpu.memory_space<hbm>>
      %dma_start3A_105 = tpu.memref_squeeze %dma_start3A_104 : memref<1x1x40x128xi32, #tpu.memory_space<hbm>> -> memref<40x128xi32, #tpu.memory_space<hbm>>
      tpu.enqueue_dma source(%dma_start3A_105 : memref<40x128xi32, #tpu.memory_space<hbm>>) target(%arg7 : memref<40x128xi32, #tpu.memory_space<vmem>>) target_semaphore(%run_scoped3A_97 : memref<!tpu.dma_semaphore, #tpu.memory_space<semaphore_mem>>)
      %dma_wait3A_106 = arith.constant 0 : i32
      %dma_wait3A_107 = arith.constant 0 : i32
      %dma_wait3A_108 = tpu.memref_slice %arg4[%add3A, %run_scoped3A_17, %dma_wait3A_106, %dma_wait3A_107] : memref<32x2x40x128xi32, #tpu.memory_space<hbm>> -> memref<1x1x40x128xi32, #tpu.memory_space<hbm>>
      %dma_wait3A_109 = tpu.memref_squeeze %dma_wait3A_108 : memref<1x1x40x128xi32, #tpu.memory_space<hbm>> -> memref<40x128xi32, #tpu.memory_space<hbm>>
      %dma_wait3A_110 = arith.constant 0 : i32
      %dma_wait3A_111 = arith.constant 0 : i32
      %dma_wait3A_112 = tpu.memref_slice %arg4[%add3A, %run_scoped3A_17, %dma_wait3A_110, %dma_wait3A_111] : memref<32x2x40x128xi32, #tpu.memory_space<hbm>> -> memref<1x1x40x128xi32, #tpu.memory_space<hbm>>
      %dma_wait3A_113 = tpu.memref_squeeze %dma_wait3A_112 : memref<1x1x40x128xi32, #tpu.memory_space<hbm>> -> memref<40x128xi32, #tpu.memory_space<hbm>>
      tpu.wait_dma2 semaphore(%run_scoped3A_97 : memref<!tpu.dma_semaphore, #tpu.memory_space<semaphore_mem>>) src(%dma_wait3A_113 : memref<40x128xi32, #tpu.memory_space<hbm>>) dst(%arg7 : memref<40x128xi32, #tpu.memory_space<vmem>>)
      tpu.yield
    }) : () -> ()
    %dma_start3A = arith.constant 0 : i32
    %dma_start3A_18 = arith.constant 0 : i32
    %dma_start3A_19 = tpu.memref_slice %arg6[%dma_start3A, %dma_start3A_18] : memref<40x128xi32, #tpu.memory_space<vmem>> -> memref<1x128xi32, #tpu.memory_space<vmem>>
    %dma_start3A_20 = tpu.memref_squeeze %dma_start3A_19 : memref<1x128xi32, #tpu.memory_space<vmem>> -> memref<128xi32, #tpu.memory_space<vmem>>
    %dma_start3A_21 = arith.constant 0 : i32
    %dma_start3A_22 = arith.constant 0 : i32
    %dma_start3A_23 = tpu.memref_slice %arg2[%dma_start3A_21, %dma_start3A_22] : memref<10000x128xf32, #tpu.memory_space<hbm>> -> memref<10000x128xf32, #tpu.memory_space<hbm>>
    tpu.enqueue_indirect_dma source(%dma_start3A_23 : memref<10000x128xf32, #tpu.memory_space<hbm>>) target(%arg8 : memref<128x128xf32, #tpu.memory_space<vmem>>) offsets(%dma_start3A_20 : memref<128xi32, #tpu.memory_space<vmem>>) semaphore(%arg11 : memref<!tpu.dma_semaphore, #tpu.memory_space<semaphore_mem>>)
    %dma_start3A_24 = arith.constant 1 : i32
    %dma_start3A_25 = arith.constant 0 : i32
    %dma_start3A_26 = tpu.memref_slice %arg6[%dma_start3A_24, %dma_start3A_25] : memref<40x128xi32, #tpu.memory_space<vmem>> -> memref<1x128xi32, #tpu.memory_space<vmem>>
    %dma_start3A_27 = tpu.memref_squeeze %dma_start3A_26 : memref<1x128xi32, #tpu.memory_space<vmem>> -> memref<128xi32, #tpu.memory_space<vmem>>
    %dma_start3A_28 = arith.constant 0 : i32
    %dma_start3A_29 = arith.constant 0 : i32
    %dma_start3A_30 = tpu.memref_slice %arg2[%dma_start3A_28, %dma_start3A_29] : memref<10000x128xf32, #tpu.memory_space<hbm>> -> memref<10000x128xf32, #tpu.memory_space<hbm>>
    tpu.enqueue_indirect_dma source(%dma_start3A_30 : memref<10000x128xf32, #tpu.memory_space<hbm>>) target(%arg9 : memref<128x128xf32, #tpu.memory_space<vmem>>) offsets(%dma_start3A_27 : memref<128xi32, #tpu.memory_space<vmem>>) semaphore(%arg12 : memref<!tpu.dma_semaphore, #tpu.memory_space<semaphore_mem>>)
    %scan3A_31 = arith.constant 0 : i32
    %scan3A_32 = arith.constant 0 : i32
    %scan3A_33 = arith.constant 10 : i32
    %scan3A_34 = arith.addi %scan3A_32, %scan3A_33 : i32
    %scan3A_35 = arith.constant 1 : i32
    scf.for %scan3A_97 = %scan3A_32 to %scan3A_34 step %scan3A_35  : i32 {
      %mul3A_98 = arith.constant 4 : i32
      %mul3A_99 = arith.muli %mul3A_98, %scan3A_97 : i32
      %add3A_100 = arith.constant 0 : i32
      %add3A_101 = arith.addi %mul3A_99, %add3A_100 : i32
      %add3A_102 = arith.constant 0 : i32
      %add3A_103 = arith.addi %add3A_101, %add3A_102 : i32
      %add3A_104 = arith.constant 2 : i32
      %add3A_105 = arith.addi %add3A_103, %add3A_104 : i32
      %min3A = arith.constant 39 : i32
      %min3A_106 = arith.minsi %add3A_105, %min3A : i32
      %dma_wait3A_107 = arith.constant 0 : i32
      %dma_wait3A_108 = tpu.memref_slice %arg6[%add3A_103, %dma_wait3A_107] : memref<40x128xi32, #tpu.memory_space<vmem>> -> memref<1x128xi32, #tpu.memory_space<vmem>>
      %dma_wait3A_109 = tpu.memref_squeeze %dma_wait3A_108 : memref<1x128xi32, #tpu.memory_space<vmem>> -> memref<128xi32, #tpu.memory_space<vmem>>
      %dma_wait3A_110 = arith.constant 0 : i32
      %dma_wait3A_111 = arith.constant 0 : i32
      %dma_wait3A_112 = tpu.memref_slice %arg2[%dma_wait3A_110, %dma_wait3A_111] : memref<10000x128xf32, #tpu.memory_space<hbm>> -> memref<10000x128xf32, #tpu.memory_space<hbm>>
      tpu.wait_indirect_dma semaphore(%arg11 : memref<!tpu.dma_semaphore, #tpu.memory_space<semaphore_mem>>) src(%dma_wait3A_112 : memref<10000x128xf32, #tpu.memory_space<hbm>>) dst(%arg8 : memref<128x128xf32, #tpu.memory_space<vmem>>)
      "tpu.region"() ({
        %run_scoped3A_179 = tpu.sem_alloc : memref<!tpu.dma_semaphore, #tpu.memory_space<semaphore_mem>>
        %dma_start3A_180 = arith.constant 0 : i32
        %dma_start3A_181 = tpu.memref_slice %arg7[%add3A_103, %dma_start3A_180] : memref<40x128xi32, #tpu.memory_space<vmem>> -> memref<1x128xi32, #tpu.memory_space<vmem>>
        %dma_start3A_182 = tpu.memref_squeeze %dma_start3A_181 : memref<1x128xi32, #tpu.memory_space<vmem>> -> memref<128xi32, #tpu.memory_space<vmem>>
        %dma_start3A_183 = arith.constant 0 : i32
        %dma_start3A_184 = arith.constant 0 : i32
        %dma_start3A_185 = tpu.memref_slice %arg10[%dma_start3A_183, %dma_start3A_184] : memref<10112x128xf32, #tpu.memory_space<vmem_shared>> -> memref<10112x128xf32, #tpu.memory_space<vmem_shared>>
        tpu.enqueue_indirect_dma source(%arg8 : memref<128x128xf32, #tpu.memory_space<vmem>>) target(%dma_start3A_185 : memref<10112x128xf32, #tpu.memory_space<vmem_shared>>) offsets(%dma_start3A_182 : memref<128xi32, #tpu.memory_space<vmem>>) semaphore(%run_scoped3A_179 : memref<!tpu.dma_semaphore, #tpu.memory_space<semaphore_mem>>) {add = true}
        %dma_wait3A_186 = arith.constant 0 : i32
        %dma_wait3A_187 = tpu.memref_slice %arg7[%add3A_103, %dma_wait3A_186] : memref<40x128xi32, #tpu.memory_space<vmem>> -> memref<1x128xi32, #tpu.memory_space<vmem>>
        %dma_wait3A_188 = tpu.memref_squeeze %dma_wait3A_187 : memref<1x128xi32, #tpu.memory_space<vmem>> -> memref<128xi32, #tpu.memory_space<vmem>>
        %dma_wait3A_189 = arith.constant 0 : i32
        %dma_wait3A_190 = arith.constant 0 : i32
        %dma_wait3A_191 = tpu.memref_slice %arg10[%dma_wait3A_189, %dma_wait3A_190] : memref<10112x128xf32, #tpu.memory_space<vmem_shared>> -> memref<10112x128xf32, #tpu.memory_space<vmem_shared>>
        tpu.wait_indirect_dma semaphore(%run_scoped3A_179 : memref<!tpu.dma_semaphore, #tpu.memory_space<semaphore_mem>>) src(%arg8 : memref<128x128xf32, #tpu.memory_space<vmem>>) dst(%dma_wait3A_191 : memref<10112x128xf32, #tpu.memory_space<vmem_shared>>)
        tpu.yield
      }) : () -> ()
      %dma_start3A_113 = arith.constant 0 : i32
      %dma_start3A_114 = tpu.memref_slice %arg6[%min3A_106, %dma_start3A_113] : memref<40x128xi32, #tpu.memory_space<vmem>> -> memref<1x128xi32, #tpu.memory_space<vmem>>
      %dma_start3A_115 = tpu.memref_squeeze %dma_start3A_114 : memref<1x128xi32, #tpu.memory_space<vmem>> -> memref<128xi32, #tpu.memory_space<vmem>>
      %dma_start3A_116 = arith.constant 0 : i32
      %dma_start3A_117 = arith.constant 0 : i32
      %dma_start3A_118 = tpu.memref_slice %arg2[%dma_start3A_116, %dma_start3A_117] : memref<10000x128xf32, #tpu.memory_space<hbm>> -> memref<10000x128xf32, #tpu.memory_space<hbm>>
      tpu.enqueue_indirect_dma source(%dma_start3A_118 : memref<10000x128xf32, #tpu.memory_space<hbm>>) target(%arg8 : memref<128x128xf32, #tpu.memory_space<vmem>>) offsets(%dma_start3A_115 : memref<128xi32, #tpu.memory_space<vmem>>) semaphore(%arg11 : memref<!tpu.dma_semaphore, #tpu.memory_space<semaphore_mem>>)
      %add3A_119 = arith.constant 0 : i32
      %add3A_120 = arith.addi %mul3A_99, %add3A_119 : i32
      %add3A_121 = arith.constant 1 : i32
      %add3A_122 = arith.addi %add3A_120, %add3A_121 : i32
      %add3A_123 = arith.constant 2 : i32
      %add3A_124 = arith.addi %add3A_122, %add3A_123 : i32
      %min3A_125 = arith.constant 39 : i32
      %min3A_126 = arith.minsi %add3A_124, %min3A_125 : i32
      %dma_wait3A_127 = arith.constant 0 : i32
      %dma_wait3A_128 = tpu.memref_slice %arg6[%add3A_122, %dma_wait3A_127] : memref<40x128xi32, #tpu.memory_space<vmem>> -> memref<1x128xi32, #tpu.memory_space<vmem>>
      %dma_wait3A_129 = tpu.memref_squeeze %dma_wait3A_128 : memref<1x128xi32, #tpu.memory_space<vmem>> -> memref<128xi32, #tpu.memory_space<vmem>>
      %dma_wait3A_130 = arith.constant 0 : i32
      %dma_wait3A_131 = arith.constant 0 : i32
      %dma_wait3A_132 = tpu.memref_slice %arg2[%dma_wait3A_130, %dma_wait3A_131] : memref<10000x128xf32, #tpu.memory_space<hbm>> -> memref<10000x128xf32, #tpu.memory_space<hbm>>
      tpu.wait_indirect_dma semaphore(%arg12 : memref<!tpu.dma_semaphore, #tpu.memory_space<semaphore_mem>>) src(%dma_wait3A_132 : memref<10000x128xf32, #tpu.memory_space<hbm>>) dst(%arg9 : memref<128x128xf32, #tpu.memory_space<vmem>>)
      "tpu.region"() ({
        %run_scoped3A_179 = tpu.sem_alloc : memref<!tpu.dma_semaphore, #tpu.memory_space<semaphore_mem>>
        %dma_start3A_180 = arith.constant 0 : i32
        %dma_start3A_181 = tpu.memref_slice %arg7[%add3A_122, %dma_start3A_180] : memref<40x128xi32, #tpu.memory_space<vmem>> -> memref<1x128xi32, #tpu.memory_space<vmem>>
        %dma_start3A_182 = tpu.memref_squeeze %dma_start3A_181 : memref<1x128xi32, #tpu.memory_space<vmem>> -> memref<128xi32, #tpu.memory_space<vmem>>
        %dma_start3A_183 = arith.constant 0 : i32
        %dma_start3A_184 = arith.constant 0 : i32
        %dma_start3A_185 = tpu.memref_slice %arg10[%dma_start3A_183, %dma_start3A_184] : memref<10112x128xf32, #tpu.memory_space<vmem_shared>> -> memref<10112x128xf32, #tpu.memory_space<vmem_shared>>
        tpu.enqueue_indirect_dma source(%arg9 : memref<128x128xf32, #tpu.memory_space<vmem>>) target(%dma_start3A_185 : memref<10112x128xf32, #tpu.memory_space<vmem_shared>>) offsets(%dma_start3A_182 : memref<128xi32, #tpu.memory_space<vmem>>) semaphore(%run_scoped3A_179 : memref<!tpu.dma_semaphore, #tpu.memory_space<semaphore_mem>>) {add = true}
        %dma_wait3A_186 = arith.constant 0 : i32
        %dma_wait3A_187 = tpu.memref_slice %arg7[%add3A_122, %dma_wait3A_186] : memref<40x128xi32, #tpu.memory_space<vmem>> -> memref<1x128xi32, #tpu.memory_space<vmem>>
        %dma_wait3A_188 = tpu.memref_squeeze %dma_wait3A_187 : memref<1x128xi32, #tpu.memory_space<vmem>> -> memref<128xi32, #tpu.memory_space<vmem>>
        %dma_wait3A_189 = arith.constant 0 : i32
        %dma_wait3A_190 = arith.constant 0 : i32
        %dma_wait3A_191 = tpu.memref_slice %arg10[%dma_wait3A_189, %dma_wait3A_190] : memref<10112x128xf32, #tpu.memory_space<vmem_shared>> -> memref<10112x128xf32, #tpu.memory_space<vmem_shared>>
        tpu.wait_indirect_dma semaphore(%run_scoped3A_179 : memref<!tpu.dma_semaphore, #tpu.memory_space<semaphore_mem>>) src(%arg9 : memref<128x128xf32, #tpu.memory_space<vmem>>) dst(%dma_wait3A_191 : memref<10112x128xf32, #tpu.memory_space<vmem_shared>>)
        tpu.yield
      }) : () -> ()
      %dma_start3A_133 = arith.constant 0 : i32
      %dma_start3A_134 = tpu.memref_slice %arg6[%min3A_126, %dma_start3A_133] : memref<40x128xi32, #tpu.memory_space<vmem>> -> memref<1x128xi32, #tpu.memory_space<vmem>>
      %dma_start3A_135 = tpu.memref_squeeze %dma_start3A_134 : memref<1x128xi32, #tpu.memory_space<vmem>> -> memref<128xi32, #tpu.memory_space<vmem>>
      %dma_start3A_136 = arith.constant 0 : i32
      %dma_start3A_137 = arith.constant 0 : i32
      %dma_start3A_138 = tpu.memref_slice %arg2[%dma_start3A_136, %dma_start3A_137] : memref<10000x128xf32, #tpu.memory_space<hbm>> -> memref<10000x128xf32, #tpu.memory_space<hbm>>
      tpu.enqueue_indirect_dma source(%dma_start3A_138 : memref<10000x128xf32, #tpu.memory_space<hbm>>) target(%arg9 : memref<128x128xf32, #tpu.memory_space<vmem>>) offsets(%dma_start3A_135 : memref<128xi32, #tpu.memory_space<vmem>>) semaphore(%arg12 : memref<!tpu.dma_semaphore, #tpu.memory_space<semaphore_mem>>)
      %add3A_139 = arith.constant 2 : i32
      %add3A_140 = arith.addi %mul3A_99, %add3A_139 : i32
      %add3A_141 = arith.constant 0 : i32
      %add3A_142 = arith.addi %add3A_140, %add3A_141 : i32
      %add3A_143 = arith.constant 2 : i32
      %add3A_144 = arith.addi %add3A_142, %add3A_143 : i32
      %min3A_145 = arith.constant 39 : i32
      %min3A_146 = arith.minsi %add3A_144, %min3A_145 : i32
      %dma_wait3A_147 = arith.constant 0 : i32
      %dma_wait3A_148 = tpu.memref_slice %arg6[%add3A_142, %dma_wait3A_147] : memref<40x128xi32, #tpu.memory_space<vmem>> -> memref<1x128xi32, #tpu.memory_space<vmem>>
      %dma_wait3A_149 = tpu.memref_squeeze %dma_wait3A_148 : memref<1x128xi32, #tpu.memory_space<vmem>> -> memref<128xi32, #tpu.memory_space<vmem>>
      %dma_wait3A_150 = arith.constant 0 : i32
      %dma_wait3A_151 = arith.constant 0 : i32
      %dma_wait3A_152 = tpu.memref_slice %arg2[%dma_wait3A_150, %dma_wait3A_151] : memref<10000x128xf32, #tpu.memory_space<hbm>> -> memref<10000x128xf32, #tpu.memory_space<hbm>>
      tpu.wait_indirect_dma semaphore(%arg11 : memref<!tpu.dma_semaphore, #tpu.memory_space<semaphore_mem>>) src(%dma_wait3A_152 : memref<10000x128xf32, #tpu.memory_space<hbm>>) dst(%arg8 : memref<128x128xf32, #tpu.memory_space<vmem>>)
      "tpu.region"() ({
        %run_scoped3A_179 = tpu.sem_alloc : memref<!tpu.dma_semaphore, #tpu.memory_space<semaphore_mem>>
        %dma_start3A_180 = arith.constant 0 : i32
        %dma_start3A_181 = tpu.memref_slice %arg7[%add3A_142, %dma_start3A_180] : memref<40x128xi32, #tpu.memory_space<vmem>> -> memref<1x128xi32, #tpu.memory_space<vmem>>
        %dma_start3A_182 = tpu.memref_squeeze %dma_start3A_181 : memref<1x128xi32, #tpu.memory_space<vmem>> -> memref<128xi32, #tpu.memory_space<vmem>>
        %dma_start3A_183 = arith.constant 0 : i32
        %dma_start3A_184 = arith.constant 0 : i32
        %dma_start3A_185 = tpu.memref_slice %arg10[%dma_start3A_183, %dma_start3A_184] : memref<10112x128xf32, #tpu.memory_space<vmem_shared>> -> memref<10112x128xf32, #tpu.memory_space<vmem_shared>>
        tpu.enqueue_indirect_dma source(%arg8 : memref<128x128xf32, #tpu.memory_space<vmem>>) target(%dma_start3A_185 : memref<10112x128xf32, #tpu.memory_space<vmem_shared>>) offsets(%dma_start3A_182 : memref<128xi32, #tpu.memory_space<vmem>>) semaphore(%run_scoped3A_179 : memref<!tpu.dma_semaphore, #tpu.memory_space<semaphore_mem>>) {add = true}
        %dma_wait3A_186 = arith.constant 0 : i32
        %dma_wait3A_187 = tpu.memref_slice %arg7[%add3A_142, %dma_wait3A_186] : memref<40x128xi32, #tpu.memory_space<vmem>> -> memref<1x128xi32, #tpu.memory_space<vmem>>
        %dma_wait3A_188 = tpu.memref_squeeze %dma_wait3A_187 : memref<1x128xi32, #tpu.memory_space<vmem>> -> memref<128xi32, #tpu.memory_space<vmem>>
        %dma_wait3A_189 = arith.constant 0 : i32
        %dma_wait3A_190 = arith.constant 0 : i32
        %dma_wait3A_191 = tpu.memref_slice %arg10[%dma_wait3A_189, %dma_wait3A_190] : memref<10112x128xf32, #tpu.memory_space<vmem_shared>> -> memref<10112x128xf32, #tpu.memory_space<vmem_shared>>
        tpu.wait_indirect_dma semaphore(%run_scoped3A_179 : memref<!tpu.dma_semaphore, #tpu.memory_space<semaphore_mem>>) src(%arg8 : memref<128x128xf32, #tpu.memory_space<vmem>>) dst(%dma_wait3A_191 : memref<10112x128xf32, #tpu.memory_space<vmem_shared>>)
        tpu.yield
      }) : () -> ()
      %dma_start3A_153 = arith.constant 0 : i32
      %dma_start3A_154 = tpu.memref_slice %arg6[%min3A_146, %dma_start3A_153] : memref<40x128xi32, #tpu.memory_space<vmem>> -> memref<1x128xi32, #tpu.memory_space<vmem>>
      %dma_start3A_155 = tpu.memref_squeeze %dma_start3A_154 : memref<1x128xi32, #tpu.memory_space<vmem>> -> memref<128xi32, #tpu.memory_space<vmem>>
      %dma_start3A_156 = arith.constant 0 : i32
      %dma_start3A_157 = arith.constant 0 : i32
      %dma_start3A_158 = tpu.memref_slice %arg2[%dma_start3A_156, %dma_start3A_157] : memref<10000x128xf32, #tpu.memory_space<hbm>> -> memref<10000x128xf32, #tpu.memory_space<hbm>>
      tpu.enqueue_indirect_dma source(%dma_start3A_158 : memref<10000x128xf32, #tpu.memory_space<hbm>>) target(%arg8 : memref<128x128xf32, #tpu.memory_space<vmem>>) offsets(%dma_start3A_155 : memref<128xi32, #tpu.memory_space<vmem>>) semaphore(%arg11 : memref<!tpu.dma_semaphore, #tpu.memory_space<semaphore_mem>>)
      %add3A_159 = arith.constant 2 : i32
      %add3A_160 = arith.addi %mul3A_99, %add3A_159 : i32
      %add3A_161 = arith.constant 1 : i32
      %add3A_162 = arith.addi %add3A_160, %add3A_161 : i32
      %add3A_163 = arith.constant 2 : i32
      %add3A_164 = arith.addi %add3A_162, %add3A_163 : i32
      %min3A_165 = arith.constant 39 : i32
      %min3A_166 = arith.minsi %add3A_164, %min3A_165 : i32
      %dma_wait3A_167 = arith.constant 0 : i32
      %dma_wait3A_168 = tpu.memref_slice %arg6[%add3A_162, %dma_wait3A_167] : memref<40x128xi32, #tpu.memory_space<vmem>> -> memref<1x128xi32, #tpu.memory_space<vmem>>
      %dma_wait3A_169 = tpu.memref_squeeze %dma_wait3A_168 : memref<1x128xi32, #tpu.memory_space<vmem>> -> memref<128xi32, #tpu.memory_space<vmem>>
      %dma_wait3A_170 = arith.constant 0 : i32
      %dma_wait3A_171 = arith.constant 0 : i32
      %dma_wait3A_172 = tpu.memref_slice %arg2[%dma_wait3A_170, %dma_wait3A_171] : memref<10000x128xf32, #tpu.memory_space<hbm>> -> memref<10000x128xf32, #tpu.memory_space<hbm>>
      tpu.wait_indirect_dma semaphore(%arg12 : memref<!tpu.dma_semaphore, #tpu.memory_space<semaphore_mem>>) src(%dma_wait3A_172 : memref<10000x128xf32, #tpu.memory_space<hbm>>) dst(%arg9 : memref<128x128xf32, #tpu.memory_space<vmem>>)
      "tpu.region"() ({
        %run_scoped3A_179 = tpu.sem_alloc : memref<!tpu.dma_semaphore, #tpu.memory_space<semaphore_mem>>
        %dma_start3A_180 = arith.constant 0 : i32
        %dma_start3A_181 = tpu.memref_slice %arg7[%add3A_162, %dma_start3A_180] : memref<40x128xi32, #tpu.memory_space<vmem>> -> memref<1x128xi32, #tpu.memory_space<vmem>>
        %dma_start3A_182 = tpu.memref_squeeze %dma_start3A_181 : memref<1x128xi32, #tpu.memory_space<vmem>> -> memref<128xi32, #tpu.memory_space<vmem>>
        %dma_start3A_183 = arith.constant 0 : i32
        %dma_start3A_184 = arith.constant 0 : i32
        %dma_start3A_185 = tpu.memref_slice %arg10[%dma_start3A_183, %dma_start3A_184] : memref<10112x128xf32, #tpu.memory_space<vmem_shared>> -> memref<10112x128xf32, #tpu.memory_space<vmem_shared>>
        tpu.enqueue_indirect_dma source(%arg9 : memref<128x128xf32, #tpu.memory_space<vmem>>) target(%dma_start3A_185 : memref<10112x128xf32, #tpu.memory_space<vmem_shared>>) offsets(%dma_start3A_182 : memref<128xi32, #tpu.memory_space<vmem>>) semaphore(%run_scoped3A_179 : memref<!tpu.dma_semaphore, #tpu.memory_space<semaphore_mem>>) {add = true}
        %dma_wait3A_186 = arith.constant 0 : i32
        %dma_wait3A_187 = tpu.memref_slice %arg7[%add3A_162, %dma_wait3A_186] : memref<40x128xi32, #tpu.memory_space<vmem>> -> memref<1x128xi32, #tpu.memory_space<vmem>>
        %dma_wait3A_188 = tpu.memref_squeeze %dma_wait3A_187 : memref<1x128xi32, #tpu.memory_space<vmem>> -> memref<128xi32, #tpu.memory_space<vmem>>
        %dma_wait3A_189 = arith.constant 0 : i32
        %dma_wait3A_190 = arith.constant 0 : i32
        %dma_wait3A_191 = tpu.memref_slice %arg10[%dma_wait3A_189, %dma_wait3A_190] : memref<10112x128xf32, #tpu.memory_space<vmem_shared>> -> memref<10112x128xf32, #tpu.memory_space<vmem_shared>>
        tpu.wait_indirect_dma semaphore(%run_scoped3A_179 : memref<!tpu.dma_semaphore, #tpu.memory_space<semaphore_mem>>) src(%arg9 : memref<128x128xf32, #tpu.memory_space<vmem>>) dst(%dma_wait3A_191 : memref<10112x128xf32, #tpu.memory_space<vmem_shared>>)
        tpu.yield
      }) : () -> ()
      %dma_start3A_173 = arith.constant 0 : i32
      %dma_start3A_174 = tpu.memref_slice %arg6[%min3A_166, %dma_start3A_173] : memref<40x128xi32, #tpu.memory_space<vmem>> -> memref<1x128xi32, #tpu.memory_space<vmem>>
      %dma_start3A_175 = tpu.memref_squeeze %dma_start3A_174 : memref<1x128xi32, #tpu.memory_space<vmem>> -> memref<128xi32, #tpu.memory_space<vmem>>
      %dma_start3A_176 = arith.constant 0 : i32
      %dma_start3A_177 = arith.constant 0 : i32
      %dma_start3A_178 = tpu.memref_slice %arg2[%dma_start3A_176, %dma_start3A_177] : memref<10000x128xf32, #tpu.memory_space<hbm>> -> memref<10000x128xf32, #tpu.memory_space<hbm>>
      tpu.enqueue_indirect_dma source(%dma_start3A_178 : memref<10000x128xf32, #tpu.memory_space<hbm>>) target(%arg9 : memref<128x128xf32, #tpu.memory_space<vmem>>) offsets(%dma_start3A_175 : memref<128xi32, #tpu.memory_space<vmem>>) semaphore(%arg12 : memref<!tpu.dma_semaphore, #tpu.memory_space<semaphore_mem>>)
    }
    %scan3A_36 = arith.constant 10 : i32
    %dma_wait3A = arith.constant 39 : i32
    %dma_wait3A_37 = arith.constant 0 : i32
    %dma_wait3A_38 = tpu.memref_slice %arg6[%dma_wait3A, %dma_wait3A_37] : memref<40x128xi32, #tpu.memory_space<vmem>> -> memref<1x128xi32, #tpu.memory_space<vmem>>
    %dma_wait3A_39 = tpu.memref_squeeze %dma_wait3A_38 : memref<1x128xi32, #tpu.memory_space<vmem>> -> memref<128xi32, #tpu.memory_space<vmem>>
    %dma_wait3A_40 = arith.constant 0 : i32
    %dma_wait3A_41 = arith.constant 0 : i32
    %dma_wait3A_42 = tpu.memref_slice %arg2[%dma_wait3A_40, %dma_wait3A_41] : memref<10000x128xf32, #tpu.memory_space<hbm>> -> memref<10000x128xf32, #tpu.memory_space<hbm>>
    tpu.wait_indirect_dma semaphore(%arg11 : memref<!tpu.dma_semaphore, #tpu.memory_space<semaphore_mem>>) src(%dma_wait3A_42 : memref<10000x128xf32, #tpu.memory_space<hbm>>) dst(%arg8 : memref<128x128xf32, #tpu.memory_space<vmem>>)
    %dma_wait3A_43 = arith.constant 39 : i32
    %dma_wait3A_44 = arith.constant 0 : i32
    %dma_wait3A_45 = tpu.memref_slice %arg6[%dma_wait3A_43, %dma_wait3A_44] : memref<40x128xi32, #tpu.memory_space<vmem>> -> memref<1x128xi32, #tpu.memory_space<vmem>>
    %dma_wait3A_46 = tpu.memref_squeeze %dma_wait3A_45 : memref<1x128xi32, #tpu.memory_space<vmem>> -> memref<128xi32, #tpu.memory_space<vmem>>
    %dma_wait3A_47 = arith.constant 0 : i32
    %dma_wait3A_48 = arith.constant 0 : i32
    %dma_wait3A_49 = tpu.memref_slice %arg2[%dma_wait3A_47, %dma_wait3A_48] : memref<10000x128xf32, #tpu.memory_space<hbm>> -> memref<10000x128xf32, #tpu.memory_space<hbm>>
    tpu.wait_indirect_dma semaphore(%arg12 : memref<!tpu.dma_semaphore, #tpu.memory_space<semaphore_mem>>) src(%dma_wait3A_49 : memref<10000x128xf32, #tpu.memory_space<hbm>>) dst(%arg9 : memref<128x128xf32, #tpu.memory_space<vmem>>)
    %run_scoped3A_50 = arith.constant 1 : i32
    "tpu.region"() ({
      %run_scoped3A_97 = tpu.sem_alloc : memref<!tpu.dma_semaphore, #tpu.memory_space<semaphore_mem>>
      %dma_start3A_98 = arith.constant 0 : i32
      %dma_start3A_99 = arith.constant 0 : i32
      %dma_start3A_100 = tpu.memref_slice %arg3[%add3A, %run_scoped3A_50, %dma_start3A_98, %dma_start3A_99] : memref<32x2x40x128xi32, #tpu.memory_space<hbm>> -> memref<1x1x40x128xi32, #tpu.memory_space<hbm>>
      %dma_start3A_101 = tpu.memref_squeeze %dma_start3A_100 : memref<1x1x40x128xi32, #tpu.memory_space<hbm>> -> memref<40x128xi32, #tpu.memory_space<hbm>>
      %dma_start3A_102 = arith.constant 0 : i32
      %dma_start3A_103 = arith.constant 0 : i32
      %dma_start3A_104 = tpu.memref_slice %arg3[%add3A, %run_scoped3A_50, %dma_start3A_102, %dma_start3A_103] : memref<32x2x40x128xi32, #tpu.memory_space<hbm>> -> memref<1x1x40x128xi32, #tpu.memory_space<hbm>>
      %dma_start3A_105 = tpu.memref_squeeze %dma_start3A_104 : memref<1x1x40x128xi32, #tpu.memory_space<hbm>> -> memref<40x128xi32, #tpu.memory_space<hbm>>
      tpu.enqueue_dma source(%dma_start3A_105 : memref<40x128xi32, #tpu.memory_space<hbm>>) target(%arg6 : memref<40x128xi32, #tpu.memory_space<vmem>>) target_semaphore(%run_scoped3A_97 : memref<!tpu.dma_semaphore, #tpu.memory_space<semaphore_mem>>)
      %dma_wait3A_106 = arith.constant 0 : i32
      %dma_wait3A_107 = arith.constant 0 : i32
      %dma_wait3A_108 = tpu.memref_slice %arg3[%add3A, %run_scoped3A_50, %dma_wait3A_106, %dma_wait3A_107] : memref<32x2x40x128xi32, #tpu.memory_space<hbm>> -> memref<1x1x40x128xi32, #tpu.memory_space<hbm>>
      %dma_wait3A_109 = tpu.memref_squeeze %dma_wait3A_108 : memref<1x1x40x128xi32, #tpu.memory_space<hbm>> -> memref<40x128xi32, #tpu.memory_space<hbm>>
      %dma_wait3A_110 = arith.constant 0 : i32
      %dma_wait3A_111 = arith.constant 0 : i32
      %dma_wait3A_112 = tpu.memref_slice %arg3[%add3A, %run_scoped3A_50, %dma_wait3A_110, %dma_wait3A_111] : memref<32x2x40x128xi32, #tpu.memory_space<hbm>> -> memref<1x1x40x128xi32, #tpu.memory_space<hbm>>
      %dma_wait3A_113 = tpu.memref_squeeze %dma_wait3A_112 : memref<1x1x40x128xi32, #tpu.memory_space<hbm>> -> memref<40x128xi32, #tpu.memory_space<hbm>>
      tpu.wait_dma2 semaphore(%run_scoped3A_97 : memref<!tpu.dma_semaphore, #tpu.memory_space<semaphore_mem>>) src(%dma_wait3A_113 : memref<40x128xi32, #tpu.memory_space<hbm>>) dst(%arg6 : memref<40x128xi32, #tpu.memory_space<vmem>>)
      tpu.yield
    }) : () -> ()
    %run_scoped3A_51 = arith.constant 1 : i32
    "tpu.region"() ({
      %run_scoped3A_97 = tpu.sem_alloc : memref<!tpu.dma_semaphore, #tpu.memory_space<semaphore_mem>>
      %dma_start3A_98 = arith.constant 0 : i32
      %dma_start3A_99 = arith.constant 0 : i32
      %dma_start3A_100 = tpu.memref_slice %arg4[%add3A, %run_scoped3A_51, %dma_start3A_98, %dma_start3A_99] : memref<32x2x40x128xi32, #tpu.memory_space<hbm>> -> memref<1x1x40x128xi32, #tpu.memory_space<hbm>>
      %dma_start3A_101 = tpu.memref_squeeze %dma_start3A_100 : memref<1x1x40x128xi32, #tpu.memory_space<hbm>> -> memref<40x128xi32, #tpu.memory_space<hbm>>
      %dma_start3A_102 = arith.constant 0 : i32
      %dma_start3A_103 = arith.constant 0 : i32
      %dma_start3A_104 = tpu.memref_slice %arg4[%add3A, %run_scoped3A_51, %dma_start3A_102, %dma_start3A_103] : memref<32x2x40x128xi32, #tpu.memory_space<hbm>> -> memref<1x1x40x128xi32, #tpu.memory_space<hbm>>
      %dma_start3A_105 = tpu.memref_squeeze %dma_start3A_104 : memref<1x1x40x128xi32, #tpu.memory_space<hbm>> -> memref<40x128xi32, #tpu.memory_space<hbm>>
      tpu.enqueue_dma source(%dma_start3A_105 : memref<40x128xi32, #tpu.memory_space<hbm>>) target(%arg7 : memref<40x128xi32, #tpu.memory_space<vmem>>) target_semaphore(%run_scoped3A_97 : memref<!tpu.dma_semaphore, #tpu.memory_space<semaphore_mem>>)
      %dma_wait3A_106 = arith.constant 0 : i32
      %dma_wait3A_107 = arith.constant 0 : i32
      %dma_wait3A_108 = tpu.memref_slice %arg4[%add3A, %run_scoped3A_51, %dma_wait3A_106, %dma_wait3A_107] : memref<32x2x40x128xi32, #tpu.memory_space<hbm>> -> memref<1x1x40x128xi32, #tpu.memory_space<hbm>>
      %dma_wait3A_109 = tpu.memref_squeeze %dma_wait3A_108 : memref<1x1x40x128xi32, #tpu.memory_space<hbm>> -> memref<40x128xi32, #tpu.memory_space<hbm>>
      %dma_wait3A_110 = arith.constant 0 : i32
      %dma_wait3A_111 = arith.constant 0 : i32
      %dma_wait3A_112 = tpu.memref_slice %arg4[%add3A, %run_scoped3A_51, %dma_wait3A_110, %dma_wait3A_111] : memref<32x2x40x128xi32, #tpu.memory_space<hbm>> -> memref<1x1x40x128xi32, #tpu.memory_space<hbm>>
      %dma_wait3A_113 = tpu.memref_squeeze %dma_wait3A_112 : memref<1x1x40x128xi32, #tpu.memory_space<hbm>> -> memref<40x128xi32, #tpu.memory_space<hbm>>
      tpu.wait_dma2 semaphore(%run_scoped3A_97 : memref<!tpu.dma_semaphore, #tpu.memory_space<semaphore_mem>>) src(%dma_wait3A_113 : memref<40x128xi32, #tpu.memory_space<hbm>>) dst(%arg7 : memref<40x128xi32, #tpu.memory_space<vmem>>)
      tpu.yield
    }) : () -> ()
    %dma_start3A_52 = arith.constant 0 : i32
    %dma_start3A_53 = arith.constant 0 : i32
    %dma_start3A_54 = tpu.memref_slice %arg6[%dma_start3A_52, %dma_start3A_53] : memref<40x128xi32, #tpu.memory_space<vmem>> -> memref<1x128xi32, #tpu.memory_space<vmem>>
    %dma_start3A_55 = tpu.memref_squeeze %dma_start3A_54 : memref<1x128xi32, #tpu.memory_space<vmem>> -> memref<128xi32, #tpu.memory_space<vmem>>
    %dma_start3A_56 = arith.constant 0 : i32
    %dma_start3A_57 = arith.constant 0 : i32
    %dma_start3A_58 = tpu.memref_slice %arg2[%dma_start3A_56, %dma_start3A_57] : memref<10000x128xf32, #tpu.memory_space<hbm>> -> memref<10000x128xf32, #tpu.memory_space<hbm>>
    tpu.enqueue_indirect_dma source(%dma_start3A_58 : memref<10000x128xf32, #tpu.memory_space<hbm>>) target(%arg8 : memref<128x128xf32, #tpu.memory_space<vmem>>) offsets(%dma_start3A_55 : memref<128xi32, #tpu.memory_space<vmem>>) semaphore(%arg11 : memref<!tpu.dma_semaphore, #tpu.memory_space<semaphore_mem>>)
    %dma_start3A_59 = arith.constant 1 : i32
    %dma_start3A_60 = arith.constant 0 : i32
    %dma_start3A_61 = tpu.memref_slice %arg6[%dma_start3A_59, %dma_start3A_60] : memref<40x128xi32, #tpu.memory_space<vmem>> -> memref<1x128xi32, #tpu.memory_space<vmem>>
    %dma_start3A_62 = tpu.memref_squeeze %dma_start3A_61 : memref<1x128xi32, #tpu.memory_space<vmem>> -> memref<128xi32, #tpu.memory_space<vmem>>
    %dma_start3A_63 = arith.constant 0 : i32
    %dma_start3A_64 = arith.constant 0 : i32
    %dma_start3A_65 = tpu.memref_slice %arg2[%dma_start3A_63, %dma_start3A_64] : memref<10000x128xf32, #tpu.memory_space<hbm>> -> memref<10000x128xf32, #tpu.memory_space<hbm>>
    tpu.enqueue_indirect_dma source(%dma_start3A_65 : memref<10000x128xf32, #tpu.memory_space<hbm>>) target(%arg9 : memref<128x128xf32, #tpu.memory_space<vmem>>) offsets(%dma_start3A_62 : memref<128xi32, #tpu.memory_space<vmem>>) semaphore(%arg12 : memref<!tpu.dma_semaphore, #tpu.memory_space<semaphore_mem>>)
    %scan3A_66 = arith.constant 0 : i32
    %scan3A_67 = arith.constant 0 : i32
    %scan3A_68 = arith.constant 10 : i32
    %scan3A_69 = arith.addi %scan3A_67, %scan3A_68 : i32
    %scan3A_70 = arith.constant 1 : i32
    scf.for %scan3A_97 = %scan3A_67 to %scan3A_69 step %scan3A_70  : i32 {
      %mul3A_98 = arith.constant 4 : i32
      %mul3A_99 = arith.muli %mul3A_98, %scan3A_97 : i32
      %add3A_100 = arith.constant 0 : i32
      %add3A_101 = arith.addi %mul3A_99, %add3A_100 : i32
      %add3A_102 = arith.constant 0 : i32
      %add3A_103 = arith.addi %add3A_101, %add3A_102 : i32
      %add3A_104 = arith.constant 2 : i32
      %add3A_105 = arith.addi %add3A_103, %add3A_104 : i32
      %min3A = arith.constant 39 : i32
      %min3A_106 = arith.minsi %add3A_105, %min3A : i32
      %dma_wait3A_107 = arith.constant 0 : i32
      %dma_wait3A_108 = tpu.memref_slice %arg6[%add3A_103, %dma_wait3A_107] : memref<40x128xi32, #tpu.memory_space<vmem>> -> memref<1x128xi32, #tpu.memory_space<vmem>>
      %dma_wait3A_109 = tpu.memref_squeeze %dma_wait3A_108 : memref<1x128xi32, #tpu.memory_space<vmem>> -> memref<128xi32, #tpu.memory_space<vmem>>
      %dma_wait3A_110 = arith.constant 0 : i32
      %dma_wait3A_111 = arith.constant 0 : i32
      %dma_wait3A_112 = tpu.memref_slice %arg2[%dma_wait3A_110, %dma_wait3A_111] : memref<10000x128xf32, #tpu.memory_space<hbm>> -> memref<10000x128xf32, #tpu.memory_space<hbm>>
      tpu.wait_indirect_dma semaphore(%arg11 : memref<!tpu.dma_semaphore, #tpu.memory_space<semaphore_mem>>) src(%dma_wait3A_112 : memref<10000x128xf32, #tpu.memory_space<hbm>>) dst(%arg8 : memref<128x128xf32, #tpu.memory_space<vmem>>)
      "tpu.region"() ({
        %run_scoped3A_179 = tpu.sem_alloc : memref<!tpu.dma_semaphore, #tpu.memory_space<semaphore_mem>>
        %dma_start3A_180 = arith.constant 0 : i32
        %dma_start3A_181 = tpu.memref_slice %arg7[%add3A_103, %dma_start3A_180] : memref<40x128xi32, #tpu.memory_space<vmem>> -> memref<1x128xi32, #tpu.memory_space<vmem>>
        %dma_start3A_182 = tpu.memref_squeeze %dma_start3A_181 : memref<1x128xi32, #tpu.memory_space<vmem>> -> memref<128xi32, #tpu.memory_space<vmem>>
        %dma_start3A_183 = arith.constant 0 : i32
        %dma_start3A_184 = arith.constant 0 : i32
        %dma_start3A_185 = tpu.memref_slice %arg10[%dma_start3A_183, %dma_start3A_184] : memref<10112x128xf32, #tpu.memory_space<vmem_shared>> -> memref<10112x128xf32, #tpu.memory_space<vmem_shared>>
        tpu.enqueue_indirect_dma source(%arg8 : memref<128x128xf32, #tpu.memory_space<vmem>>) target(%dma_start3A_185 : memref<10112x128xf32, #tpu.memory_space<vmem_shared>>) offsets(%dma_start3A_182 : memref<128xi32, #tpu.memory_space<vmem>>) semaphore(%run_scoped3A_179 : memref<!tpu.dma_semaphore, #tpu.memory_space<semaphore_mem>>) {add = true}
        %dma_wait3A_186 = arith.constant 0 : i32
        %dma_wait3A_187 = tpu.memref_slice %arg7[%add3A_103, %dma_wait3A_186] : memref<40x128xi32, #tpu.memory_space<vmem>> -> memref<1x128xi32, #tpu.memory_space<vmem>>
        %dma_wait3A_188 = tpu.memref_squeeze %dma_wait3A_187 : memref<1x128xi32, #tpu.memory_space<vmem>> -> memref<128xi32, #tpu.memory_space<vmem>>
        %dma_wait3A_189 = arith.constant 0 : i32
        %dma_wait3A_190 = arith.constant 0 : i32
        %dma_wait3A_191 = tpu.memref_slice %arg10[%dma_wait3A_189, %dma_wait3A_190] : memref<10112x128xf32, #tpu.memory_space<vmem_shared>> -> memref<10112x128xf32, #tpu.memory_space<vmem_shared>>
        tpu.wait_indirect_dma semaphore(%run_scoped3A_179 : memref<!tpu.dma_semaphore, #tpu.memory_space<semaphore_mem>>) src(%arg8 : memref<128x128xf32, #tpu.memory_space<vmem>>) dst(%dma_wait3A_191 : memref<10112x128xf32, #tpu.memory_space<vmem_shared>>)
        tpu.yield
      }) : () -> ()
      %dma_start3A_113 = arith.constant 0 : i32
      %dma_start3A_114 = tpu.memref_slice %arg6[%min3A_106, %dma_start3A_113] : memref<40x128xi32, #tpu.memory_space<vmem>> -> memref<1x128xi32, #tpu.memory_space<vmem>>
      %dma_start3A_115 = tpu.memref_squeeze %dma_start3A_114 : memref<1x128xi32, #tpu.memory_space<vmem>> -> memref<128xi32, #tpu.memory_space<vmem>>
      %dma_start3A_116 = arith.constant 0 : i32
      %dma_start3A_117 = arith.constant 0 : i32
      %dma_start3A_118 = tpu.memref_slice %arg2[%dma_start3A_116, %dma_start3A_117] : memref<10000x128xf32, #tpu.memory_space<hbm>> -> memref<10000x128xf32, #tpu.memory_space<hbm>>
      tpu.enqueue_indirect_dma source(%dma_start3A_118 : memref<10000x128xf32, #tpu.memory_space<hbm>>) target(%arg8 : memref<128x128xf32, #tpu.memory_space<vmem>>) offsets(%dma_start3A_115 : memref<128xi32, #tpu.memory_space<vmem>>) semaphore(%arg11 : memref<!tpu.dma_semaphore, #tpu.memory_space<semaphore_mem>>)
      %add3A_119 = arith.constant 0 : i32
      %add3A_120 = arith.addi %mul3A_99, %add3A_119 : i32
      %add3A_121 = arith.constant 1 : i32
      %add3A_122 = arith.addi %add3A_120, %add3A_121 : i32
      %add3A_123 = arith.constant 2 : i32
      %add3A_124 = arith.addi %add3A_122, %add3A_123 : i32
      %min3A_125 = arith.constant 39 : i32
      %min3A_126 = arith.minsi %add3A_124, %min3A_125 : i32
      %dma_wait3A_127 = arith.constant 0 : i32
      %dma_wait3A_128 = tpu.memref_slice %arg6[%add3A_122, %dma_wait3A_127] : memref<40x128xi32, #tpu.memory_space<vmem>> -> memref<1x128xi32, #tpu.memory_space<vmem>>
      %dma_wait3A_129 = tpu.memref_squeeze %dma_wait3A_128 : memref<1x128xi32, #tpu.memory_space<vmem>> -> memref<128xi32, #tpu.memory_space<vmem>>
      %dma_wait3A_130 = arith.constant 0 : i32
      %dma_wait3A_131 = arith.constant 0 : i32
      %dma_wait3A_132 = tpu.memref_slice %arg2[%dma_wait3A_130, %dma_wait3A_131] : memref<10000x128xf32, #tpu.memory_space<hbm>> -> memref<10000x128xf32, #tpu.memory_space<hbm>>
      tpu.wait_indirect_dma semaphore(%arg12 : memref<!tpu.dma_semaphore, #tpu.memory_space<semaphore_mem>>) src(%dma_wait3A_132 : memref<10000x128xf32, #tpu.memory_space<hbm>>) dst(%arg9 : memref<128x128xf32, #tpu.memory_space<vmem>>)
      "tpu.region"() ({
        %run_scoped3A_179 = tpu.sem_alloc : memref<!tpu.dma_semaphore, #tpu.memory_space<semaphore_mem>>
        %dma_start3A_180 = arith.constant 0 : i32
        %dma_start3A_181 = tpu.memref_slice %arg7[%add3A_122, %dma_start3A_180] : memref<40x128xi32, #tpu.memory_space<vmem>> -> memref<1x128xi32, #tpu.memory_space<vmem>>
        %dma_start3A_182 = tpu.memref_squeeze %dma_start3A_181 : memref<1x128xi32, #tpu.memory_space<vmem>> -> memref<128xi32, #tpu.memory_space<vmem>>
        %dma_start3A_183 = arith.constant 0 : i32
        %dma_start3A_184 = arith.constant 0 : i32
        %dma_start3A_185 = tpu.memref_slice %arg10[%dma_start3A_183, %dma_start3A_184] : memref<10112x128xf32, #tpu.memory_space<vmem_shared>> -> memref<10112x128xf32, #tpu.memory_space<vmem_shared>>
        tpu.enqueue_indirect_dma source(%arg9 : memref<128x128xf32, #tpu.memory_space<vmem>>) target(%dma_start3A_185 : memref<10112x128xf32, #tpu.memory_space<vmem_shared>>) offsets(%dma_start3A_182 : memref<128xi32, #tpu.memory_space<vmem>>) semaphore(%run_scoped3A_179 : memref<!tpu.dma_semaphore, #tpu.memory_space<semaphore_mem>>) {add = true}
        %dma_wait3A_186 = arith.constant 0 : i32
        %dma_wait3A_187 = tpu.memref_slice %arg7[%add3A_122, %dma_wait3A_186] : memref<40x128xi32, #tpu.memory_space<vmem>> -> memref<1x128xi32, #tpu.memory_space<vmem>>
        %dma_wait3A_188 = tpu.memref_squeeze %dma_wait3A_187 : memref<1x128xi32, #tpu.memory_space<vmem>> -> memref<128xi32, #tpu.memory_space<vmem>>
        %dma_wait3A_189 = arith.constant 0 : i32
        %dma_wait3A_190 = arith.constant 0 : i32
        %dma_wait3A_191 = tpu.memref_slice %arg10[%dma_wait3A_189, %dma_wait3A_190] : memref<10112x128xf32, #tpu.memory_space<vmem_shared>> -> memref<10112x128xf32, #tpu.memory_space<vmem_shared>>
        tpu.wait_indirect_dma semaphore(%run_scoped3A_179 : memref<!tpu.dma_semaphore, #tpu.memory_space<semaphore_mem>>) src(%arg9 : memref<128x128xf32, #tpu.memory_space<vmem>>) dst(%dma_wait3A_191 : memref<10112x128xf32, #tpu.memory_space<vmem_shared>>)
        tpu.yield
      }) : () -> ()
      %dma_start3A_133 = arith.constant 0 : i32
      %dma_start3A_134 = tpu.memref_slice %arg6[%min3A_126, %dma_start3A_133] : memref<40x128xi32, #tpu.memory_space<vmem>> -> memref<1x128xi32, #tpu.memory_space<vmem>>
      %dma_start3A_135 = tpu.memref_squeeze %dma_start3A_134 : memref<1x128xi32, #tpu.memory_space<vmem>> -> memref<128xi32, #tpu.memory_space<vmem>>
      %dma_start3A_136 = arith.constant 0 : i32
      %dma_start3A_137 = arith.constant 0 : i32
      %dma_start3A_138 = tpu.memref_slice %arg2[%dma_start3A_136, %dma_start3A_137] : memref<10000x128xf32, #tpu.memory_space<hbm>> -> memref<10000x128xf32, #tpu.memory_space<hbm>>
      tpu.enqueue_indirect_dma source(%dma_start3A_138 : memref<10000x128xf32, #tpu.memory_space<hbm>>) target(%arg9 : memref<128x128xf32, #tpu.memory_space<vmem>>) offsets(%dma_start3A_135 : memref<128xi32, #tpu.memory_space<vmem>>) semaphore(%arg12 : memref<!tpu.dma_semaphore, #tpu.memory_space<semaphore_mem>>)
      %add3A_139 = arith.constant 2 : i32
      %add3A_140 = arith.addi %mul3A_99, %add3A_139 : i32
      %add3A_141 = arith.constant 0 : i32
      %add3A_142 = arith.addi %add3A_140, %add3A_141 : i32
      %add3A_143 = arith.constant 2 : i32
      %add3A_144 = arith.addi %add3A_142, %add3A_143 : i32
      %min3A_145 = arith.constant 39 : i32
      %min3A_146 = arith.minsi %add3A_144, %min3A_145 : i32
      %dma_wait3A_147 = arith.constant 0 : i32
      %dma_wait3A_148 = tpu.memref_slice %arg6[%add3A_142, %dma_wait3A_147] : memref<40x128xi32, #tpu.memory_space<vmem>> -> memref<1x128xi32, #tpu.memory_space<vmem>>
      %dma_wait3A_149 = tpu.memref_squeeze %dma_wait3A_148 : memref<1x128xi32, #tpu.memory_space<vmem>> -> memref<128xi32, #tpu.memory_space<vmem>>
      %dma_wait3A_150 = arith.constant 0 : i32
      %dma_wait3A_151 = arith.constant 0 : i32
      %dma_wait3A_152 = tpu.memref_slice %arg2[%dma_wait3A_150, %dma_wait3A_151] : memref<10000x128xf32, #tpu.memory_space<hbm>> -> memref<10000x128xf32, #tpu.memory_space<hbm>>
      tpu.wait_indirect_dma semaphore(%arg11 : memref<!tpu.dma_semaphore, #tpu.memory_space<semaphore_mem>>) src(%dma_wait3A_152 : memref<10000x128xf32, #tpu.memory_space<hbm>>) dst(%arg8 : memref<128x128xf32, #tpu.memory_space<vmem>>)
      "tpu.region"() ({
        %run_scoped3A_179 = tpu.sem_alloc : memref<!tpu.dma_semaphore, #tpu.memory_space<semaphore_mem>>
        %dma_start3A_180 = arith.constant 0 : i32
        %dma_start3A_181 = tpu.memref_slice %arg7[%add3A_142, %dma_start3A_180] : memref<40x128xi32, #tpu.memory_space<vmem>> -> memref<1x128xi32, #tpu.memory_space<vmem>>
        %dma_start3A_182 = tpu.memref_squeeze %dma_start3A_181 : memref<1x128xi32, #tpu.memory_space<vmem>> -> memref<128xi32, #tpu.memory_space<vmem>>
        %dma_start3A_183 = arith.constant 0 : i32
        %dma_start3A_184 = arith.constant 0 : i32
        %dma_start3A_185 = tpu.memref_slice %arg10[%dma_start3A_183, %dma_start3A_184] : memref<10112x128xf32, #tpu.memory_space<vmem_shared>> -> memref<10112x128xf32, #tpu.memory_space<vmem_shared>>
        tpu.enqueue_indirect_dma source(%arg8 : memref<128x128xf32, #tpu.memory_space<vmem>>) target(%dma_start3A_185 : memref<10112x128xf32, #tpu.memory_space<vmem_shared>>) offsets(%dma_start3A_182 : memref<128xi32, #tpu.memory_space<vmem>>) semaphore(%run_scoped3A_179 : memref<!tpu.dma_semaphore, #tpu.memory_space<semaphore_mem>>) {add = true}
        %dma_wait3A_186 = arith.constant 0 : i32
        %dma_wait3A_187 = tpu.memref_slice %arg7[%add3A_142, %dma_wait3A_186] : memref<40x128xi32, #tpu.memory_space<vmem>> -> memref<1x128xi32, #tpu.memory_space<vmem>>
        %dma_wait3A_188 = tpu.memref_squeeze %dma_wait3A_187 : memref<1x128xi32, #tpu.memory_space<vmem>> -> memref<128xi32, #tpu.memory_space<vmem>>
        %dma_wait3A_189 = arith.constant 0 : i32
        %dma_wait3A_190 = arith.constant 0 : i32
        %dma_wait3A_191 = tpu.memref_slice %arg10[%dma_wait3A_189, %dma_wait3A_190] : memref<10112x128xf32, #tpu.memory_space<vmem_shared>> -> memref<10112x128xf32, #tpu.memory_space<vmem_shared>>
        tpu.wait_indirect_dma semaphore(%run_scoped3A_179 : memref<!tpu.dma_semaphore, #tpu.memory_space<semaphore_mem>>) src(%arg8 : memref<128x128xf32, #tpu.memory_space<vmem>>) dst(%dma_wait3A_191 : memref<10112x128xf32, #tpu.memory_space<vmem_shared>>)
        tpu.yield
      }) : () -> ()
      %dma_start3A_153 = arith.constant 0 : i32
      %dma_start3A_154 = tpu.memref_slice %arg6[%min3A_146, %dma_start3A_153] : memref<40x128xi32, #tpu.memory_space<vmem>> -> memref<1x128xi32, #tpu.memory_space<vmem>>
      %dma_start3A_155 = tpu.memref_squeeze %dma_start3A_154 : memref<1x128xi32, #tpu.memory_space<vmem>> -> memref<128xi32, #tpu.memory_space<vmem>>
      %dma_start3A_156 = arith.constant 0 : i32
      %dma_start3A_157 = arith.constant 0 : i32
      %dma_start3A_158 = tpu.memref_slice %arg2[%dma_start3A_156, %dma_start3A_157] : memref<10000x128xf32, #tpu.memory_space<hbm>> -> memref<10000x128xf32, #tpu.memory_space<hbm>>
      tpu.enqueue_indirect_dma source(%dma_start3A_158 : memref<10000x128xf32, #tpu.memory_space<hbm>>) target(%arg8 : memref<128x128xf32, #tpu.memory_space<vmem>>) offsets(%dma_start3A_155 : memref<128xi32, #tpu.memory_space<vmem>>) semaphore(%arg11 : memref<!tpu.dma_semaphore, #tpu.memory_space<semaphore_mem>>)
      %add3A_159 = arith.constant 2 : i32
      %add3A_160 = arith.addi %mul3A_99, %add3A_159 : i32
      %add3A_161 = arith.constant 1 : i32
      %add3A_162 = arith.addi %add3A_160, %add3A_161 : i32
      %add3A_163 = arith.constant 2 : i32
      %add3A_164 = arith.addi %add3A_162, %add3A_163 : i32
      %min3A_165 = arith.constant 39 : i32
      %min3A_166 = arith.minsi %add3A_164, %min3A_165 : i32
      %dma_wait3A_167 = arith.constant 0 : i32
      %dma_wait3A_168 = tpu.memref_slice %arg6[%add3A_162, %dma_wait3A_167] : memref<40x128xi32, #tpu.memory_space<vmem>> -> memref<1x128xi32, #tpu.memory_space<vmem>>
      %dma_wait3A_169 = tpu.memref_squeeze %dma_wait3A_168 : memref<1x128xi32, #tpu.memory_space<vmem>> -> memref<128xi32, #tpu.memory_space<vmem>>
      %dma_wait3A_170 = arith.constant 0 : i32
      %dma_wait3A_171 = arith.constant 0 : i32
      %dma_wait3A_172 = tpu.memref_slice %arg2[%dma_wait3A_170, %dma_wait3A_171] : memref<10000x128xf32, #tpu.memory_space<hbm>> -> memref<10000x128xf32, #tpu.memory_space<hbm>>
      tpu.wait_indirect_dma semaphore(%arg12 : memref<!tpu.dma_semaphore, #tpu.memory_space<semaphore_mem>>) src(%dma_wait3A_172 : memref<10000x128xf32, #tpu.memory_space<hbm>>) dst(%arg9 : memref<128x128xf32, #tpu.memory_space<vmem>>)
      "tpu.region"() ({
        %run_scoped3A_179 = tpu.sem_alloc : memref<!tpu.dma_semaphore, #tpu.memory_space<semaphore_mem>>
        %dma_start3A_180 = arith.constant 0 : i32
        %dma_start3A_181 = tpu.memref_slice %arg7[%add3A_162, %dma_start3A_180] : memref<40x128xi32, #tpu.memory_space<vmem>> -> memref<1x128xi32, #tpu.memory_space<vmem>>
        %dma_start3A_182 = tpu.memref_squeeze %dma_start3A_181 : memref<1x128xi32, #tpu.memory_space<vmem>> -> memref<128xi32, #tpu.memory_space<vmem>>
        %dma_start3A_183 = arith.constant 0 : i32
        %dma_start3A_184 = arith.constant 0 : i32
        %dma_start3A_185 = tpu.memref_slice %arg10[%dma_start3A_183, %dma_start3A_184] : memref<10112x128xf32, #tpu.memory_space<vmem_shared>> -> memref<10112x128xf32, #tpu.memory_space<vmem_shared>>
        tpu.enqueue_indirect_dma source(%arg9 : memref<128x128xf32, #tpu.memory_space<vmem>>) target(%dma_start3A_185 : memref<10112x128xf32, #tpu.memory_space<vmem_shared>>) offsets(%dma_start3A_182 : memref<128xi32, #tpu.memory_space<vmem>>) semaphore(%run_scoped3A_179 : memref<!tpu.dma_semaphore, #tpu.memory_space<semaphore_mem>>) {add = true}
        %dma_wait3A_186 = arith.constant 0 : i32
        %dma_wait3A_187 = tpu.memref_slice %arg7[%add3A_162, %dma_wait3A_186] : memref<40x128xi32, #tpu.memory_space<vmem>> -> memref<1x128xi32, #tpu.memory_space<vmem>>
        %dma_wait3A_188 = tpu.memref_squeeze %dma_wait3A_187 : memref<1x128xi32, #tpu.memory_space<vmem>> -> memref<128xi32, #tpu.memory_space<vmem>>
        %dma_wait3A_189 = arith.constant 0 : i32
        %dma_wait3A_190 = arith.constant 0 : i32
        %dma_wait3A_191 = tpu.memref_slice %arg10[%dma_wait3A_189, %dma_wait3A_190] : memref<10112x128xf32, #tpu.memory_space<vmem_shared>> -> memref<10112x128xf32, #tpu.memory_space<vmem_shared>>
        tpu.wait_indirect_dma semaphore(%run_scoped3A_179 : memref<!tpu.dma_semaphore, #tpu.memory_space<semaphore_mem>>) src(%arg9 : memref<128x128xf32, #tpu.memory_space<vmem>>) dst(%dma_wait3A_191 : memref<10112x128xf32, #tpu.memory_space<vmem_shared>>)
        tpu.yield
      }) : () -> ()
      %dma_start3A_173 = arith.constant 0 : i32
      %dma_start3A_174 = tpu.memref_slice %arg6[%min3A_166, %dma_start3A_173] : memref<40x128xi32, #tpu.memory_space<vmem>> -> memref<1x128xi32, #tpu.memory_space<vmem>>
      %dma_start3A_175 = tpu.memref_squeeze %dma_start3A_174 : memref<1x128xi32, #tpu.memory_space<vmem>> -> memref<128xi32, #tpu.memory_space<vmem>>
      %dma_start3A_176 = arith.constant 0 : i32
      %dma_start3A_177 = arith.constant 0 : i32
      %dma_start3A_178 = tpu.memref_slice %arg2[%dma_start3A_176, %dma_start3A_177] : memref<10000x128xf32, #tpu.memory_space<hbm>> -> memref<10000x128xf32, #tpu.memory_space<hbm>>
      tpu.enqueue_indirect_dma source(%dma_start3A_178 : memref<10000x128xf32, #tpu.memory_space<hbm>>) target(%arg9 : memref<128x128xf32, #tpu.memory_space<vmem>>) offsets(%dma_start3A_175 : memref<128xi32, #tpu.memory_space<vmem>>) semaphore(%arg12 : memref<!tpu.dma_semaphore, #tpu.memory_space<semaphore_mem>>)
    }
    %scan3A_71 = arith.constant 10 : i32
    %dma_wait3A_72 = arith.constant 39 : i32
    %dma_wait3A_73 = arith.constant 0 : i32
    %dma_wait3A_74 = tpu.memref_slice %arg6[%dma_wait3A_72, %dma_wait3A_73] : memref<40x128xi32, #tpu.memory_space<vmem>> -> memref<1x128xi32, #tpu.memory_space<vmem>>
    %dma_wait3A_75 = tpu.memref_squeeze %dma_wait3A_74 : memref<1x128xi32, #tpu.memory_space<vmem>> -> memref<128xi32, #tpu.memory_space<vmem>>
    %dma_wait3A_76 = arith.constant 0 : i32
    %dma_wait3A_77 = arith.constant 0 : i32
    %dma_wait3A_78 = tpu.memref_slice %arg2[%dma_wait3A_76, %dma_wait3A_77] : memref<10000x128xf32, #tpu.memory_space<hbm>> -> memref<10000x128xf32, #tpu.memory_space<hbm>>
    tpu.wait_indirect_dma semaphore(%arg11 : memref<!tpu.dma_semaphore, #tpu.memory_space<semaphore_mem>>) src(%dma_wait3A_78 : memref<10000x128xf32, #tpu.memory_space<hbm>>) dst(%arg8 : memref<128x128xf32, #tpu.memory_space<vmem>>)
    %dma_wait3A_79 = arith.constant 39 : i32
    %dma_wait3A_80 = arith.constant 0 : i32
    %dma_wait3A_81 = tpu.memref_slice %arg6[%dma_wait3A_79, %dma_wait3A_80] : memref<40x128xi32, #tpu.memory_space<vmem>> -> memref<1x128xi32, #tpu.memory_space<vmem>>
    %dma_wait3A_82 = tpu.memref_squeeze %dma_wait3A_81 : memref<1x128xi32, #tpu.memory_space<vmem>> -> memref<128xi32, #tpu.memory_space<vmem>>
    %dma_wait3A_83 = arith.constant 0 : i32
    %dma_wait3A_84 = arith.constant 0 : i32
    %dma_wait3A_85 = tpu.memref_slice %arg2[%dma_wait3A_83, %dma_wait3A_84] : memref<10000x128xf32, #tpu.memory_space<hbm>> -> memref<10000x128xf32, #tpu.memory_space<hbm>>
    tpu.wait_indirect_dma semaphore(%arg12 : memref<!tpu.dma_semaphore, #tpu.memory_space<semaphore_mem>>) src(%dma_wait3A_85 : memref<10000x128xf32, #tpu.memory_space<hbm>>) dst(%arg9 : memref<128x128xf32, #tpu.memory_space<vmem>>)
    %barrier3A_86 = arith.constant 0 : index
    tpu.barrier barrier_id(%barrier3A_86)
    %scan3A_87 = arith.constant 0 : i32
    %scan3A_88 = arith.constant 0 : i32
    %scan3A_89 = arith.constant 4 : i32
    %scan3A_90 = arith.addi %scan3A_88, %scan3A_89 : i32
    %scan3A_91 = arith.constant 1 : i32
    scf.for %scan3A_97 = %scan3A_88 to %scan3A_90 step %scan3A_91  : i32 {
      %mul3A_98 = arith.constant 128 : i32
      %mul3A_99 = arith.muli %scan3A_97, %mul3A_98 : i32
      %add3A_100 = arith.addi %mul3A_2, %mul3A_99 : i32
      %mul3A_101 = arith.constant 128 : i32
      %mul3A_102 = arith.muli %scan3A_97, %mul3A_101 : i32
      %add3A_103 = arith.addi %mul3A_2, %mul3A_102 : i32
      "tpu.region"() ({
        %run_scoped3A_104 = tpu.sem_alloc : memref<!tpu.dma_semaphore, #tpu.memory_space<semaphore_mem>>
        %dma_start3A_105 = arith.constant 0 : i32
        %dma_start3A_106 = tpu.memref_slice %arg5[%arg0, %add3A_103, %dma_start3A_105] : memref<2x10112x128xf32, #tpu.memory_space<hbm>> -> memref<1x128x128xf32, #tpu.memory_space<hbm>>
        %dma_start3A_107 = tpu.memref_squeeze %dma_start3A_106 : memref<1x128x128xf32, #tpu.memory_space<hbm>> -> memref<128x128xf32, #tpu.memory_space<hbm>>
        %dma_start3A_108 = arith.constant 0 : i32
        %dma_start3A_109 = tpu.memref_slice %arg10[%add3A_100, %dma_start3A_108] : memref<10112x128xf32, #tpu.memory_space<vmem_shared>> -> memref<128x128xf32, #tpu.memory_space<vmem_shared>>
        tpu.enqueue_dma source(%dma_start3A_109 : memref<128x128xf32, #tpu.memory_space<vmem_shared>>) target(%dma_start3A_107 : memref<128x128xf32, #tpu.memory_space<hbm>>) target_semaphore(%run_scoped3A_104 : memref<!tpu.dma_semaphore, #tpu.memory_space<semaphore_mem>>)
        %dma_wait3A_110 = arith.constant 0 : i32
        %dma_wait3A_111 = tpu.memref_slice %arg5[%arg0, %add3A_103, %dma_wait3A_110] : memref<2x10112x128xf32, #tpu.memory_space<hbm>> -> memref<1x128x128xf32, #tpu.memory_space<hbm>>
        %dma_wait3A_112 = tpu.memref_squeeze %dma_wait3A_111 : memref<1x128x128xf32, #tpu.memory_space<hbm>> -> memref<128x128xf32, #tpu.memory_space<hbm>>
        %dma_wait3A_113 = arith.constant 0 : i32
        %dma_wait3A_114 = tpu.memref_slice %arg10[%add3A_100, %dma_wait3A_113] : memref<10112x128xf32, #tpu.memory_space<vmem_shared>> -> memref<128x128xf32, #tpu.memory_space<vmem_shared>>
        tpu.wait_dma2 semaphore(%run_scoped3A_104 : memref<!tpu.dma_semaphore, #tpu.memory_space<semaphore_mem>>) src(%dma_wait3A_114 : memref<128x128xf32, #tpu.memory_space<vmem_shared>>) dst(%dma_wait3A_112 : memref<128x128xf32, #tpu.memory_space<hbm>>)
        tpu.yield
      }) : () -> ()
    }
    %scan3A_92 = arith.constant 4 : i32
    %add3A_93 = arith.constant 512 : i32
    %add3A_94 = arith.addi %mul3A_2, %add3A_93 : i32
    %add3A_95 = arith.constant 512 : i32
    %add3A_96 = arith.addi %mul3A_2, %add3A_95 : i32
    "tpu.region"() ({
      %run_scoped3A_97 = tpu.sem_alloc : memref<!tpu.dma_semaphore, #tpu.memory_space<semaphore_mem>>
      %dma_start3A_98 = arith.constant 0 : i32
      %dma_start3A_99 = tpu.memref_slice %arg5[%arg0, %add3A_96, %dma_start3A_98] : memref<2x10112x128xf32, #tpu.memory_space<hbm>> -> memref<1x120x128xf32, #tpu.memory_space<hbm>>
      %dma_start3A_100 = tpu.memref_squeeze %dma_start3A_99 : memref<1x120x128xf32, #tpu.memory_space<hbm>> -> memref<120x128xf32, #tpu.memory_space<hbm>>
      %dma_start3A_101 = arith.constant 0 : i32
      %dma_start3A_102 = tpu.memref_slice %arg10[%add3A_94, %dma_start3A_101] : memref<10112x128xf32, #tpu.memory_space<vmem_shared>> -> memref<120x128xf32, #tpu.memory_space<vmem_shared>>
      tpu.enqueue_dma source(%dma_start3A_102 : memref<120x128xf32, #tpu.memory_space<vmem_shared>>) target(%dma_start3A_100 : memref<120x128xf32, #tpu.memory_space<hbm>>) target_semaphore(%run_scoped3A_97 : memref<!tpu.dma_semaphore, #tpu.memory_space<semaphore_mem>>)
      %dma_wait3A_103 = arith.constant 0 : i32
      %dma_wait3A_104 = tpu.memref_slice %arg5[%arg0, %add3A_96, %dma_wait3A_103] : memref<2x10112x128xf32, #tpu.memory_space<hbm>> -> memref<1x120x128xf32, #tpu.memory_space<hbm>>
      %dma_wait3A_105 = tpu.memref_squeeze %dma_wait3A_104 : memref<1x120x128xf32, #tpu.memory_space<hbm>> -> memref<120x128xf32, #tpu.memory_space<hbm>>
      %dma_wait3A_106 = arith.constant 0 : i32
      %dma_wait3A_107 = tpu.memref_slice %arg10[%add3A_94, %dma_wait3A_106] : memref<10112x128xf32, #tpu.memory_space<vmem_shared>> -> memref<120x128xf32, #tpu.memory_space<vmem_shared>>
      tpu.wait_dma2 semaphore(%run_scoped3A_97 : memref<!tpu.dma_semaphore, #tpu.memory_space<semaphore_mem>>) src(%dma_wait3A_107 : memref<120x128xf32, #tpu.memory_space<vmem_shared>>) dst(%dma_wait3A_105 : memref<120x128xf32, #tpu.memory_space<hbm>>)
      tpu.yield
    }) : () -> ()
    return
  }
}

#map = affine_map<(d0, d1) -> (0, 0, 0, 0)>
#map1 = affine_map<(d0, d1) -> (0, 0, 0)>
module attributes {stable_mosaic.version = 14 : i64} {
  func.func @body(%arg0: i32, %arg1: i32, %arg2: memref<32x2x40x128xi32, #tpu.memory_space<hbm>>, %arg3: memref<2x10112x128xf32, #tpu.memory_space<hbm>>, %arg4: memref<2x40x128xi32, #tpu.memory_space<vmem>>, %arg5: memref<128x128xf32, #tpu.memory_space<vmem>>, %arg6: memref<10112x128xf32, #tpu.memory_space<vmem_shared>>, %arg7: memref<!tpu.dma_semaphore, #tpu.memory_space<semaphore_mem>>) attributes {dimension_semantics = [#tpu.dimension_semantics<core_parallel>, #tpu.dimension_semantics<subcore_parallel>], iteration_bounds = array<i64: 2, 16>, scalar_prefetch = 0 : i64, scratch_operands = 4 : i64, tpu.core_type = #tpu.core_type<sc_vector_subcore>, window_params = [{transform_indices = #map}, {transform_indices = #map1}]} {
    %mul3A = arith.constant 2 : i32
    %mul3A_0 = arith.muli %arg1, %mul3A : i32
    %add3A = arith.addi %mul3A_0, %arg0 : i32
    %mul3A_1 = arith.constant 632 : i32
    %mul3A_2 = arith.muli %arg1, %mul3A_1 : i32
    %broadcast_in_dim3A = arith.constant 0.000000e+00 : f32
    %broadcast_in_dim3A_3 = vector.broadcast %broadcast_in_dim3A : f32 to vector<16xf32>
    %broadcast_in_dim3A_4 = arith.constant 1.000000e+00 : f32
    %broadcast_in_dim3A_5 = vector.broadcast %broadcast_in_dim3A_4 : f32 to vector<16xf32>
    %scan3A = arith.constant 0 : i32
    %scan3A_6 = arith.constant 0 : i32
    %scan3A_7 = arith.constant 128 : i32
    %scan3A_8 = arith.addi %scan3A_6, %scan3A_7 : i32
    %scan3A_9 = arith.constant 1 : i32
    scf.for %scan3A_48 = %scan3A_6 to %scan3A_8 step %scan3A_9  : i32 {
      %swap3A = arith.index_cast %scan3A_48 : i32 to index
      %swap3A_49 = arith.constant 0 : index
      %swap3A_50 = tpu.vector_load %arg5[%swap3A, %swap3A_49] {strides = array<i32>} : memref<128x128xf32, #tpu.memory_space<vmem>>, vector<1x16xf32>,
      %swap3A_51 = vector.shape_cast %swap3A_50 : vector<1x16xf32> to vector<16xf32>
      %swap3A_52 = vector.shape_cast %broadcast_in_dim3A_3 : vector<16xf32> to vector<1x16xf32>
      tpu.vector_store %arg5[%swap3A, %swap3A_49], %swap3A_52 {strides = array<i32>} : memref<128x128xf32, #tpu.memory_space<vmem>>, vector<1x16xf32>,
      %swap3A_53 = arith.index_cast %scan3A_48 : i32 to index
      %swap3A_54 = arith.constant 16 : index
      %swap3A_55 = tpu.vector_load %arg5[%swap3A_53, %swap3A_54] {strides = array<i32>} : memref<128x128xf32, #tpu.memory_space<vmem>>, vector<1x16xf32>,
      %swap3A_56 = vector.shape_cast %swap3A_55 : vector<1x16xf32> to vector<16xf32>
      %swap3A_57 = vector.shape_cast %broadcast_in_dim3A_3 : vector<16xf32> to vector<1x16xf32>
      tpu.vector_store %arg5[%swap3A_53, %swap3A_54], %swap3A_57 {strides = array<i32>} : memref<128x128xf32, #tpu.memory_space<vmem>>, vector<1x16xf32>,
      %swap3A_58 = arith.index_cast %scan3A_48 : i32 to index
      %swap3A_59 = arith.constant 32 : index
      %swap3A_60 = tpu.vector_load %arg5[%swap3A_58, %swap3A_59] {strides = array<i32>} : memref<128x128xf32, #tpu.memory_space<vmem>>, vector<1x16xf32>,
      %swap3A_61 = vector.shape_cast %swap3A_60 : vector<1x16xf32> to vector<16xf32>
      %swap3A_62 = vector.shape_cast %broadcast_in_dim3A_3 : vector<16xf32> to vector<1x16xf32>
      tpu.vector_store %arg5[%swap3A_58, %swap3A_59], %swap3A_62 {strides = array<i32>} : memref<128x128xf32, #tpu.memory_space<vmem>>, vector<1x16xf32>,
      %swap3A_63 = arith.index_cast %scan3A_48 : i32 to index
      %swap3A_64 = arith.constant 48 : index
      %swap3A_65 = tpu.vector_load %arg5[%swap3A_63, %swap3A_64] {strides = array<i32>} : memref<128x128xf32, #tpu.memory_space<vmem>>, vector<1x16xf32>,
      %swap3A_66 = vector.shape_cast %swap3A_65 : vector<1x16xf32> to vector<16xf32>
      %swap3A_67 = vector.shape_cast %broadcast_in_dim3A_3 : vector<16xf32> to vector<1x16xf32>
      tpu.vector_store %arg5[%swap3A_63, %swap3A_64], %swap3A_67 {strides = array<i32>} : memref<128x128xf32, #tpu.memory_space<vmem>>, vector<1x16xf32>,
      %swap3A_68 = arith.index_cast %scan3A_48 : i32 to index
      %swap3A_69 = arith.constant 64 : index
      %swap3A_70 = tpu.vector_load %arg5[%swap3A_68, %swap3A_69] {strides = array<i32>} : memref<128x128xf32, #tpu.memory_space<vmem>>, vector<1x16xf32>,
      %swap3A_71 = vector.shape_cast %swap3A_70 : vector<1x16xf32> to vector<16xf32>
      %swap3A_72 = vector.shape_cast %broadcast_in_dim3A_3 : vector<16xf32> to vector<1x16xf32>
      tpu.vector_store %arg5[%swap3A_68, %swap3A_69], %swap3A_72 {strides = array<i32>} : memref<128x128xf32, #tpu.memory_space<vmem>>, vector<1x16xf32>,
      %swap3A_73 = arith.index_cast %scan3A_48 : i32 to index
      %swap3A_74 = arith.constant 80 : index
      %swap3A_75 = tpu.vector_load %arg5[%swap3A_73, %swap3A_74] {strides = array<i32>} : memref<128x128xf32, #tpu.memory_space<vmem>>, vector<1x16xf32>,
      %swap3A_76 = vector.shape_cast %swap3A_75 : vector<1x16xf32> to vector<16xf32>
      %swap3A_77 = vector.shape_cast %broadcast_in_dim3A_3 : vector<16xf32> to vector<1x16xf32>
      tpu.vector_store %arg5[%swap3A_73, %swap3A_74], %swap3A_77 {strides = array<i32>} : memref<128x128xf32, #tpu.memory_space<vmem>>, vector<1x16xf32>,
      %swap3A_78 = arith.index_cast %scan3A_48 : i32 to index
      %swap3A_79 = arith.constant 96 : index
      %swap3A_80 = tpu.vector_load %arg5[%swap3A_78, %swap3A_79] {strides = array<i32>} : memref<128x128xf32, #tpu.memory_space<vmem>>, vector<1x16xf32>,
      %swap3A_81 = vector.shape_cast %swap3A_80 : vector<1x16xf32> to vector<16xf32>
      %swap3A_82 = vector.shape_cast %broadcast_in_dim3A_3 : vector<16xf32> to vector<1x16xf32>
      tpu.vector_store %arg5[%swap3A_78, %swap3A_79], %swap3A_82 {strides = array<i32>} : memref<128x128xf32, #tpu.memory_space<vmem>>, vector<1x16xf32>,
      %swap3A_83 = arith.index_cast %scan3A_48 : i32 to index
      %swap3A_84 = arith.constant 112 : index
      %swap3A_85 = tpu.vector_load %arg5[%swap3A_83, %swap3A_84] {strides = array<i32>} : memref<128x128xf32, #tpu.memory_space<vmem>>, vector<1x16xf32>,
      %swap3A_86 = vector.shape_cast %swap3A_85 : vector<1x16xf32> to vector<16xf32>
      %swap3A_87 = vector.shape_cast %broadcast_in_dim3A_3 : vector<16xf32> to vector<1x16xf32>
      tpu.vector_store %arg5[%swap3A_83, %swap3A_84], %swap3A_87 {strides = array<i32>} : memref<128x128xf32, #tpu.memory_space<vmem>>, vector<1x16xf32>,
    }
    %scan3A_10 = arith.constant 128 : i32
    %scan3A_11 = arith.constant 0 : i32
    %scan3A_12 = arith.constant 0 : i32
    %scan3A_13 = arith.constant 4 : i32
    %scan3A_14 = arith.addi %scan3A_12, %scan3A_13 : i32
    %scan3A_15 = arith.constant 1 : i32
    scf.for %scan3A_48 = %scan3A_12 to %scan3A_14 step %scan3A_15  : i32 {
      %mul3A_49 = arith.constant 128 : i32
      %mul3A_50 = arith.muli %scan3A_48, %mul3A_49 : i32
      %add3A_51 = arith.addi %mul3A_2, %mul3A_50 : i32
      "tpu.region"() ({
        %run_scoped3A = tpu.sem_alloc : memref<!tpu.dma_semaphore, #tpu.memory_space<semaphore_mem>>
        %dma_start3A = arith.constant 0 : i32
        %dma_start3A_52 = tpu.memref_slice %arg6[%add3A_51, %dma_start3A] : memref<10112x128xf32, #tpu.memory_space<vmem_shared>> -> memref<128x128xf32, #tpu.memory_space<vmem_shared>>
        %dma_start3A_53 = arith.constant 0 : i32
        %dma_start3A_54 = tpu.memref_slice %arg6[%add3A_51, %dma_start3A_53] : memref<10112x128xf32, #tpu.memory_space<vmem_shared>> -> memref<128x128xf32, #tpu.memory_space<vmem_shared>>
        tpu.enqueue_dma source(%arg5 : memref<128x128xf32, #tpu.memory_space<vmem>>) target(%dma_start3A_54 : memref<128x128xf32, #tpu.memory_space<vmem_shared>>) target_semaphore(%run_scoped3A : memref<!tpu.dma_semaphore, #tpu.memory_space<semaphore_mem>>)
        %dma_wait3A = arith.constant 0 : i32
        %dma_wait3A_55 = tpu.memref_slice %arg6[%add3A_51, %dma_wait3A] : memref<10112x128xf32, #tpu.memory_space<vmem_shared>> -> memref<128x128xf32, #tpu.memory_space<vmem_shared>>
        %dma_wait3A_56 = arith.constant 0 : i32
        %dma_wait3A_57 = tpu.memref_slice %arg6[%add3A_51, %dma_wait3A_56] : memref<10112x128xf32, #tpu.memory_space<vmem_shared>> -> memref<128x128xf32, #tpu.memory_space<vmem_shared>>
        tpu.wait_dma2 semaphore(%run_scoped3A : memref<!tpu.dma_semaphore, #tpu.memory_space<semaphore_mem>>) src(%arg5 : memref<128x128xf32, #tpu.memory_space<vmem>>) dst(%dma_wait3A_57 : memref<128x128xf32, #tpu.memory_space<vmem_shared>>)
        tpu.yield
      }) : () -> ()
    }
    %scan3A_16 = arith.constant 4 : i32
    %add3A_17 = arith.constant 512 : i32
    %add3A_18 = arith.addi %mul3A_2, %add3A_17 : i32
    "tpu.region"() ({
      %run_scoped3A = tpu.sem_alloc : memref<!tpu.dma_semaphore, #tpu.memory_space<semaphore_mem>>
      %dma_start3A = arith.constant 0 : i32
      %dma_start3A_48 = arith.constant 0 : i32
      %dma_start3A_49 = tpu.memref_slice %arg5[%dma_start3A, %dma_start3A_48] : memref<128x128xf32, #tpu.memory_space<vmem>> -> memref<120x128xf32, #tpu.memory_space<vmem>>
      %dma_start3A_50 = arith.constant 0 : i32
      %dma_start3A_51 = tpu.memref_slice %arg6[%add3A_18, %dma_start3A_50] : memref<10112x128xf32, #tpu.memory_space<vmem_shared>> -> memref<120x128xf32, #tpu.memory_space<vmem_shared>>
      %dma_start3A_52 = arith.constant 0 : i32
      %dma_start3A_53 = tpu.memref_slice %arg6[%add3A_18, %dma_start3A_52] : memref<10112x128xf32, #tpu.memory_space<vmem_shared>> -> memref<120x128xf32, #tpu.memory_space<vmem_shared>>
      %dma_start3A_54 = arith.constant 0 : i32
      %dma_start3A_55 = arith.constant 0 : i32
      %dma_start3A_56 = tpu.memref_slice %arg5[%dma_start3A_54, %dma_start3A_55] : memref<128x128xf32, #tpu.memory_space<vmem>> -> memref<120x128xf32, #tpu.memory_space<vmem>>
      tpu.enqueue_dma source(%dma_start3A_56 : memref<120x128xf32, #tpu.memory_space<vmem>>) target(%dma_start3A_53 : memref<120x128xf32, #tpu.memory_space<vmem_shared>>) target_semaphore(%run_scoped3A : memref<!tpu.dma_semaphore, #tpu.memory_space<semaphore_mem>>)
      %dma_wait3A = arith.constant 0 : i32
      %dma_wait3A_57 = arith.constant 0 : i32
      %dma_wait3A_58 = tpu.memref_slice %arg5[%dma_wait3A, %dma_wait3A_57] : memref<128x128xf32, #tpu.memory_space<vmem>> -> memref<120x128xf32, #tpu.memory_space<vmem>>
      %dma_wait3A_59 = arith.constant 0 : i32
      %dma_wait3A_60 = tpu.memref_slice %arg6[%add3A_18, %dma_wait3A_59] : memref<10112x128xf32, #tpu.memory_space<vmem_shared>> -> memref<120x128xf32, #tpu.memory_space<vmem_shared>>
      %dma_wait3A_61 = arith.constant 0 : i32
      %dma_wait3A_62 = tpu.memref_slice %arg6[%add3A_18, %dma_wait3A_61] : memref<10112x128xf32, #tpu.memory_space<vmem_shared>> -> memref<120x128xf32, #tpu.memory_space<vmem_shared>>
      %dma_wait3A_63 = arith.constant 0 : i32
      %dma_wait3A_64 = arith.constant 0 : i32
      %dma_wait3A_65 = tpu.memref_slice %arg5[%dma_wait3A_63, %dma_wait3A_64] : memref<128x128xf32, #tpu.memory_space<vmem>> -> memref<120x128xf32, #tpu.memory_space<vmem>>
      tpu.wait_dma2 semaphore(%run_scoped3A : memref<!tpu.dma_semaphore, #tpu.memory_space<semaphore_mem>>) src(%dma_wait3A_65 : memref<120x128xf32, #tpu.memory_space<vmem>>) dst(%dma_wait3A_62 : memref<120x128xf32, #tpu.memory_space<vmem_shared>>)
      tpu.yield
    }) : () -> ()
    %scan3A_19 = arith.constant 0 : i32
    %scan3A_20 = arith.constant 0 : i32
    %scan3A_21 = arith.constant 128 : i32
    %scan3A_22 = arith.addi %scan3A_20, %scan3A_21 : i32
    %scan3A_23 = arith.constant 1 : i32
    scf.for %scan3A_48 = %scan3A_20 to %scan3A_22 step %scan3A_23  : i32 {
      %swap3A = arith.index_cast %scan3A_48 : i32 to index
      %swap3A_49 = arith.constant 0 : index
      %swap3A_50 = tpu.vector_load %arg5[%swap3A, %swap3A_49] {strides = array<i32>} : memref<128x128xf32, #tpu.memory_space<vmem>>, vector<1x16xf32>,
      %swap3A_51 = vector.shape_cast %swap3A_50 : vector<1x16xf32> to vector<16xf32>
      %swap3A_52 = vector.shape_cast %broadcast_in_dim3A_5 : vector<16xf32> to vector<1x16xf32>
      tpu.vector_store %arg5[%swap3A, %swap3A_49], %swap3A_52 {strides = array<i32>} : memref<128x128xf32, #tpu.memory_space<vmem>>, vector<1x16xf32>,
      %swap3A_53 = arith.index_cast %scan3A_48 : i32 to index
      %swap3A_54 = arith.constant 16 : index
      %swap3A_55 = tpu.vector_load %arg5[%swap3A_53, %swap3A_54] {strides = array<i32>} : memref<128x128xf32, #tpu.memory_space<vmem>>, vector<1x16xf32>,
      %swap3A_56 = vector.shape_cast %swap3A_55 : vector<1x16xf32> to vector<16xf32>
      %swap3A_57 = vector.shape_cast %broadcast_in_dim3A_5 : vector<16xf32> to vector<1x16xf32>
      tpu.vector_store %arg5[%swap3A_53, %swap3A_54], %swap3A_57 {strides = array<i32>} : memref<128x128xf32, #tpu.memory_space<vmem>>, vector<1x16xf32>,
      %swap3A_58 = arith.index_cast %scan3A_48 : i32 to index
      %swap3A_59 = arith.constant 32 : index
      %swap3A_60 = tpu.vector_load %arg5[%swap3A_58, %swap3A_59] {strides = array<i32>} : memref<128x128xf32, #tpu.memory_space<vmem>>, vector<1x16xf32>,
      %swap3A_61 = vector.shape_cast %swap3A_60 : vector<1x16xf32> to vector<16xf32>
      %swap3A_62 = vector.shape_cast %broadcast_in_dim3A_5 : vector<16xf32> to vector<1x16xf32>
      tpu.vector_store %arg5[%swap3A_58, %swap3A_59], %swap3A_62 {strides = array<i32>} : memref<128x128xf32, #tpu.memory_space<vmem>>, vector<1x16xf32>,
      %swap3A_63 = arith.index_cast %scan3A_48 : i32 to index
      %swap3A_64 = arith.constant 48 : index
      %swap3A_65 = tpu.vector_load %arg5[%swap3A_63, %swap3A_64] {strides = array<i32>} : memref<128x128xf32, #tpu.memory_space<vmem>>, vector<1x16xf32>,
      %swap3A_66 = vector.shape_cast %swap3A_65 : vector<1x16xf32> to vector<16xf32>
      %swap3A_67 = vector.shape_cast %broadcast_in_dim3A_5 : vector<16xf32> to vector<1x16xf32>
      tpu.vector_store %arg5[%swap3A_63, %swap3A_64], %swap3A_67 {strides = array<i32>} : memref<128x128xf32, #tpu.memory_space<vmem>>, vector<1x16xf32>,
      %swap3A_68 = arith.index_cast %scan3A_48 : i32 to index
      %swap3A_69 = arith.constant 64 : index
      %swap3A_70 = tpu.vector_load %arg5[%swap3A_68, %swap3A_69] {strides = array<i32>} : memref<128x128xf32, #tpu.memory_space<vmem>>, vector<1x16xf32>,
      %swap3A_71 = vector.shape_cast %swap3A_70 : vector<1x16xf32> to vector<16xf32>
      %swap3A_72 = vector.shape_cast %broadcast_in_dim3A_5 : vector<16xf32> to vector<1x16xf32>
      tpu.vector_store %arg5[%swap3A_68, %swap3A_69], %swap3A_72 {strides = array<i32>} : memref<128x128xf32, #tpu.memory_space<vmem>>, vector<1x16xf32>,
      %swap3A_73 = arith.index_cast %scan3A_48 : i32 to index
      %swap3A_74 = arith.constant 80 : index
      %swap3A_75 = tpu.vector_load %arg5[%swap3A_73, %swap3A_74] {strides = array<i32>} : memref<128x128xf32, #tpu.memory_space<vmem>>, vector<1x16xf32>,
      %swap3A_76 = vector.shape_cast %swap3A_75 : vector<1x16xf32> to vector<16xf32>
      %swap3A_77 = vector.shape_cast %broadcast_in_dim3A_5 : vector<16xf32> to vector<1x16xf32>
      tpu.vector_store %arg5[%swap3A_73, %swap3A_74], %swap3A_77 {strides = array<i32>} : memref<128x128xf32, #tpu.memory_space<vmem>>, vector<1x16xf32>,
      %swap3A_78 = arith.index_cast %scan3A_48 : i32 to index
      %swap3A_79 = arith.constant 96 : index
      %swap3A_80 = tpu.vector_load %arg5[%swap3A_78, %swap3A_79] {strides = array<i32>} : memref<128x128xf32, #tpu.memory_space<vmem>>, vector<1x16xf32>,
      %swap3A_81 = vector.shape_cast %swap3A_80 : vector<1x16xf32> to vector<16xf32>
      %swap3A_82 = vector.shape_cast %broadcast_in_dim3A_5 : vector<16xf32> to vector<1x16xf32>
      tpu.vector_store %arg5[%swap3A_78, %swap3A_79], %swap3A_82 {strides = array<i32>} : memref<128x128xf32, #tpu.memory_space<vmem>>, vector<1x16xf32>,
      %swap3A_83 = arith.index_cast %scan3A_48 : i32 to index
      %swap3A_84 = arith.constant 112 : index
      %swap3A_85 = tpu.vector_load %arg5[%swap3A_83, %swap3A_84] {strides = array<i32>} : memref<128x128xf32, #tpu.memory_space<vmem>>, vector<1x16xf32>,
      %swap3A_86 = vector.shape_cast %swap3A_85 : vector<1x16xf32> to vector<16xf32>
      %swap3A_87 = vector.shape_cast %broadcast_in_dim3A_5 : vector<16xf32> to vector<1x16xf32>
      tpu.vector_store %arg5[%swap3A_83, %swap3A_84], %swap3A_87 {strides = array<i32>} : memref<128x128xf32, #tpu.memory_space<vmem>>, vector<1x16xf32>,
    }
    %scan3A_24 = arith.constant 128 : i32
    "tpu.region"() ({
      %run_scoped3A = tpu.sem_alloc : memref<!tpu.dma_semaphore, #tpu.memory_space<semaphore_mem>>
      %dma_start3A = arith.constant 0 : i32
      %dma_start3A_48 = arith.constant 0 : i32
      %dma_start3A_49 = arith.constant 0 : i32
      %dma_start3A_50 = tpu.memref_slice %arg2[%add3A, %dma_start3A, %dma_start3A_48, %dma_start3A_49] : memref<32x2x40x128xi32, #tpu.memory_space<hbm>> -> memref<1x2x40x128xi32, #tpu.memory_space<hbm>>
      %dma_start3A_51 = tpu.memref_squeeze %dma_start3A_50 : memref<1x2x40x128xi32, #tpu.memory_space<hbm>> -> memref<2x40x128xi32, #tpu.memory_space<hbm>>
      %dma_start3A_52 = arith.constant 0 : i32
      %dma_start3A_53 = arith.constant 0 : i32
      %dma_start3A_54 = arith.constant 0 : i32
      %dma_start3A_55 = tpu.memref_slice %arg2[%add3A, %dma_start3A_52, %dma_start3A_53, %dma_start3A_54] : memref<32x2x40x128xi32, #tpu.memory_space<hbm>> -> memref<1x2x40x128xi32, #tpu.memory_space<hbm>>
      %dma_start3A_56 = tpu.memref_squeeze %dma_start3A_55 : memref<1x2x40x128xi32, #tpu.memory_space<hbm>> -> memref<2x40x128xi32, #tpu.memory_space<hbm>>
      tpu.enqueue_dma source(%dma_start3A_56 : memref<2x40x128xi32, #tpu.memory_space<hbm>>) target(%arg4 : memref<2x40x128xi32, #tpu.memory_space<vmem>>) target_semaphore(%run_scoped3A : memref<!tpu.dma_semaphore, #tpu.memory_space<semaphore_mem>>)
      %dma_wait3A = arith.constant 0 : i32
      %dma_wait3A_57 = arith.constant 0 : i32
      %dma_wait3A_58 = arith.constant 0 : i32
      %dma_wait3A_59 = tpu.memref_slice %arg2[%add3A, %dma_wait3A, %dma_wait3A_57, %dma_wait3A_58] : memref<32x2x40x128xi32, #tpu.memory_space<hbm>> -> memref<1x2x40x128xi32, #tpu.memory_space<hbm>>
      %dma_wait3A_60 = tpu.memref_squeeze %dma_wait3A_59 : memref<1x2x40x128xi32, #tpu.memory_space<hbm>> -> memref<2x40x128xi32, #tpu.memory_space<hbm>>
      %dma_wait3A_61 = arith.constant 0 : i32
      %dma_wait3A_62 = arith.constant 0 : i32
      %dma_wait3A_63 = arith.constant 0 : i32
      %dma_wait3A_64 = tpu.memref_slice %arg2[%add3A, %dma_wait3A_61, %dma_wait3A_62, %dma_wait3A_63] : memref<32x2x40x128xi32, #tpu.memory_space<hbm>> -> memref<1x2x40x128xi32, #tpu.memory_space<hbm>>
      %dma_wait3A_65 = tpu.memref_squeeze %dma_wait3A_64 : memref<1x2x40x128xi32, #tpu.memory_space<hbm>> -> memref<2x40x128xi32, #tpu.memory_space<hbm>>
      tpu.wait_dma2 semaphore(%run_scoped3A : memref<!tpu.dma_semaphore, #tpu.memory_space<semaphore_mem>>) src(%dma_wait3A_65 : memref<2x40x128xi32, #tpu.memory_space<hbm>>) dst(%arg4 : memref<2x40x128xi32, #tpu.memory_space<vmem>>)
      tpu.yield
    }) : () -> ()
    %barrier3A = arith.constant 0 : index
    tpu.barrier barrier_id(%barrier3A)
    %scan3A_25 = arith.constant 0 : i32
    %scan3A_26 = arith.constant 0 : i32
    %scan3A_27 = arith.constant 40 : i32
    %scan3A_28 = arith.addi %scan3A_26, %scan3A_27 : i32
    %scan3A_29 = arith.constant 1 : i32
    scf.for %scan3A_48 = %scan3A_26 to %scan3A_28 step %scan3A_29  : i32 {
      %run_scoped3A = arith.constant 0 : i32
      "tpu.region"() ({
        %run_scoped3A_49 = tpu.sem_alloc : memref<!tpu.dma_semaphore, #tpu.memory_space<semaphore_mem>>
        %dma_start3A = arith.constant 0 : i32
        %dma_start3A_50 = arith.constant 0 : i32
        %dma_start3A_51 = tpu.memref_slice %arg5[%dma_start3A, %dma_start3A_50] : memref<128x128xf32, #tpu.memory_space<vmem>> -> memref<128x128xf32, #tpu.memory_space<vmem>>
        %dma_start3A_52 = arith.constant 0 : i32
        %dma_start3A_53 = tpu.memref_slice %arg4[%run_scoped3A, %scan3A_48, %dma_start3A_52] : memref<2x40x128xi32, #tpu.memory_space<vmem>> -> memref<1x1x128xi32, #tpu.memory_space<vmem>>
        %dma_start3A_54 = tpu.memref_squeeze %dma_start3A_53 : memref<1x1x128xi32, #tpu.memory_space<vmem>> -> memref<128xi32, #tpu.memory_space<vmem>>
        %dma_start3A_55 = arith.constant 0 : i32
        %dma_start3A_56 = arith.constant 0 : i32
        %dma_start3A_57 = tpu.memref_slice %arg6[%dma_start3A_55, %dma_start3A_56] : memref<10112x128xf32, #tpu.memory_space<vmem_shared>> -> memref<10112x128xf32, #tpu.memory_space<vmem_shared>>
        tpu.enqueue_indirect_dma source(%dma_start3A_51 : memref<128x128xf32, #tpu.memory_space<vmem>>) target(%dma_start3A_57 : memref<10112x128xf32, #tpu.memory_space<vmem_shared>>) offsets(%dma_start3A_54 : memref<128xi32, #tpu.memory_space<vmem>>) semaphore(%run_scoped3A_49 : memref<!tpu.dma_semaphore, #tpu.memory_space<semaphore_mem>>) {add = true}
        %dma_wait3A = arith.constant 0 : i32
        %dma_wait3A_58 = arith.constant 0 : i32
        %dma_wait3A_59 = tpu.memref_slice %arg5[%dma_wait3A, %dma_wait3A_58] : memref<128x128xf32, #tpu.memory_space<vmem>> -> memref<128x128xf32, #tpu.memory_space<vmem>>
        %dma_wait3A_60 = arith.constant 0 : i32
        %dma_wait3A_61 = tpu.memref_slice %arg4[%run_scoped3A, %scan3A_48, %dma_wait3A_60] : memref<2x40x128xi32, #tpu.memory_space<vmem>> -> memref<1x1x128xi32, #tpu.memory_space<vmem>>
        %dma_wait3A_62 = tpu.memref_squeeze %dma_wait3A_61 : memref<1x1x128xi32, #tpu.memory_space<vmem>> -> memref<128xi32, #tpu.memory_space<vmem>>
        %dma_wait3A_63 = arith.constant 0 : i32
        %dma_wait3A_64 = arith.constant 0 : i32
        %dma_wait3A_65 = tpu.memref_slice %arg6[%dma_wait3A_63, %dma_wait3A_64] : memref<10112x128xf32, #tpu.memory_space<vmem_shared>> -> memref<10112x128xf32, #tpu.memory_space<vmem_shared>>
        tpu.wait_indirect_dma semaphore(%run_scoped3A_49 : memref<!tpu.dma_semaphore, #tpu.memory_space<semaphore_mem>>) src(%dma_wait3A_59 : memref<128x128xf32, #tpu.memory_space<vmem>>) dst(%dma_wait3A_65 : memref<10112x128xf32, #tpu.memory_space<vmem_shared>>)
        tpu.yield
      }) : () -> ()
    }
    %scan3A_30 = arith.constant 40 : i32
    %scan3A_31 = arith.constant 0 : i32
    %scan3A_32 = arith.constant 0 : i32
    %scan3A_33 = arith.constant 40 : i32
    %scan3A_34 = arith.addi %scan3A_32, %scan3A_33 : i32
    %scan3A_35 = arith.constant 1 : i32
    scf.for %scan3A_48 = %scan3A_32 to %scan3A_34 step %scan3A_35  : i32 {
      %run_scoped3A = arith.constant 1 : i32
      "tpu.region"() ({
        %run_scoped3A_49 = tpu.sem_alloc : memref<!tpu.dma_semaphore, #tpu.memory_space<semaphore_mem>>
        %dma_start3A = arith.constant 0 : i32
        %dma_start3A_50 = arith.constant 0 : i32
        %dma_start3A_51 = tpu.memref_slice %arg5[%dma_start3A, %dma_start3A_50] : memref<128x128xf32, #tpu.memory_space<vmem>> -> memref<128x128xf32, #tpu.memory_space<vmem>>
        %dma_start3A_52 = arith.constant 0 : i32
        %dma_start3A_53 = tpu.memref_slice %arg4[%run_scoped3A, %scan3A_48, %dma_start3A_52] : memref<2x40x128xi32, #tpu.memory_space<vmem>> -> memref<1x1x128xi32, #tpu.memory_space<vmem>>
        %dma_start3A_54 = tpu.memref_squeeze %dma_start3A_53 : memref<1x1x128xi32, #tpu.memory_space<vmem>> -> memref<128xi32, #tpu.memory_space<vmem>>
        %dma_start3A_55 = arith.constant 0 : i32
        %dma_start3A_56 = arith.constant 0 : i32
        %dma_start3A_57 = tpu.memref_slice %arg6[%dma_start3A_55, %dma_start3A_56] : memref<10112x128xf32, #tpu.memory_space<vmem_shared>> -> memref<10112x128xf32, #tpu.memory_space<vmem_shared>>
        tpu.enqueue_indirect_dma source(%dma_start3A_51 : memref<128x128xf32, #tpu.memory_space<vmem>>) target(%dma_start3A_57 : memref<10112x128xf32, #tpu.memory_space<vmem_shared>>) offsets(%dma_start3A_54 : memref<128xi32, #tpu.memory_space<vmem>>) semaphore(%run_scoped3A_49 : memref<!tpu.dma_semaphore, #tpu.memory_space<semaphore_mem>>) {add = true}
        %dma_wait3A = arith.constant 0 : i32
        %dma_wait3A_58 = arith.constant 0 : i32
        %dma_wait3A_59 = tpu.memref_slice %arg5[%dma_wait3A, %dma_wait3A_58] : memref<128x128xf32, #tpu.memory_space<vmem>> -> memref<128x128xf32, #tpu.memory_space<vmem>>
        %dma_wait3A_60 = arith.constant 0 : i32
        %dma_wait3A_61 = tpu.memref_slice %arg4[%run_scoped3A, %scan3A_48, %dma_wait3A_60] : memref<2x40x128xi32, #tpu.memory_space<vmem>> -> memref<1x1x128xi32, #tpu.memory_space<vmem>>
        %dma_wait3A_62 = tpu.memref_squeeze %dma_wait3A_61 : memref<1x1x128xi32, #tpu.memory_space<vmem>> -> memref<128xi32, #tpu.memory_space<vmem>>
        %dma_wait3A_63 = arith.constant 0 : i32
        %dma_wait3A_64 = arith.constant 0 : i32
        %dma_wait3A_65 = tpu.memref_slice %arg6[%dma_wait3A_63, %dma_wait3A_64] : memref<10112x128xf32, #tpu.memory_space<vmem_shared>> -> memref<10112x128xf32, #tpu.memory_space<vmem_shared>>
        tpu.wait_indirect_dma semaphore(%run_scoped3A_49 : memref<!tpu.dma_semaphore, #tpu.memory_space<semaphore_mem>>) src(%dma_wait3A_59 : memref<128x128xf32, #tpu.memory_space<vmem>>) dst(%dma_wait3A_65 : memref<10112x128xf32, #tpu.memory_space<vmem_shared>>)
        tpu.yield
      }) : () -> ()
    }
    %scan3A_36 = arith.constant 40 : i32
    %barrier3A_37 = arith.constant 0 : index
    tpu.barrier barrier_id(%barrier3A_37)
    %scan3A_38 = arith.constant 0 : i32
    %scan3A_39 = arith.constant 0 : i32
    %scan3A_40 = arith.constant 4 : i32
    %scan3A_41 = arith.addi %scan3A_39, %scan3A_40 : i32
    %scan3A_42 = arith.constant 1 : i32
    scf.for %scan3A_48 = %scan3A_39 to %scan3A_41 step %scan3A_42  : i32 {
      %mul3A_49 = arith.constant 128 : i32
      %mul3A_50 = arith.muli %scan3A_48, %mul3A_49 : i32
      %add3A_51 = arith.addi %mul3A_2, %mul3A_50 : i32
      %mul3A_52 = arith.constant 128 : i32
      %mul3A_53 = arith.muli %scan3A_48, %mul3A_52 : i32
      %add3A_54 = arith.addi %mul3A_2, %mul3A_53 : i32
      "tpu.region"() ({
        %run_scoped3A = tpu.sem_alloc : memref<!tpu.dma_semaphore, #tpu.memory_space<semaphore_mem>>
        %dma_start3A = arith.constant 0 : i32
        %dma_start3A_55 = tpu.memref_slice %arg3[%arg0, %add3A_54, %dma_start3A] : memref<2x10112x128xf32, #tpu.memory_space<hbm>> -> memref<1x128x128xf32, #tpu.memory_space<hbm>>
        %dma_start3A_56 = tpu.memref_squeeze %dma_start3A_55 : memref<1x128x128xf32, #tpu.memory_space<hbm>> -> memref<128x128xf32, #tpu.memory_space<hbm>>
        %dma_start3A_57 = arith.constant 0 : i32
        %dma_start3A_58 = tpu.memref_slice %arg6[%add3A_51, %dma_start3A_57] : memref<10112x128xf32, #tpu.memory_space<vmem_shared>> -> memref<128x128xf32, #tpu.memory_space<vmem_shared>>
        tpu.enqueue_dma source(%dma_start3A_58 : memref<128x128xf32, #tpu.memory_space<vmem_shared>>) target(%dma_start3A_56 : memref<128x128xf32, #tpu.memory_space<hbm>>) target_semaphore(%run_scoped3A : memref<!tpu.dma_semaphore, #tpu.memory_space<semaphore_mem>>)
        %dma_wait3A = arith.constant 0 : i32
        %dma_wait3A_59 = tpu.memref_slice %arg3[%arg0, %add3A_54, %dma_wait3A] : memref<2x10112x128xf32, #tpu.memory_space<hbm>> -> memref<1x128x128xf32, #tpu.memory_space<hbm>>
        %dma_wait3A_60 = tpu.memref_squeeze %dma_wait3A_59 : memref<1x128x128xf32, #tpu.memory_space<hbm>> -> memref<128x128xf32, #tpu.memory_space<hbm>>
        %dma_wait3A_61 = arith.constant 0 : i32
        %dma_wait3A_62 = tpu.memref_slice %arg6[%add3A_51, %dma_wait3A_61] : memref<10112x128xf32, #tpu.memory_space<vmem_shared>> -> memref<128x128xf32, #tpu.memory_space<vmem_shared>>
        tpu.wait_dma2 semaphore(%run_scoped3A : memref<!tpu.dma_semaphore, #tpu.memory_space<semaphore_mem>>) src(%dma_wait3A_62 : memref<128x128xf32, #tpu.memory_space<vmem_shared>>) dst(%dma_wait3A_60 : memref<128x128xf32, #tpu.memory_space<hbm>>)
        tpu.yield
      }) : () -> ()
    }
    %scan3A_43 = arith.constant 4 : i32
    %add3A_44 = arith.constant 512 : i32
    %add3A_45 = arith.addi %mul3A_2, %add3A_44 : i32
    %add3A_46 = arith.constant 512 : i32
    %add3A_47 = arith.addi %mul3A_2, %add3A_46 : i32
    "tpu.region"() ({
      %run_scoped3A = tpu.sem_alloc : memref<!tpu.dma_semaphore, #tpu.memory_space<semaphore_mem>>
      %dma_start3A = arith.constant 0 : i32
      %dma_start3A_48 = tpu.memref_slice %arg3[%arg0, %add3A_47, %dma_start3A] : memref<2x10112x128xf32, #tpu.memory_space<hbm>> -> memref<1x120x128xf32, #tpu.memory_space<hbm>>
      %dma_start3A_49 = tpu.memref_squeeze %dma_start3A_48 : memref<1x120x128xf32, #tpu.memory_space<hbm>> -> memref<120x128xf32, #tpu.memory_space<hbm>>
      %dma_start3A_50 = arith.constant 0 : i32
      %dma_start3A_51 = tpu.memref_slice %arg6[%add3A_45, %dma_start3A_50] : memref<10112x128xf32, #tpu.memory_space<vmem_shared>> -> memref<120x128xf32, #tpu.memory_space<vmem_shared>>
      tpu.enqueue_dma source(%dma_start3A_51 : memref<120x128xf32, #tpu.memory_space<vmem_shared>>) target(%dma_start3A_49 : memref<120x128xf32, #tpu.memory_space<hbm>>) target_semaphore(%run_scoped3A : memref<!tpu.dma_semaphore, #tpu.memory_space<semaphore_mem>>)
      %dma_wait3A = arith.constant 0 : i32
      %dma_wait3A_52 = tpu.memref_slice %arg3[%arg0, %add3A_47, %dma_wait3A] : memref<2x10112x128xf32, #tpu.memory_space<hbm>> -> memref<1x120x128xf32, #tpu.memory_space<hbm>>
      %dma_wait3A_53 = tpu.memref_squeeze %dma_wait3A_52 : memref<1x120x128xf32, #tpu.memory_space<hbm>> -> memref<120x128xf32, #tpu.memory_space<hbm>>
      %dma_wait3A_54 = arith.constant 0 : i32
      %dma_wait3A_55 = tpu.memref_slice %arg6[%add3A_45, %dma_wait3A_54] : memref<10112x128xf32, #tpu.memory_space<vmem_shared>> -> memref<120x128xf32, #tpu.memory_space<vmem_shared>>
      tpu.wait_dma2 semaphore(%run_scoped3A : memref<!tpu.dma_semaphore, #tpu.memory_space<semaphore_mem>>) src(%dma_wait3A_55 : memref<120x128xf32, #tpu.memory_space<vmem_shared>>) dst(%dma_wait3A_53 : memref<120x128xf32, #tpu.memory_space<hbm>>)
      tpu.yield
    }) : () -> ()
    return
  }
}

module attributes {stable_mosaic.version = 14 : i64} {
  func.func @_feat_body(%arg0: i32, %arg1: memref<1000x128xf32, #tpu.memory_space<vmem>>, %arg2: memref<128x128xf32, #tpu.memory_space<vmem>>, %arg3: memref<1x128xf32, #tpu.memory_space<vmem>>, %arg4: memref<1000x128xf32, #tpu.memory_space<vmem>>) attributes {dimension_semantics = [#tpu.dimension_semantics<arbitrary>], iteration_bounds = array<i64: 10>, scalar_prefetch = 0 : i64, scratch_operands = 0 : i64, tpu.core_type = #tpu.core_type<tc>, window_params = [{transform_indices = @transform_0, window_bounds = array<i64: 1000, 128>}, {pipeline_mode = #tpu.pipeline_mode<synchronous>, transform_indices = @transform_1, window_bounds = array<i64: 128, 128>}, {pipeline_mode = #tpu.pipeline_mode<synchronous>, transform_indices = @transform_2, window_bounds = array<i64: 1, 128>}, {transform_indices = @transform_3, window_bounds = array<i64: 1000, 128>}]} {
    %get3A = arith.constant 0 : index
    %get3A_0 = arith.constant 0 : index
    %get3A_1 = vector.load %arg1[%get3A, %get3A_0] : memref<1000x128xf32, #tpu.memory_space<vmem>>, vector<1000x128xf32>
    %get3A_2 = arith.constant 0 : index
    %get3A_3 = arith.constant 0 : index
    %get3A_4 = vector.load %arg2[%get3A_2, %get3A_3] : memref<128x128xf32, #tpu.memory_space<vmem>>, vector<128x128xf32>
    %dot_general3A = arith.constant dense<0.000000e+00> : vector<1000x128xf32>
    %dot_general3A_5 = tpu.matmul %get3A_1, %get3A_4, %dot_general3A {dimension_numbers = #tpu.dot_dimension_numbers<[1], [0], [0], [1], [0, 0, 1, 1], [], []>, transpose_lhs_hint = false} : vector<1000x128xf32>, vector<128x128xf32>, vector<1000x128xf32> -> vector<1000x128xf32>
    %get3A_6 = arith.constant 0 : index
    %get3A_7 = arith.constant 0 : index
    %get3A_8 = vector.load %arg3[%get3A_6, %get3A_7] : memref<1x128xf32, #tpu.memory_space<vmem>>, vector<1x128xf32>
    %add3A = vector.broadcast %get3A_8 : vector<1x128xf32> to vector<1000x128xf32>
    %add3A_9 = arith.addf %dot_general3A_5, %add3A : vector<1000x128xf32>
    %max3A = arith.constant 0.000000e+00 : f32
    %max3A_10 = vector.broadcast %max3A : f32 to vector<1000x128xf32>
    %max3A_11 = arith.maximumf %add3A_9, %max3A_10 : vector<1000x128xf32>
    %swap3A = arith.constant 0 : index
    %swap3A_12 = arith.constant 0 : index
    %swap3A_13 = vector.load %arg4[%swap3A, %swap3A_12] : memref<1000x128xf32, #tpu.memory_space<vmem>>, vector<1000x128xf32>
    tpu.vector_store %arg4[%swap3A, %swap3A_12], %max3A_11 {strides = array<i32>} : memref<1000x128xf32, #tpu.memory_space<vmem>>, vector<1000x128xf32>,
    return
  }
  func.func @transform_0(%arg0: i32) -> (i32, i32) {
    %c0_i32 = arith.constant 0 : i32
    %c0_i32_0 = arith.constant 0 : i32
    return %arg0, %c0_i32 : i32, i32
  }
  func.func @transform_1(%arg0: i32) -> (i32, i32) {
    %c0_i32 = arith.constant 0 : i32
    %c0_i32_0 = arith.constant 0 : i32
    %c0_i32_1 = arith.constant 0 : i32
    return %c0_i32, %c0_i32_0 : i32, i32
  }
  func.func @transform_2(%arg0: i32) -> (i32, i32) {
    %c0_i32 = arith.constant 0 : i32
    %c0_i32_0 = arith.constant 0 : i32
    %c0_i32_1 = arith.constant 0 : i32
    return %c0_i32, %c0_i32_0 : i32, i32
  }
  func.func @transform_3(%arg0: i32) -> (i32, i32) {
    %c0_i32 = arith.constant 0 : i32
    %c0_i32_0 = arith.constant 0 : i32
    return %arg0, %c0_i32 : i32, i32
  }
}

module attributes {stable_mosaic.version = 14 : i64} {
  func.func @_mid_body(%arg0: i32, %arg1: memref<2x2000x128xf32, #tpu.memory_space<vmem>>, %arg2: memref<2x2000x128xf32, #tpu.memory_space<vmem>>, %arg3: memref<128x128xf32, #tpu.memory_space<vmem>>, %arg4: memref<1x128xf32, #tpu.memory_space<vmem>>, %arg5: memref<2000x128xf32, #tpu.memory_space<vmem>>) attributes {dimension_semantics = [#tpu.dimension_semantics<arbitrary>], iteration_bounds = array<i64: 5>, scalar_prefetch = 0 : i64, scratch_operands = 0 : i64, tpu.core_type = #tpu.core_type<tc>, window_params = [{transform_indices = @transform_0, window_bounds = array<i64: 2, 2000, 128>}, {transform_indices = @transform_1, window_bounds = array<i64: 2, 2000, 128>}, {pipeline_mode = #tpu.pipeline_mode<synchronous>, transform_indices = @transform_2, window_bounds = array<i64: 128, 128>}, {pipeline_mode = #tpu.pipeline_mode<synchronous>, transform_indices = @transform_3, window_bounds = array<i64: 1, 128>}, {transform_indices = @transform_4, window_bounds = array<i64: 2000, 128>}]} {
    %get3A = arith.constant 0 : index
    %get3A_0 = arith.constant 0 : index
    %get3A_1 = arith.constant 0 : index
    %get3A_2 = vector.load %arg2[%get3A, %get3A_0, %get3A_1] : memref<2x2000x128xf32, #tpu.memory_space<vmem>>, vector<1x2000x1xf32>
    %get3A_3 = vector.shape_cast %get3A_2 : vector<1x2000x1xf32> to vector<2000x1xf32>
    %get3A_4 = arith.constant 1 : index
    %get3A_5 = arith.constant 0 : index
    %get3A_6 = arith.constant 0 : index
    %get3A_7 = vector.load %arg2[%get3A_4, %get3A_5, %get3A_6] : memref<2x2000x128xf32, #tpu.memory_space<vmem>>, vector<1x2000x1xf32>
    %get3A_8 = vector.shape_cast %get3A_7 : vector<1x2000x1xf32> to vector<2000x1xf32>
    %add3A = arith.addf %get3A_3, %get3A_8 : vector<2000x1xf32>
    %get3A_9 = arith.constant 0 : index
    %get3A_10 = arith.constant 0 : index
    %get3A_11 = arith.constant 0 : index
    %get3A_12 = vector.load %arg1[%get3A_9, %get3A_10, %get3A_11] : memref<2x2000x128xf32, #tpu.memory_space<vmem>>, vector<1x2000x128xf32>
    %get3A_13 = vector.shape_cast %get3A_12 : vector<1x2000x128xf32> to vector<2000x128xf32>
    %get3A_14 = arith.constant 1 : index
    %get3A_15 = arith.constant 0 : index
    %get3A_16 = arith.constant 0 : index
    %get3A_17 = vector.load %arg1[%get3A_14, %get3A_15, %get3A_16] : memref<2x2000x128xf32, #tpu.memory_space<vmem>>, vector<1x2000x128xf32>
    %get3A_18 = vector.shape_cast %get3A_17 : vector<1x2000x128xf32> to vector<2000x128xf32>
    %add3A_19 = arith.addf %get3A_13, %get3A_18 : vector<2000x128xf32>
    %max3A = arith.constant 1.000000e+00 : f32
    %max3A_20 = vector.broadcast %max3A : f32 to vector<2000x1xf32>
    %max3A_21 = arith.maximumf %add3A, %max3A_20 : vector<2000x1xf32>
    %div3A = vector.broadcast %max3A_21 : vector<2000x1xf32> to vector<2000x128xf32>
    %div3A_22 = arith.divf %add3A_19, %div3A : vector<2000x128xf32>
    %get3A_23 = arith.constant 0 : index
    %get3A_24 = arith.constant 0 : index
    %get3A_25 = vector.load %arg3[%get3A_23, %get3A_24] : memref<128x128xf32, #tpu.memory_space<vmem>>, vector<128x128xf32>
    %dot_general3A = arith.constant dense<0.000000e+00> : vector<2000x128xf32>
    %dot_general3A_26 = tpu.matmul %div3A_22, %get3A_25, %dot_general3A {dimension_numbers = #tpu.dot_dimension_numbers<[1], [0], [0], [1], [0, 0, 1, 1], [], []>, transpose_lhs_hint = false} : vector<2000x128xf32>, vector<128x128xf32>, vector<2000x128xf32> -> vector<2000x128xf32>
    %get3A_27 = arith.constant 0 : index
    %get3A_28 = arith.constant 0 : index
    %get3A_29 = vector.load %arg4[%get3A_27, %get3A_28] : memref<1x128xf32, #tpu.memory_space<vmem>>, vector<1x128xf32>
    %add3A_30 = vector.broadcast %get3A_29 : vector<1x128xf32> to vector<2000x128xf32>
    %add3A_31 = arith.addf %dot_general3A_26, %add3A_30 : vector<2000x128xf32>
    %max3A_32 = arith.constant 0.000000e+00 : f32
    %max3A_33 = vector.broadcast %max3A_32 : f32 to vector<2000x128xf32>
    %max3A_34 = arith.maximumf %add3A_31, %max3A_33 : vector<2000x128xf32>
    %swap3A = arith.constant 0 : index
    %swap3A_35 = arith.constant 0 : index
    %swap3A_36 = vector.load %arg5[%swap3A, %swap3A_35] : memref<2000x128xf32, #tpu.memory_space<vmem>>, vector<2000x128xf32>
    tpu.vector_store %arg5[%swap3A, %swap3A_35], %max3A_34 {strides = array<i32>} : memref<2000x128xf32, #tpu.memory_space<vmem>>, vector<2000x128xf32>,
    return
  }
  func.func @transform_0(%arg0: i32) -> (i32, i32, i32) {
    %c0_i32 = arith.constant 0 : i32
    %c0_i32_0 = arith.constant 0 : i32
    %c0_i32_1 = arith.constant 0 : i32
    return %c0_i32, %arg0, %c0_i32_0 : i32, i32, i32
  }
  func.func @transform_1(%arg0: i32) -> (i32, i32, i32) {
    %c0_i32 = arith.constant 0 : i32
    %c0_i32_0 = arith.constant 0 : i32
    %c0_i32_1 = arith.constant 0 : i32
    return %c0_i32, %arg0, %c0_i32_0 : i32, i32, i32
  }
  func.func @transform_2(%arg0: i32) -> (i32, i32) {
    %c0_i32 = arith.constant 0 : i32
    %c0_i32_0 = arith.constant 0 : i32
    %c0_i32_1 = arith.constant 0 : i32
    return %c0_i32, %c0_i32_0 : i32, i32
  }
  func.func @transform_3(%arg0: i32) -> (i32, i32) {
    %c0_i32 = arith.constant 0 : i32
    %c0_i32_0 = arith.constant 0 : i32
    %c0_i32_1 = arith.constant 0 : i32
    return %c0_i32, %c0_i32_0 : i32, i32
  }
  func.func @transform_4(%arg0: i32) -> (i32, i32) {
    %c0_i32 = arith.constant 0 : i32
    %c0_i32_0 = arith.constant 0 : i32
    return %arg0, %c0_i32 : i32, i32
  }
}

module attributes {stable_mosaic.version = 14 : i64} {
  func.func @_final_body(%arg0: i32, %arg1: memref<2x2000x128xf32, #tpu.memory_space<vmem>>, %arg2: memref<2x2000x128xf32, #tpu.memory_space<vmem>>, %arg3: memref<128x128xf32, #tpu.memory_space<vmem>>, %arg4: memref<1x128xf32, #tpu.memory_space<vmem>>, %arg5: memref<3x128xf32, #tpu.memory_space<vmem>>, %arg6: memref<128x64xf32, #tpu.memory_space<vmem>>, %arg7: memref<1x64xf32, #tpu.memory_space<vmem>>, %arg8: memref<64x2xf32, #tpu.memory_space<vmem>>, %arg9: memref<1x2xf32, #tpu.memory_space<vmem>>, %arg10: memref<2000x2xf32, #tpu.memory_space<vmem>>) attributes {dimension_semantics = [#tpu.dimension_semantics<arbitrary>], iteration_bounds = array<i64: 5>, scalar_prefetch = 0 : i64, scratch_operands = 0 : i64, tpu.core_type = #tpu.core_type<tc>, window_params = [{transform_indices = @transform_0, window_bounds = array<i64: 2, 2000, 128>}, {transform_indices = @transform_1, window_bounds = array<i64: 2, 2000, 128>}, {pipeline_mode = #tpu.pipeline_mode<synchronous>, transform_indices = @transform_2, window_bounds = array<i64: 128, 128>}, {pipeline_mode = #tpu.pipeline_mode<synchronous>, transform_indices = @transform_3, window_bounds = array<i64: 1, 128>}, {pipeline_mode = #tpu.pipeline_mode<synchronous>, transform_indices = @transform_4, window_bounds = array<i64: 3, 128>}, {pipeline_mode = #tpu.pipeline_mode<synchronous>, transform_indices = @transform_5, window_bounds = array<i64: 128, 64>}, {pipeline_mode = #tpu.pipeline_mode<synchronous>, transform_indices = @transform_6, window_bounds = array<i64: 1, 64>}, {pipeline_mode = #tpu.pipeline_mode<synchronous>, transform_indices = @transform_7, window_bounds = array<i64: 64, 2>}, {pipeline_mode = #tpu.pipeline_mode<synchronous>, transform_indices = @transform_8, window_bounds = array<i64: 1, 2>}, {transform_indices = @transform_9, window_bounds = array<i64: 2000, 2>}]} {
    %get3A = arith.constant 0 : index
    %get3A_0 = arith.constant 0 : index
    %get3A_1 = arith.constant 0 : index
    %get3A_2 = vector.load %arg2[%get3A, %get3A_0, %get3A_1] : memref<2x2000x128xf32, #tpu.memory_space<vmem>>, vector<1x2000x1xf32>
    %get3A_3 = vector.shape_cast %get3A_2 : vector<1x2000x1xf32> to vector<2000x1xf32>
    %get3A_4 = arith.constant 1 : index
    %get3A_5 = arith.constant 0 : index
    %get3A_6 = arith.constant 0 : index
    %get3A_7 = vector.load %arg2[%get3A_4, %get3A_5, %get3A_6] : memref<2x2000x128xf32, #tpu.memory_space<vmem>>, vector<1x2000x1xf32>
    %get3A_8 = vector.shape_cast %get3A_7 : vector<1x2000x1xf32> to vector<2000x1xf32>
    %add3A = arith.addf %get3A_3, %get3A_8 : vector<2000x1xf32>
    %get3A_9 = arith.constant 0 : index
    %get3A_10 = arith.constant 0 : index
    %get3A_11 = arith.constant 0 : index
    %get3A_12 = vector.load %arg1[%get3A_9, %get3A_10, %get3A_11] : memref<2x2000x128xf32, #tpu.memory_space<vmem>>, vector<1x2000x128xf32>
    %get3A_13 = vector.shape_cast %get3A_12 : vector<1x2000x128xf32> to vector<2000x128xf32>
    %get3A_14 = arith.constant 1 : index
    %get3A_15 = arith.constant 0 : index
    %get3A_16 = arith.constant 0 : index
    %get3A_17 = vector.load %arg1[%get3A_14, %get3A_15, %get3A_16] : memref<2x2000x128xf32, #tpu.memory_space<vmem>>, vector<1x2000x128xf32>
    %get3A_18 = vector.shape_cast %get3A_17 : vector<1x2000x128xf32> to vector<2000x128xf32>
    %add3A_19 = arith.addf %get3A_13, %get3A_18 : vector<2000x128xf32>
    %max3A = arith.constant 1.000000e+00 : f32
    %max3A_20 = vector.broadcast %max3A : f32 to vector<2000x1xf32>
    %max3A_21 = arith.maximumf %add3A, %max3A_20 : vector<2000x1xf32>
    %div3A = vector.broadcast %max3A_21 : vector<2000x1xf32> to vector<2000x128xf32>
    %div3A_22 = arith.divf %add3A_19, %div3A : vector<2000x128xf32>
    %get3A_23 = arith.constant 0 : index
    %get3A_24 = arith.constant 0 : index
    %get3A_25 = vector.load %arg3[%get3A_23, %get3A_24] : memref<128x128xf32, #tpu.memory_space<vmem>>, vector<128x128xf32>
    %dot_general3A = arith.constant dense<0.000000e+00> : vector<2000x128xf32>
    %dot_general3A_26 = tpu.matmul %div3A_22, %get3A_25, %dot_general3A {dimension_numbers = #tpu.dot_dimension_numbers<[1], [0], [0], [1], [0, 0, 1, 1], [], []>, transpose_lhs_hint = false} : vector<2000x128xf32>, vector<128x128xf32>, vector<2000x128xf32> -> vector<2000x128xf32>
    %get3A_27 = arith.constant 0 : index
    %get3A_28 = arith.constant 0 : index
    %get3A_29 = vector.load %arg4[%get3A_27, %get3A_28] : memref<1x128xf32, #tpu.memory_space<vmem>>, vector<1x128xf32>
    %add3A_30 = vector.broadcast %get3A_29 : vector<1x128xf32> to vector<2000x128xf32>
    %add3A_31 = arith.addf %dot_general3A_26, %add3A_30 : vector<2000x128xf32>
    %get3A_32 = arith.constant 0 : index
    %get3A_33 = arith.constant 0 : index
    %get3A_34 = vector.load %arg5[%get3A_32, %get3A_33] : memref<3x128xf32, #tpu.memory_space<vmem>>, vector<3x128xf32>
    %reduce_sum3A = arith.constant dense<0.000000e+00> : vector<128xf32>
    %reduce_sum3A_35 = vector.multi_reduction <add>, %get3A_34, %reduce_sum3A [0] : vector<3x128xf32> to vector<128xf32>
    %broadcast_in_dim3A = vector.shape_cast %reduce_sum3A_35 : vector<128xf32> to vector<1x128xf32>
    %div3A_36 = arith.constant 3.000000e+00 : f32
    %div3A_37 = vector.broadcast %div3A_36 : f32 to vector<1x128xf32>
    %div3A_38 = arith.divf %broadcast_in_dim3A, %div3A_37 : vector<1x128xf32>
    %add3A_39 = vector.broadcast %div3A_38 : vector<1x128xf32> to vector<2000x128xf32>
    %add3A_40 = arith.addf %add3A_31, %add3A_39 : vector<2000x128xf32>
    %get3A_41 = arith.constant 0 : index
    %get3A_42 = arith.constant 0 : index
    %get3A_43 = vector.load %arg6[%get3A_41, %get3A_42] : memref<128x64xf32, #tpu.memory_space<vmem>>, vector<128x64xf32>
    %dot_general3A_44 = arith.constant dense<0.000000e+00> : vector<2000x64xf32>
    %dot_general3A_45 = tpu.matmul %add3A_40, %get3A_43, %dot_general3A_44 {dimension_numbers = #tpu.dot_dimension_numbers<[1], [0], [0], [1], [0, 0, 1, 1], [], []>, transpose_lhs_hint = false} : vector<2000x128xf32>, vector<128x64xf32>, vector<2000x64xf32> -> vector<2000x64xf32>
    %get3A_46 = arith.constant 0 : index
    %get3A_47 = arith.constant 0 : index
    %get3A_48 = vector.load %arg7[%get3A_46, %get3A_47] : memref<1x64xf32, #tpu.memory_space<vmem>>, vector<1x64xf32>
    %add3A_49 = vector.broadcast %get3A_48 : vector<1x64xf32> to vector<2000x64xf32>
    %add3A_50 = arith.addf %dot_general3A_45, %add3A_49 : vector<2000x64xf32>
    %max3A_51 = arith.constant 0.000000e+00 : f32
    %max3A_52 = vector.broadcast %max3A_51 : f32 to vector<2000x64xf32>
    %max3A_53 = arith.maximumf %add3A_50, %max3A_52 : vector<2000x64xf32>
    %get3A_54 = arith.constant 0 : index
    %get3A_55 = arith.constant 0 : index
    %get3A_56 = vector.load %arg8[%get3A_54, %get3A_55] : memref<64x2xf32, #tpu.memory_space<vmem>>, vector<64x2xf32>
    %dot_general3A_57 = arith.constant dense<0.000000e+00> : vector<2000x2xf32>
    %dot_general3A_58 = tpu.matmul %max3A_53, %get3A_56, %dot_general3A_57 {dimension_numbers = #tpu.dot_dimension_numbers<[1], [0], [0], [1], [0, 0, 1, 1], [], []>, transpose_lhs_hint = false} : vector<2000x64xf32>, vector<64x2xf32>, vector<2000x2xf32> -> vector<2000x2xf32>
    %get3A_59 = arith.constant 0 : index
    %get3A_60 = arith.constant 0 : index
    %get3A_61 = vector.load %arg9[%get3A_59, %get3A_60] : memref<1x2xf32, #tpu.memory_space<vmem>>, vector<1x2xf32>
    %add3A_62 = vector.broadcast %get3A_61 : vector<1x2xf32> to vector<2000x2xf32>
    %add3A_63 = arith.addf %dot_general3A_58, %add3A_62 : vector<2000x2xf32>
    %swap3A = arith.constant 0 : index
    %swap3A_64 = arith.constant 0 : index
    %swap3A_65 = vector.load %arg10[%swap3A, %swap3A_64] : memref<2000x2xf32, #tpu.memory_space<vmem>>, vector<2000x2xf32>
    tpu.vector_store %arg10[%swap3A, %swap3A_64], %add3A_63 {strides = array<i32>} : memref<2000x2xf32, #tpu.memory_space<vmem>>, vector<2000x2xf32>,
    return
  }
  func.func @transform_0(%arg0: i32) -> (i32, i32, i32) {
    %c0_i32 = arith.constant 0 : i32
    %c0_i32_0 = arith.constant 0 : i32
    %c0_i32_1 = arith.constant 0 : i32
    return %c0_i32, %arg0, %c0_i32_0 : i32, i32, i32
  }
  func.func @transform_1(%arg0: i32) -> (i32, i32, i32) {
    %c0_i32 = arith.constant 0 : i32
    %c0_i32_0 = arith.constant 0 : i32
    %c0_i32_1 = arith.constant 0 : i32
    return %c0_i32, %arg0, %c0_i32_0 : i32, i32, i32
  }
  func.func @transform_2(%arg0: i32) -> (i32, i32) {
    %c0_i32 = arith.constant 0 : i32
    %c0_i32_0 = arith.constant 0 : i32
    %c0_i32_1 = arith.constant 0 : i32
    return %c0_i32, %c0_i32_0 : i32, i32
  }
  func.func @transform_3(%arg0: i32) -> (i32, i32) {
    %c0_i32 = arith.constant 0 : i32
    %c0_i32_0 = arith.constant 0 : i32
    %c0_i32_1 = arith.constant 0 : i32
    return %c0_i32, %c0_i32_0 : i32, i32
  }
  func.func @transform_4(%arg0: i32) -> (i32, i32) {
    %c0_i32 = arith.constant 0 : i32
    %c0_i32_0 = arith.constant 0 : i32
    %c0_i32_1 = arith.constant 0 : i32
    return %c0_i32, %c0_i32_0 : i32, i32
  }
  func.func @transform_5(%arg0: i32) -> (i32, i32) {
    %c0_i32 = arith.constant 0 : i32
    %c0_i32_0 = arith.constant 0 : i32
    %c0_i32_1 = arith.constant 0 : i32
    return %c0_i32, %c0_i32_0 : i32, i32
  }
  func.func @transform_6(%arg0: i32) -> (i32, i32) {
    %c0_i32 = arith.constant 0 : i32
    %c0_i32_0 = arith.constant 0 : i32
    %c0_i32_1 = arith.constant 0 : i32
    return %c0_i32, %c0_i32_0 : i32, i32
  }
  func.func @transform_7(%arg0: i32) -> (i32, i32) {
    %c0_i32 = arith.constant 0 : i32
    %c0_i32_0 = arith.constant 0 : i32
    %c0_i32_1 = arith.constant 0 : i32
    return %c0_i32, %c0_i32_0 : i32, i32
  }
  func.func @transform_8(%arg0: i32) -> (i32, i32) {
    %c0_i32 = arith.constant 0 : i32
    %c0_i32_0 = arith.constant 0 : i32
    %c0_i32_1 = arith.constant 0 : i32
    return %c0_i32, %c0_i32_0 : i32, i32
  }
  func.func @transform_9(%arg0: i32) -> (i32, i32) {
    %c0_i32 = arith.constant 0 : i32
    %c0_i32_0 = arith.constant 0 : i32
    return %arg0, %c0_i32 : i32, i32
  }
}

</mosaic_0001>

<sc_bundles>
// kernel: kernel.11.cloned.1.call-start
scs
__scs_entry_jumppad:
0x0: {  	(pc) =	sbr.rel $0x88, $3  }
0x1: {  	(tag) =	ssettag $0x0;
	lr =	simm.s32 $0x1  }
0x2: {  	[smem:$0x3F94] =	sst lr;
	_ =	strace $0xD0000000  }
0x3: {  	_ = 	snop  }
0x4: {  	_ = 	snop  }
0x5: {  	_ = 	snop  }
0x6: {  	_ = 	snop  }
0x7: {  	_ = 	snop  }
__scs_overlays_trampoline_lowered:
0x8: {  	[smem:$0x3FA3] =	sst s0  }
0x9: {  	[smem:$0x3FA4] =	sst s1  }
0xa: {  	[smem:$0x3FA5] =	sst s2  }
0xb: {  	[smem:$0x3FA6] =	sst s3  }
0xc: {  	[smem:$0x3FA7] =	sst s4  }
0xd: {  	[smem:$0x3FA8] =	sst s5  }
0xe: {  	[smem:$0x3FA9] =	sst s6  }
0xf: {  	[smem:$0x3FAA] =	sst s7  }
0x10: {  	[smem:$0x3FAB] =	sst s8  }
0x11: {  	[smem:$0x3FAC] =	sst s9;
	s0 =	simm.s32 @!p0 $0x0  }
0x12: {  	s1 =	sld [smem:$0x3F92];
	s0 =	simm.s32 @p0 $0x1  }
0x13: {  	[smem:$0x3FAD] =	sst s0;
	s0 =	simm.s32 @!p1 $0x0  }
0x14: {  	s2 =	sld [smem:$0x3F91];
	s0 =	simm.s32 @p1 $0x1  }
0x15: {  	[smem:$0x3FAE] =	sst s0;
	s0 =	simm.s32 @!p2 $0x0  }
0x16: {  	s3 =	sld [smem:$0x3FDB];
	s0 =	simm.s32 @p2 $0x1  }
0x17: {  	s4 =	simm.s32 $0x1BF5;
	[smem:$0x3FB0] =	sst s0  }
0x18: {  	s0 =	sld [smem:$0x3F93];
	_ =	swait.ge [sflag:s4], $0x0  }
0x19: {  	s7 =	sld [smem:$0x3F94]  }
0x1a: {  	s8 =	sadd.s32 $0xFFFFE003, lr  }
0x1b: {  	s9 =	sadd.s32 $0xFFFFFEF7, lr;
	s5 =	simm.s32 $0xFFFFFFFF;
	p2 =	slt.u32 s8, $0xFFFFF086  }
0x1c: {  	p1 =	slt.u32 s9, $0xF7A;
	s5 =	simm.s32 @!p2 $0x0  }
0x1d: {  	s5 =	simm.s32 @p1 $0x1;
	p0 =	seq.s32 s7, s2  }
0x1e: {  	s7 =	smul.u32 @!p0 $0xF7A, s2;
	p2 =	seq.s32 @!p0 s5, $0x0  }
0x1f: {  	s9 =	smul.u32 $0xF7A, s1;
	s8 =	simm.s32 @!p0 $0x1BF5;
	p2 =	por !p2, p0  }
0x20: {  	[sflag:s8] =	ssyncset.s32 @!p0 $0xFFFFF086;
	s6 =	sadd.s32 @!p0 s3, s7;
	s7 =	simm.s32 @!p0 $0x108  }
0x21: {  	s3 =	sadd.s32 s3, s9;
	s6 =	sadd.s32 @!p0 $0x88, s6;
	s7 =	simm.s32 @p2 $0x1082  }
0x22: {  	[simem:s7], [sflag:s8] =	dma.local @!p0 [hbm:s6], $0xF7A  }
0x23: {  	s9 =	sor.u32 $0xD0000000, s2;
	s6 =	simm.s32 $0x108;
	_ =	swait.ge @!p0 [sflag:s8], $0x0  }
0x24: {  	s3 =	sadd.s32 $0x88, s3;
	s6 =	simm.s32 @!p1 $0x1082;
	[sflag:s4] =	ssyncset.s32 $0xFFFFF086  }
0x25: {  	[simem:s6], [sflag:s4] =	dma.local [hbm:s3], $0xF7A  }
0x26: {  	[smem:$0x3F94] =	sst s1;
	(tag) =	ssettag s2;
	_ =	strace s9  }
0x27: {  	s1 =	sld [smem:$0x3FA4]  }
0x28: {  	s2 =	sld [smem:$0x3FA5]  }
0x29: {  	s4 =	sld [smem:$0x3FA7]  }
0x2a: {  	p0 =	seq.s32 s5, $0x0;
	s5 =	sld [smem:$0x3FA8]  }
0x2b: {  	s6 =	sld [smem:$0x3FA9]  }
0x2c: {  	s7 =	sld [smem:$0x3FAA]  }
0x2d: {  	s3 =	simm.s32 $0x108;
	s8 =	sld [smem:$0x3FAB]  }
0x2e: {  	s3 =	simm.s32 @!p0 $0x1082;
	s9 =	sld [smem:$0x3FAC]  }
0x2f: {  	lr =	sadd.s32 s0, s3;
	s0 =	sld [smem:$0x3FA3]  }
0x30: {  	s3 =	sld [smem:$0x3FA6]  }
0x31: {  	[smem:$0x3FAF] =	sst s10  }
0x32: {  	s10 =	sld [smem:$0x3FAD];
	_ =	sdelay $0x3  }
0x33: {  	p0 =	seq.s32 s10, $0x1;
	s10 =	sld [smem:$0x3FAF];
	_ =	sdelay $0x3  }
0x34: {  	[smem:$0x3FAF] =	sst s10  }
0x35: {  	s10 =	sld [smem:$0x3FAE];
	_ =	sdelay $0x3  }
0x36: {  	p1 =	seq.s32 s10, $0x1;
	s10 =	sld [smem:$0x3FAF];
	_ =	sdelay $0x3  }
0x37: {  	[smem:$0x3FAF] =	sst s10  }
0x38: {  	s10 =	sld [smem:$0x3FB0]  }
0x39: {  	_ = 	snop;
	(pc) =	sbr.ind lr, $3  }
0x3a: {  	_ = 	snop  }
0x3b: {  	_ = 	snop  }
0x3c: {  	p2 =	seq.s32 s10, $0x1;
	s10 =	sld [smem:$0x3FAF]  }
0x3d: {  	_ =	shalt  }
0x3e: {  	_ =	shalt  }
0x3f: {  	_ =	shalt  }
0x40: {  	_ =	shalt  }
0x41: {  	_ =	shalt  }
0x42: {  	_ =	shalt  }
0x43: {  	_ =	shalt  }
0x44: {  	_ =	shalt  }
0x45: {  	_ =	shalt  }
0x46: {  	_ =	shalt  }
0x47: {  	_ =	shalt  }
0x48: {  	_ =	shalt  }
0x49: {  	_ =	shalt  }
0x4a: {  	_ =	shalt  }
0x4b: {  	_ =	shalt  }
0x4c: {  	_ =	shalt  }
0x4d: {  	_ =	shalt  }
0x4e: {  	_ =	shalt  }
0x4f: {  	_ =	shalt  }
0x50: {  	_ =	shalt  }
0x51: {  	_ =	shalt  }
0x52: {  	_ =	shalt  }
0x53: {  	_ =	shalt  }
0x54: {  	_ =	shalt  }
0x55: {  	_ =	shalt  }
0x56: {  	_ =	shalt  }
0x57: {  	_ =	shalt  }
0x58: {  	_ =	shalt  }
0x59: {  	_ =	shalt  }
0x5a: {  	_ =	shalt  }
0x5b: {  	_ =	shalt  }
0x5c: {  	_ =	shalt  }
0x5d: {  	_ =	shalt  }
0x5e: {  	_ =	shalt  }
0x5f: {  	_ =	shalt  }
0x60: {  	_ =	shalt  }
0x61: {  	_ =	shalt  }
0x62: {  	_ =	shalt  }
0x63: {  	_ =	shalt  }
0x64: {  	_ =	shalt  }
0x65: {  	_ =	shalt  }
0x66: {  	_ =	shalt  }
0x67: {  	_ =	shalt  }
0x68: {  	_ =	shalt  }
0x69: {  	_ =	shalt  }
0x6a: {  	_ =	shalt  }
0x6b: {  	_ =	shalt  }
0x6c: {  	_ =	shalt  }
0x6d: {  	_ =	shalt  }
0x6e: {  	_ =	shalt  }
0x6f: {  	_ =	shalt  }
0x70: {  	_ =	shalt  }
0x71: {  	_ =	shalt  }
0x72: {  	_ =	shalt  }
0x73: {  	_ =	shalt  }
0x74: {  	_ =	shalt  }
0x75: {  	_ =	shalt  }
0x76: {  	_ =	shalt  }
0x77: {  	_ =	shalt  }
0x78: {  	_ =	shalt  }
0x79: {  	_ =	shalt  }
0x7a: {  	_ =	shalt  }
0x7b: {  	_ =	shalt  }
0x7c: {  	_ =	shalt  }
0x7d: {  	_ =	shalt  }
0x7e: {  	_ =	shalt  }
0x7f: {  	_ =	shalt  }
0x80: {  	_ =	shalt  }
0x81: {  	_ =	shalt  }
0x82: {  	_ =	shalt  }
0x83: {  	_ =	shalt  }
0x84: {  	_ =	shalt  }
0x85: {  	_ =	shalt  }
0x86: {  	_ =	shalt  }
0x87: {  	_ =	shalt  }
.Lfunc_end0:
.L_simem_size_0:
called_computation.1_lowered:
.L_overlay_start_0:
0x88: {  	s2 =	sld [smem:$0x3FD9]  }
0x89: {  	s3 =	sld [smem:$0x3FFE];
	_ =	sdelay $0x1  }
0x8a: {  	s1 =	srdreg.scid  }
0x8b: {  	s0 =	sand.u32 $0x1, s1  }
0x8c: {  	s16 =	sshll.u32 s0, $0xA;
	s2 =	sadd.s32 s3, s2  }
0x8d: {  	s2 =	sadd.s32 s2, s16  }
0x8e: {  	[smem:$0x3FBB] =	sst s2  }
0x8f: {  	_ = 	snop  }
0x90: {  	(tm) =	ssettm $0x1  }
0x91: {  	s17 =	sld [smem:$0x3FFB];
	_ =	sdelay $0x3  }
0x92: {  	_ =	strace s17  }
0x93: {  	s2 =	sld [smem:$0x3FFC];
	_ =	sdelay $0x3  }
0x94: {  	_ =	strace s2  }
0x95: {  	s2 =	sld [smem:$0x3FFD];
	_ =	sdelay $0x3  }
0x96: {  	_ =	strace s2  }
0x97: {  	_ =	strace $0x8FFFFFFF  }
0x98: {  	s18 =	sld [smem:$0x3FDB];
	_ =	sdelay $0x1  }
0x99: {  	s19 =	simm.s32 $_scs_section_size  }
0x9a: {  	s4 =	simm.s32 $_size__tile_overlayer_lowered;
	s5 =	simm.s32 $_tile_overlayer_lowered  }
0x9b: {  	s22 =	simm.s32 $0x1BFF;
	s21 =	sshll.u32 s5, $0x1;
	s2 =	sadd.s32 s19, s18  }
0x9c: {  	s6 =	simm.s32 $0x0;
	s20 =	sshll.u32 s4, $0x1;
	s4 =	sadd.s32 s21, s2  }
0x9d: {  	[timem:s6], [sflag:s22] =	dma.local [hbm:s4], s20  }
0x9e: {  	_ =	swait.ge [sflag:s22], s20  }
0x9f: {  	s3 =	ssub.s32 $0x0, s20;
	[sflag:s22] =	ssyncset.done $0x0  }
0xa0: {  	[sflag:s22] =	ssyncadd.s32 s3;
	_ =	sdelay $0x1  }
0xa1: {  	s23 =	simm.s32 $0x1B8B  }
0xa2: {  	_ =	swait.ge [sflag:s23], $0x1  }
0xa3: {  	[sflag:s23] =	ssyncset.done $0x0  }
0xa4: {  	s25 =	simm.s32 $0x1B8E;
	s24 =	sld [smem:$0x3FFE];
	[sflag:s23] =	ssyncadd.s32 $0xFFFFFFFF  }
0xa5: {  	s26 =	simm.s32 $execute0_lowered;
	[smem:$0x3FD2] =	sst s25  }
0xa6: {  	s4 =	sshll.u32 s26, $0x1;
	_ =	strace $0x80000046;
	[dreg:$0x1] =	wrdreg $0xFFFFFFFF  }
0xa7: {  	s28 =	simm.s32 $_size_execute0_lowered;
	s2 =	sadd.s32 s2, s4;
	[dreg:$0x0] =	wrdreg $0x0  }
0xa8: {  	s4 =	sshll.u32 s28, $0x1;
	[dreg:$0x2] =	wrdreg s2  }
0xa9: {  	[dreg:$0x3] =	wrdreg s4  }
0xaa: {  	[dreg:$0x4] =	wrdreg $0xC0  }
0xab: {  	_ =	task [dreg:s6], $0x5FFFF  }
0xac: {  	[dreg:$0x1] =	wrdreg $0xFFFFFFFF  }
0xad: {  	[dreg:$0x0] =	wrdreg $0x60  }
0xae: {  	[dreg:$0x2] =	wrdreg s24  }
0xaf: {  	[dreg:$0x3] =	wrdreg $0xA8000  }
0xb0: {  	[dreg:$0x4] =	wrdreg $0xA  }
0xb1: {  	_ =	task.clear_ibuf [dreg:s6], $0x5FFFF;
	_ =	strace $0x90000046  }
0xb2: {  	s29 =	simm.s32 $0xA;
	_ =	strace $0x80000048  }
0xb3: {  	_ =	swait.ge [sflag:s29], $0x1  }
0xb4: {  	[sflag:s29] =	ssyncadd.s32 $0xFFFFFFFF  }
0xb5: {  	_ =	strace $0x90000048  }
0xb6: {  	_ =	sfence  }
0xb7: {  	s30 =	sld [smem:$0x0];
	_ =	sdelay $0x2  }
0xb8: {  	s31 =	sshll.u32 s1, $0xD;
	s1 =	sshrl.u32 s1, $0x2  }
0xb9: {  	s3 =	sand.u32 $0x4000, s31;
	s1 =	sadd.s32 s1, s30  }
0xba: {  	s0 =	sor.u32 s3, s0;
	s1 =	sshll.u32 s1, $0x11  }
0xbb: {  	s0 =	sor.u32 s1, s0  }
0xbc: {  	s0 =	sadd.s32 $0x8F2B, s0  }
0xbd: {  	[sflag:s0] =	ssyncadd.remote.s32 $0x1  }
0xbe: {  	_ =	sfence.sel $0xFFFF  }
0xbf: {  	[dreg:$0x0] =	wrdreg $0xFFFFFFFF;
	(pc) =	sbr.abs _section_cstart, $3  }
0xc0: {  	[dreg:$0x1] =	wrdreg $0xFFFFFFFF  }
0xc1: {  	_ =	task.clear_ibuf [dreg:s6], $0x2FFFF;
	_ =	strace $0x9FFFFFFF  }
0xc2: {  	(tm) =	ssettm $0x7FFFFFFF  }
0xc3: {  	_ =	shalt  }
tec
execute0_lowered:
.L_overlay_start_1:
0x0: {  	(tag) =	ssettag $0x1  }
0x1: {  	s0 =	rddreg [dreg:$0x0]  }
0x2: {  	s1 =	rddreg [dreg:$0x1];
	s2 =	simm.s32 $0x0  }
0x3: {  	s5 =	srdreg.scid;
	s9 =	stileid.u32;
	s28 =	simm.s32 $0x6800  }
0x4: {  	s29 =	simm.s32 $0x1;
	s30 =	simm.s32 $0x2;
	s31 =	simm.s32 $0x2600  }
0x5: {  	[smem:$0x7FF] =	sst s2;
	s4 =	sadd.s32 $0x2600, s0;
	s3 =	sadd.s32 $0x29800, s0  }
0x6: {  	s5 =	sand.u32 $0x1, s5;
	s6 =	sshll.u32 s9, $0x1;
	s7 =	smul.u32 $0x4F000, s9  }
0x7: {  	s9 =	smul.u32 $0x13C00, s9;
	s10 =	sadd.s32 $0x33800, s0;
	s0 =	sadd.s32 $0x3D800, s0  }
0x8: {  	s8 =	ssub.s32 $0x2, s5;
	s6 =	sor.u32 s5, s6;
	s18 =	smul.u32 $0x13C000, s5  }
0x9: {  	_ =	strace $0x80000047;
	s11 =	sshrl.u32 s8, $0x1;
	s6 =	smul.u32 $0x2800, s6  }
0xa: {  	s7 =	sshrl.u32 s7, $0x2;
	s25 =	sadd.s32 $0x10000, s9;
	s19 =	sadd.s32 $0x4000, s9  }
0xb: {  	s21 =	sadd.s32 $0x8000, s9;
	s8 =	ssub.s32 s8, s11;
	s5 =	sadd.s32 s7, s1  }
0xc: {  	s11 =	sadd.s32 s18, s25;
	s16 =	sadd.s32 s18, s9;
	s20 =	sadd.s32 s18, s19  }
0xd: {  	s22 =	sadd.s32 s18, s21;
	s9 =	sadd.s32 $0xC000, s9;
	s24 =	sadd.s32 s21, s1  }
0xe: {  	s21 =	simm.s32 $0x3;
	s12 =	sshrl.u32 s6, $0x3;
	s6 =	sadd.s32 s25, s1  }
0xf: {  	s15 =	sshrl.u32 s11, $0x3;
	s17 =	sshrl.u32 s16, $0x3;
	s16 =	sadd.s32 $0xC000, s5  }
0x10: {  	s23 =	sadd.s32 s18, s9;
	s24 =	sshrl.u32 s24, $0x3;
	s26 =	sadd.s32 s3, s12  }
0x11: {  	s13 =	sadd.s32 s10, s12;
	s14 =	sadd.s32 $0x280, s12;
	[dreg:$0x3] =	wrdreg s26  }
0x12: {  	s25 =	sshrl.u32 s23, $0x3;
	[dreg:$0x4] =	wrdreg s13;
	s3 =	sadd.s32 s3, s14  }
0x13: {  	s7 =	sadd.s32 s10, s14;
	s13 =	smax.u32 s8, $0x1;
	s14 =	sadd.s32 $0x4000, s5  }
0x14: {  	s26 =	sadd.s32 s9, s1;
	s8 =	simm.s32 $0x2700;
	[dreg:$0x5] =	wrdreg s3  }
0x15: {  	s9 =	simm.s32 $0x2780;
	[dreg:$0x6] =	wrdreg s7;
	s3 =	sadd.s32 s0, s15  }
0x16: {  	s15 =	sadd.s32 $0x8000, s5;
	s7 =	sshrl.u32 s20, $0x3;
	s20 =	simm.s32 $0x2800  }
0x17: {  	[dreg:$0x7] =	wrdreg s3;
	s3 =	sadd.s32 s0, s17;
	s17 =	sadd.s32 s0, s7  }
0x18: {  	s7 =	sshrl.u32 s22, $0x3;
	s22 =	simm.s32 $0x1400;
	[dreg:$0x8] =	wrdreg s3  }
0x19: {  	s3 =	sadd.s32 s19, s1;
	s18 =	sadd.s32 s0, s7;
	s19 =	sadd.s32 s0, s25  }
0x1a: {  	s25 =	sshrl.u32 s26, $0x3;
	s26 =	simm.s32 $0x80;
	s0 =	simm.s32 $0x1300  }
0x1b: {  	v0 =	vimm.f32 $0.0e+00;
	s7 =	simm.s32 $0x1380;
	s23 =	sshrl.u32 s3, $0x3;
	s3 =	simm.s32 $0x2680  }
.LBB2_1:
0x1c: {  	s10 =	simm.s32 $0x0;
	s11 =	simm.s32 $0x200  }
.LBB2_2:
0x1d: {  	p0 =	sne.s32 s11, $0xFE00;
	[tilespmem:s10+$0x2870] =	vst v0  }
0x1e: {  	[tilespmem:s10+$0x2800] =	vst v0  }
0x1f: {  	[tilespmem:s10+$0x2810] =	vst v0  }
.Ltmp0:
0x20: {  	[tilespmem:s10+$0x2820] =	vst v0;
	(pc) =	sbr.rel @p0 .LBB2_2-.Ltmp0, $4  }
0x21: {  	[tilespmem:s10+$0x2830] =	vst v0  }
0x22: {  	[tilespmem:s10+$0x2840] =	vst v0  }
0x23: {  	[tilespmem:s10+$0x2850] =	vst v0  }
0x24: {  	[tilespmem:s10+$0x2860] =	vst v0;
	s10 =	sshra.s32 s11, $0x2;
	s11 =	sadd.s32 $0x200, s11  }
0x25: {  	[tilespmem:s10+$0x2870] =	vst v0  }
0x26: {  	[tilespmem:s10+$0x2800] =	vst v0  }
0x27: {  	[tilespmem:s10+$0x2810] =	vst v0  }
0x28: {  	[tilespmem:s10+$0x2820] =	vst v0  }
0x29: {  	[tilespmem:s10+$0x2830] =	vst v0  }
0x2a: {  	[tilespmem:s10+$0x2840] =	vst v0  }
0x2b: {  	[tilespmem:s10+$0x2850] =	vst v0  }
0x2c: {  	[tilespmem:s10+$0x2860] =	vst v0  }
0x2d: {  	[spmem:s5] =	stream.linear.scatter [tilespmem:s20], [sflag:$0x3], $0x4000, $0x38;
	[tilespmem:$0x1E400] =	vst v63  }
0x2e: {  	_ =	swait.ge [sflag:s21], $0x4000  }
0x2f: {  	[sflag:s21] =	ssyncset.done $0x0  }
0x30: {  	[sflag:s21] =	ssyncadd.s32 $0xFFFFC000  }
0x31: {  	[spmem:s14] =	stream.linear.scatter [tilespmem:s20], [sflag:$0x3], $0x4000, $0x38;
	[tilespmem:$0x1E400] =	vst v63  }
0x32: {  	_ =	swait.ge [sflag:s21], $0x4000  }
0x33: {  	[sflag:s21] =	ssyncset.done $0x0  }
0x34: {  	[sflag:s21] =	ssyncadd.s32 $0xFFFFC000  }
0x35: {  	[spmem:s15] =	stream.linear.scatter [tilespmem:s20], [sflag:$0x3], $0x4000, $0x38;
	[tilespmem:$0x1E400] =	vst v63  }
0x36: {  	_ =	swait.ge [sflag:s21], $0x4000  }
0x37: {  	[sflag:s21] =	ssyncset.done $0x0  }
0x38: {  	[sflag:s21] =	ssyncadd.s32 $0xFFFFC000  }
0x39: {  	[spmem:s16] =	stream.linear.scatter [tilespmem:s20], [sflag:$0x3], $0x4000, $0x38;
	[tilespmem:$0x1E400] =	vst v63  }
0x3a: {  	_ =	swait.ge [sflag:s21], $0x4000  }
0x3b: {  	[sflag:s21] =	ssyncset.done $0x0  }
0x3c: {  	[sflag:s21] =	ssyncadd.s32 $0xFFFFC000  }
0x3d: {  	[spmem:s6] =	stream.linear.scatter [tilespmem:s20], [sflag:$0x3], $0x3C00, $0x38;
	[tilespmem:$0x1E400] =	vst v63  }
0x3e: {  	_ =	swait.ge [sflag:s21], $0x3C00  }
0x3f: {  	[sflag:s21] =	ssyncset.done $0x0  }
0x40: {  	[sflag:s21] =	ssyncadd.s32 $0xFFFFC400  }
0x41: {  	[bflag:$0x0] =	sbarrier.arrive $0xFFFF  }
0x42: {  	s10 =	simm.s32 $0x0;
	s11 =	rddreg [dreg:$0x3]  }
0x43: {  	[tilespmem:s10], [sflag:$0x3] =	stream.linear.gather [hbm4b:s11+s10], $0x1400, $0x38;
	[tilespmem:$0x1E400] =	vst v63  }
0x44: {  	_ =	swait.ge [sflag:s21], $0x1400  }
0x45: {  	[sflag:s21] =	ssyncset.done $0x0  }
0x46: {  	s12 =	rddreg [dreg:$0x4];
	[sflag:s21] =	ssyncadd.s32 $0xFFFFEC00  }
0x47: {  	[tilespmem:s22], [sflag:$0x3] =	stream.linear.gather [hbm4b:s12+s10], $0x1400, $0x38;
	[tilespmem:$0x1E400] =	vst v63  }
0x48: {  	_ =	swait.ge [sflag:s21], $0x1400  }
0x49: {  	[sflag:s21] =	ssyncset.done $0x0  }
0x4a: {  	[sflag:s21] =	ssyncadd.s32 $0xFFFFEC00  }
0x4b: {  	[tilespmem:s20], [sflag:$0x1] =	stream.indirect.gather [hbm4b:s4+s26], $0x80, s10, s26, $0xb8;
	[tilespmem:$0x1E400] =	vst v63  }
0x4c: {  	_ = 	snop  }
0x4d: {  	[tilespmem:s28], [sflag:$0x2] =	stream.indirect.gather [hbm4b:s4+s26], $0x80, s26, s26, $0xb8;
	[tilespmem:$0x1E400] =	vst v63  }
0x4e: {  	_ =	swait.ge [sflag:s29], $0x4000  }
0x4f: {  	[sflag:s29] =	ssyncset.done $0x0  }
0x50: {  	s12 =	simm.s32 $0x1400;
	[sflag:s29] =	ssyncadd.s32 $0xFFFFC000  }
0x51: {  	[spmem:s1] =	stream.indirect.scatter.add.f32 [tilespmem:s20], [sflag:$0x3], $0x80, s12, s26, $0xb8;
	[tilespmem:$0x1E400] =	vst v63  }
0x52: {  	_ =	swait.ge [sflag:s21], $0x4000  }
0x53: {  	[sflag:s21] =	ssyncset.done $0x0  }
0x54: {  	s11 =	simm.s32 $0x100;
	[sflag:s21] =	ssyncadd.s32 $0xFFFFC000  }
0x55: {  	[tilespmem:s20], [sflag:$0x1] =	stream.indirect.gather [hbm4b:s4+s26], $0x80, s11, s26, $0xb8;
	[tilespmem:$0x1E400] =	vst v63  }
0x56: {  	_ =	swait.ge [sflag:s30], $0x4000  }
0x57: {  	[sflag:s30] =	ssyncset.done $0x0  }
0x58: {  	s12 =	simm.s32 $0x1480;
	[sflag:s30] =	ssyncadd.s32 $0xFFFFC000  }
0x59: {  	[spmem:s1] =	stream.indirect.scatter.add.f32 [tilespmem:s28], [sflag:$0x3], $0x80, s12, s26, $0xb8;
	[tilespmem:$0x1E400] =	vst v63  }
0x5a: {  	_ =	swait.ge [sflag:s21], $0x4000  }
0x5b: {  	[sflag:s21] =	ssyncset.done $0x0  }
0x5c: {  	s11 =	simm.s32 $0x180;
	[sflag:s21] =	ssyncadd.s32 $0xFFFFC000  }
0x5d: {  	[tilespmem:s28], [sflag:$0x2] =	stream.indirect.gather [hbm4b:s4+s26], $0x80, s11, s26, $0xb8;
	[tilespmem:$0x1E400] =	vst v63  }
0x5e: {  	_ =	swait.ge [sflag:s29], $0x4000  }
0x5f: {  	[sflag:s29] =	ssyncset.done $0x0  }
0x60: {  	s12 =	simm.s32 $0x1500;
	[sflag:s29] =	ssyncadd.s32 $0xFFFFC000  }
0x61: {  	[spmem:s1] =	stream.indirect.scatter.add.f32 [tilespmem:s20], [sflag:$0x3], $0x80, s12, s26, $0xb8;
	[tilespmem:$0x1E400] =	vst v63  }
0x62: {  	_ =	swait.ge [sflag:s21], $0x4000  }
0x63: {  	[sflag:s21] =	ssyncset.done $0x0  }
0x64: {  	s11 =	simm.s32 $0x200;
	[sflag:s21] =	ssyncadd.s32 $0xFFFFC000  }
0x65: {  	[tilespmem:s20], [sflag:$0x1] =	stream.indirect.gather [hbm4b:s4+s26], $0x80, s11, s26, $0xb8;
	[tilespmem:$0x1E400] =	vst v63  }
0x66: {  	_ =	swait.ge [sflag:s30], $0x4000  }
0x67: {  	[sflag:s30] =	ssyncset.done $0x0  }
0x68: {  	s12 =	simm.s32 $0x1580;
	[sflag:s30] =	ssyncadd.s32 $0xFFFFC000  }
0x69: {  	[spmem:s1] =	stream.indirect.scatter.add.f32 [tilespmem:s28], [sflag:$0x3], $0x80, s12, s26, $0xb8;
	[tilespmem:$0x1E400] =	vst v63  }
0x6a: {  	_ =	swait.ge [sflag:s21], $0x4000  }
0x6b: {  	[sflag:s21] =	ssyncset.done $0x0  }
0x6c: {  	s10 =	simm.s32 $0x800;
	s11 =	simm.s32 $0x280;
	[sflag:s21] =	ssyncadd.s32 $0xFFFFC000  }
.LBB2_4:
0x6d: {  	[tilespmem:s28], [sflag:$0x2] =	stream.indirect.gather [hbm4b:s4+s26], $0x80, s11, s26, $0xb8;
	[tilespmem:$0x1E400] =	vst v63  }
0x6e: {  	s11 =	smov.u32 s10  }
0x6f: {  	p0 =	sne.s32 s10, $0x4000;
	s10 =	sadd.s32 $0x800, s10;
	_ =	swait.ge [sflag:s29], $0x4000  }
0x70: {  	s11 =	sshra.s32 s11, $0x2;
	[sflag:s29] =	ssyncset.done $0x0  }
0x71: {  	s12 =	sadd.s32 $0x1400, s11;
	[sflag:s29] =	ssyncadd.s32 $0xFFFFC000  }
0x72: {  	[spmem:s1] =	stream.indirect.scatter.add.f32 [tilespmem:s20], [sflag:$0x3], $0x80, s12, s26, $0xb8;
	[tilespmem:$0x1E400] =	vst v63  }
0x73: {  	_ =	swait.ge [sflag:s21], $0x4000  }
0x74: {  	[sflag:s21] =	ssyncset.done $0x0  }
0x75: {  	s12 =	sadd.s32 $0x100, s11;
	[sflag:s21] =	ssyncadd.s32 $0xFFFFC000  }
0x76: {  	[tilespmem:s20], [sflag:$0x1] =	stream.indirect.gather [hbm4b:s4+s26], $0x80, s12, s26, $0xb8;
	[tilespmem:$0x1E400] =	vst v63  }
0x77: {  	_ =	swait.ge [sflag:s30], $0x4000  }
0x78: {  	[sflag:s30] =	ssyncset.done $0x0  }
0x79: {  	s12 =	sadd.s32 $0x1480, s11;
	[sflag:s30] =	ssyncadd.s32 $0xFFFFC000  }
0x7a: {  	[spmem:s1] =	stream.indirect.scatter.add.f32 [tilespmem:s28], [sflag:$0x3], $0x80, s12, s26, $0xb8;
	[tilespmem:$0x1E400] =	vst v63  }
0x7b: {  	_ =	swait.ge [sflag:s21], $0x4000  }
0x7c: {  	[sflag:s21] =	ssyncset.done $0x0  }
0x7d: {  	s12 =	sadd.s32 $0x180, s11;
	[sflag:s21] =	ssyncadd.s32 $0xFFFFC000  }
0x7e: {  	[tilespmem:s28], [sflag:$0x2] =	stream.indirect.gather [hbm4b:s4+s26], $0x80, s12, s26, $0xb8;
	[tilespmem:$0x1E400] =	vst v63  }
0x7f: {  	_ =	swait.ge [sflag:s29], $0x4000  }
0x80: {  	[sflag:s29] =	ssyncset.done $0x0  }
0x81: {  	s12 =	sadd.s32 $0x1500, s11;
	[sflag:s29] =	ssyncadd.s32 $0xFFFFC000  }
0x82: {  	[spmem:s1] =	stream.indirect.scatter.add.f32 [tilespmem:s20], [sflag:$0x3], $0x80, s12, s26, $0xb8;
	[tilespmem:$0x1E400] =	vst v63  }
0x83: {  	_ =	swait.ge [sflag:s21], $0x4000  }
0x84: {  	[sflag:s21] =	ssyncset.done $0x0  }
0x85: {  	s12 =	sadd.s32 $0x200, s11;
	[sflag:s21] =	ssyncadd.s32 $0xFFFFC000  }
0x86: {  	[tilespmem:s20], [sflag:$0x1] =	stream.indirect.gather [hbm4b:s4+s26], $0x80, s12, s26, $0xb8;
	[tilespmem:$0x1E400] =	vst v63  }
0x87: {  	_ =	swait.ge [sflag:s30], $0x4000  }
0x88: {  	[sflag:s30] =	ssyncset.done $0x0  }
.Ltmp1:
0x89: {  	s12 =	sadd.s32 $0x1580, s11;
	[sflag:s30] =	ssyncadd.s32 $0xFFFFC000;
	(pc) =	sbr.rel @p0 .LBB2_4-.Ltmp1, $4  }
0x8a: {  	[spmem:s1] =	stream.indirect.scatter.add.f32 [tilespmem:s28], [sflag:$0x3], $0x80, s12, s26, $0xb8;
	[tilespmem:$0x1E400] =	vst v63  }
0x8b: {  	_ =	swait.ge [sflag:s21], $0x4000  }
0x8c: {  	[sflag:s21] =	ssyncset.done $0x0  }
0x8d: {  	s11 =	sadd.s32 $0x280, s11;
	[sflag:s21] =	ssyncadd.s32 $0xFFFFC000  }
0x8e: {  	[tilespmem:s28], [sflag:$0x2] =	stream.indirect.gather [hbm4b:s4+s26], $0x80, s11, s26, $0xb8;
	[tilespmem:$0x1E400] =	vst v63  }
0x8f: {  	_ =	swait.ge [sflag:s29], $0x4000  }
0x90: {  	[sflag:s29] =	ssyncset.done $0x0  }
0x91: {  	[sflag:s29] =	ssyncadd.s32 $0xFFFFC000  }
0x92: {  	[spmem:s1] =	stream.indirect.scatter.add.f32 [tilespmem:s20], [sflag:$0x3], $0x80, s31, s26, $0xb8;
	[tilespmem:$0x1E400] =	vst v63  }
0x93: {  	_ =	swait.ge [sflag:s21], $0x4000  }
0x94: {  	[sflag:s21] =	ssyncset.done $0x0  }
0x95: {  	[sflag:s21] =	ssyncadd.s32 $0xFFFFC000  }
0x96: {  	[tilespmem:s20], [sflag:$0x1] =	stream.indirect.gather [hbm4b:s4+s26], $0x80, s0, s26, $0xb8;
	[tilespmem:$0x1E400] =	vst v63  }
0x97: {  	_ =	swait.ge [sflag:s30], $0x4000  }
0x98: {  	[sflag:s30] =	ssyncset.done $0x0  }
0x99: {  	[sflag:s30] =	ssyncadd.s32 $0xFFFFC000  }
0x9a: {  	[spmem:s1] =	stream.indirect.scatter.add.f32 [tilespmem:s28], [sflag:$0x3], $0x80, s3, s26, $0xb8;
	[tilespmem:$0x1E400] =	vst v63  }
0x9b: {  	_ =	swait.ge [sflag:s21], $0x4000  }
0x9c: {  	[sflag:s21] =	ssyncset.done $0x0  }
0x9d: {  	[sflag:s21] =	ssyncadd.s32 $0xFFFFC000  }
0x9e: {  	[tilespmem:s28], [sflag:$0x2] =	stream.indirect.gather [hbm4b:s4+s26], $0x80, s7, s26, $0xb8;
	[tilespmem:$0x1E400] =	vst v63  }
0x9f: {  	_ =	swait.ge [sflag:s29], $0x4000  }
0xa0: {  	[sflag:s29] =	ssyncset.done $0x0  }
0xa1: {  	[sflag:s29] =	ssyncadd.s32 $0xFFFFC000  }
0xa2: {  	[spmem:s1] =	stream.indirect.scatter.add.f32 [tilespmem:s20], [sflag:$0x3], $0x80, s8, s26, $0xb8;
	[tilespmem:$0x1E400] =	vst v63  }
0xa3: {  	_ =	swait.ge [sflag:s21], $0x4000  }
0xa4: {  	[sflag:s21] =	ssyncset.done $0x0  }
0xa5: {  	[sflag:s21] =	ssyncadd.s32 $0xFFFFC000  }
0xa6: {  	[tilespmem:s20], [sflag:$0x1] =	stream.indirect.gather [hbm4b:s4+s26], $0x80, s7, s26, $0xb8;
	[tilespmem:$0x1E400] =	vst v63  }
0xa7: {  	_ =	swait.ge [sflag:s30], $0x4000  }
0xa8: {  	[sflag:s30] =	ssyncset.done $0x0  }
0xa9: {  	[sflag:s30] =	ssyncadd.s32 $0xFFFFC000  }
0xaa: {  	[spmem:s1] =	stream.indirect.scatter.add.f32 [tilespmem:s28], [sflag:$0x3], $0x80, s9, s26, $0xb8;
	[tilespmem:$0x1E400] =	vst v63  }
0xab: {  	_ =	swait.ge [sflag:s21], $0x4000  }
0xac: {  	[sflag:s21] =	ssyncset.done $0x0  }
0xad: {  	[sflag:s21] =	ssyncadd.s32 $0xFFFFC000  }
0xae: {  	[tilespmem:s28], [sflag:$0x2] =	stream.indirect.gather [hbm4b:s4+s26], $0x80, s7, s26, $0xb8;
	[tilespmem:$0x1E400] =	vst v63  }
0xaf: {  	_ =	swait.ge [sflag:s29], $0x4000  }
0xb0: {  	[sflag:s29] =	ssyncset.done $0x0  }
0xb1: {  	[sflag:s29] =	ssyncadd.s32 $0xFFFFC000  }
0xb2: {  	_ =	swait.ge [sflag:s30], $0x4000  }
0xb3: {  	[sflag:s30] =	ssyncset.done $0x0  }
0xb4: {  	s10 =	simm.s32 $0x0;
	s12 =	rddreg [dreg:$0x5];
	[sflag:s30] =	ssyncadd.s32 $0xFFFFC000  }
0xb5: {  	[tilespmem:s10], [sflag:$0x3] =	stream.linear.gather [hbm4b:s12+s10], $0x1400, $0x38;
	[tilespmem:$0x1E400] =	vst v63  }
0xb6: {  	_ =	swait.ge [sflag:s21], $0x1400  }
0xb7: {  	[sflag:s21] =	ssyncset.done $0x0  }
0xb8: {  	s12 =	rddreg [dreg:$0x6];
	[sflag:s21] =	ssyncadd.s32 $0xFFFFEC00  }
0xb9: {  	[tilespmem:s22], [sflag:$0x3] =	stream.linear.gather [hbm4b:s12+s10], $0x1400, $0x38;
	[tilespmem:$0x1E400] =	vst v63  }
0xba: {  	_ =	swait.ge [sflag:s21], $0x1400  }
0xbb: {  	[sflag:s21] =	ssyncset.done $0x0  }
0xbc: {  	[sflag:s21] =	ssyncadd.s32 $0xFFFFEC00  }
0xbd: {  	[tilespmem:s20], [sflag:$0x1] =	stream.indirect.gather [hbm4b:s4+s26], $0x80, s10, s26, $0xb8;
	[tilespmem:$0x1E400] =	vst v63  }
0xbe: {  	_ = 	snop  }
0xbf: {  	[tilespmem:s28], [sflag:$0x2] =	stream.indirect.gather [hbm4b:s4+s26], $0x80, s26, s26, $0xb8;
	[tilespmem:$0x1E400] =	vst v63  }
0xc0: {  	_ =	swait.ge [sflag:s29], $0x4000  }
0xc1: {  	[sflag:s29] =	ssyncset.done $0x0  }
0xc2: {  	s12 =	simm.s32 $0x1400;
	[sflag:s29] =	ssyncadd.s32 $0xFFFFC000  }
0xc3: {  	[spmem:s1] =	stream.indirect.scatter.add.f32 [tilespmem:s20], [sflag:$0x3], $0x80, s12, s26, $0xb8;
	[tilespmem:$0x1E400] =	vst v63  }
0xc4: {  	_ =	swait.ge [sflag:s21], $0x4000  }
0xc5: {  	[sflag:s21] =	ssyncset.done $0x0  }
0xc6: {  	s11 =	simm.s32 $0x100;
	[sflag:s21] =	ssyncadd.s32 $0xFFFFC000  }
0xc7: {  	[tilespmem:s20], [sflag:$0x1] =	stream.indirect.gather [hbm4b:s4+s26], $0x80, s11, s26, $0xb8;
	[tilespmem:$0x1E400] =	vst v63  }
0xc8: {  	_ =	swait.ge [sflag:s30], $0x4000  }
0xc9: {  	[sflag:s30] =	ssyncset.done $0x0  }
0xca: {  	s12 =	simm.s32 $0x1480;
	[sflag:s30] =	ssyncadd.s32 $0xFFFFC000  }
0xcb: {  	[spmem:s1] =	stream.indirect.scatter.add.f32 [tilespmem:s28], [sflag:$0x3], $0x80, s12, s26, $0xb8;
	[tilespmem:$0x1E400] =	vst v63  }
0xcc: {  	_ =	swait.ge [sflag:s21], $0x4000  }
0xcd: {  	[sflag:s21] =	ssyncset.done $0x0  }
0xce: {  	s11 =	simm.s32 $0x180;
	[sflag:s21] =	ssyncadd.s32 $0xFFFFC000  }
0xcf: {  	[tilespmem:s28], [sflag:$0x2] =	stream.indirect.gather [hbm4b:s4+s26], $0x80, s11, s26, $0xb8;
	[tilespmem:$0x1E400] =	vst v63  }
0xd0: {  	_ =	swait.ge [sflag:s29], $0x4000  }
0xd1: {  	[sflag:s29] =	ssyncset.done $0x0  }
0xd2: {  	s12 =	simm.s32 $0x1500;
	[sflag:s29] =	ssyncadd.s32 $0xFFFFC000  }
0xd3: {  	[spmem:s1] =	stream.indirect.scatter.add.f32 [tilespmem:s20], [sflag:$0x3], $0x80, s12, s26, $0xb8;
	[tilespmem:$0x1E400] =	vst v63  }
0xd4: {  	_ =	swait.ge [sflag:s21], $0x4000  }
0xd5: {  	[sflag:s21] =	ssyncset.done $0x0  }
0xd6: {  	s11 =	simm.s32 $0x200;
	[sflag:s21] =	ssyncadd.s32 $0xFFFFC000  }
0xd7: {  	[tilespmem:s20], [sflag:$0x1] =	stream.indirect.gather [hbm4b:s4+s26], $0x80, s11, s26, $0xb8;
	[tilespmem:$0x1E400] =	vst v63  }
0xd8: {  	_ =	swait.ge [sflag:s30], $0x4000  }
0xd9: {  	[sflag:s30] =	ssyncset.done $0x0  }
0xda: {  	s12 =	simm.s32 $0x1580;
	[sflag:s30] =	ssyncadd.s32 $0xFFFFC000  }
0xdb: {  	[spmem:s1] =	stream.indirect.scatter.add.f32 [tilespmem:s28], [sflag:$0x3], $0x80, s12, s26, $0xb8;
	[tilespmem:$0x1E400] =	vst v63  }
0xdc: {  	_ =	swait.ge [sflag:s21], $0x4000  }
0xdd: {  	[sflag:s21] =	ssyncset.done $0x0  }
0xde: {  	s10 =	simm.s32 $0x800;
	s11 =	simm.s32 $0x280;
	[sflag:s21] =	ssyncadd.s32 $0xFFFFC000  }
.LBB2_6:
0xdf: {  	[tilespmem:s28], [sflag:$0x2] =	stream.indirect.gather [hbm4b:s4+s26], $0x80, s11, s26, $0xb8;
	[tilespmem:$0x1E400] =	vst v63  }
0xe0: {  	s11 =	smov.u32 s10  }
0xe1: {  	p0 =	sne.s32 s10, $0x4000;
	s10 =	sadd.s32 $0x800, s10;
	_ =	swait.ge [sflag:s29], $0x4000  }
0xe2: {  	s11 =	sshra.s32 s11, $0x2;
	[sflag:s29] =	ssyncset.done $0x0  }
0xe3: {  	s12 =	sadd.s32 $0x1400, s11;
	[sflag:s29] =	ssyncadd.s32 $0xFFFFC000  }
0xe4: {  	[spmem:s1] =	stream.indirect.scatter.add.f32 [tilespmem:s20], [sflag:$0x3], $0x80, s12, s26, $0xb8;
	[tilespmem:$0x1E400] =	vst v63  }
0xe5: {  	_ =	swait.ge [sflag:s21], $0x4000  }
0xe6: {  	[sflag:s21] =	ssyncset.done $0x0  }
0xe7: {  	s12 =	sadd.s32 $0x100, s11;
	[sflag:s21] =	ssyncadd.s32 $0xFFFFC000  }
0xe8: {  	[tilespmem:s20], [sflag:$0x1] =	stream.indirect.gather [hbm4b:s4+s26], $0x80, s12, s26, $0xb8;
	[tilespmem:$0x1E400] =	vst v63  }
0xe9: {  	_ =	swait.ge [sflag:s30], $0x4000  }
0xea: {  	[sflag:s30] =	ssyncset.done $0x0  }
0xeb: {  	s12 =	sadd.s32 $0x1480, s11;
	[sflag:s30] =	ssyncadd.s32 $0xFFFFC000  }
0xec: {  	[spmem:s1] =	stream.indirect.scatter.add.f32 [tilespmem:s28], [sflag:$0x3], $0x80, s12, s26, $0xb8;
	[tilespmem:$0x1E400] =	vst v63  }
0xed: {  	_ =	swait.ge [sflag:s21], $0x4000  }
0xee: {  	[sflag:s21] =	ssyncset.done $0x0  }
0xef: {  	s12 =	sadd.s32 $0x180, s11;
	[sflag:s21] =	ssyncadd.s32 $0xFFFFC000  }
0xf0: {  	[tilespmem:s28], [sflag:$0x2] =	stream.indirect.gather [hbm4b:s4+s26], $0x80, s12, s26, $0xb8;
	[tilespmem:$0x1E400] =	vst v63  }
0xf1: {  	_ =	swait.ge [sflag:s29], $0x4000  }
0xf2: {  	[sflag:s29] =	ssyncset.done $0x0  }
0xf3: {  	s12 =	sadd.s32 $0x1500, s11;
	[sflag:s29] =	ssyncadd.s32 $0xFFFFC000  }
0xf4: {  	[spmem:s1] =	stream.indirect.scatter.add.f32 [tilespmem:s20], [sflag:$0x3], $0x80, s12, s26, $0xb8;
	[tilespmem:$0x1E400] =	vst v63  }
0xf5: {  	_ =	swait.ge [sflag:s21], $0x4000  }
0xf6: {  	[sflag:s21] =	ssyncset.done $0x0  }
0xf7: {  	s12 =	sadd.s32 $0x200, s11;
	[sflag:s21] =	ssyncadd.s32 $0xFFFFC000  }
0xf8: {  	[tilespmem:s20], [sflag:$0x1] =	stream.indirect.gather [hbm4b:s4+s26], $0x80, s12, s26, $0xb8;
	[tilespmem:$0x1E400] =	vst v63  }
0xf9: {  	_ =	swait.ge [sflag:s30], $0x4000  }
0xfa: {  	[sflag:s30] =	ssyncset.done $0x0  }
.Ltmp2:
0xfb: {  	s12 =	sadd.s32 $0x1580, s11;
	[sflag:s30] =	ssyncadd.s32 $0xFFFFC000;
	(pc) =	sbr.rel @p0 .LBB2_6-.Ltmp2, $4  }
0xfc: {  	[spmem:s1] =	stream.indirect.scatter.add.f32 [tilespmem:s28], [sflag:$0x3], $0x80, s12, s26, $0xb8;
	[tilespmem:$0x1E400] =	vst v63  }
0xfd: {  	_ =	swait.ge [sflag:s21], $0x4000  }
0xfe: {  	[sflag:s21] =	ssyncset.done $0x0  }
0xff: {  	s11 =	sadd.s32 $0x280, s11;
	[sflag:s21] =	ssyncadd.s32 $0xFFFFC000  }
0x100: {  	[tilespmem:s28], [sflag:$0x2] =	stream.indirect.gather [hbm4b:s4+s26], $0x80, s11, s26, $0xb8;
	[tilespmem:$0x1E400] =	vst v63  }
0x101: {  	_ =	swait.ge [sflag:s29], $0x4000  }
0x102: {  	[sflag:s29] =	ssyncset.done $0x0  }
0x103: {  	[sflag:s29] =	ssyncadd.s32 $0xFFFFC000  }
0x104: {  	[spmem:s1] =	stream.indirect.scatter.add.f32 [tilespmem:s20], [sflag:$0x3], $0x80, s31, s26, $0xb8;
	[tilespmem:$0x1E400] =	vst v63  }
0x105: {  	_ =	swait.ge [sflag:s21], $0x4000  }
0x106: {  	[sflag:s21] =	ssyncset.done $0x0  }
0x107: {  	[sflag:s21] =	ssyncadd.s32 $0xFFFFC000  }
0x108: {  	[tilespmem:s20], [sflag:$0x1] =	stream.indirect.gather [hbm4b:s4+s26], $0x80, s0, s26, $0xb8;
	[tilespmem:$0x1E400] =	vst v63  }
0x109: {  	_ =	swait.ge [sflag:s30], $0x4000  }
0x10a: {  	[sflag:s30] =	ssyncset.done $0x0  }
0x10b: {  	[sflag:s30] =	ssyncadd.s32 $0xFFFFC000  }
0x10c: {  	[spmem:s1] =	stream.indirect.scatter.add.f32 [tilespmem:s28], [sflag:$0x3], $0x80, s3, s26, $0xb8;
	[tilespmem:$0x1E400] =	vst v63  }
0x10d: {  	_ =	swait.ge [sflag:s21], $0x4000  }
0x10e: {  	[sflag:s21] =	ssyncset.done $0x0  }
0x10f: {  	[sflag:s21] =	ssyncadd.s32 $0xFFFFC000  }
0x110: {  	[tilespmem:s28], [sflag:$0x2] =	stream.indirect.gather [hbm4b:s4+s26], $0x80, s7, s26, $0xb8;
	[tilespmem:$0x1E400] =	vst v63  }
0x111: {  	_ =	swait.ge [sflag:s29], $0x4000  }
0x112: {  	[sflag:s29] =	ssyncset.done $0x0  }
0x113: {  	[sflag:s29] =	ssyncadd.s32 $0xFFFFC000  }
0x114: {  	[spmem:s1] =	stream.indirect.scatter.add.f32 [tilespmem:s20], [sflag:$0x3], $0x80, s8, s26, $0xb8;
	[tilespmem:$0x1E400] =	vst v63  }
0x115: {  	_ =	swait.ge [sflag:s21], $0x4000  }
0x116: {  	[sflag:s21] =	ssyncset.done $0x0  }
0x117: {  	[sflag:s21] =	ssyncadd.s32 $0xFFFFC000  }
0x118: {  	[tilespmem:s20], [sflag:$0x1] =	stream.indirect.gather [hbm4b:s4+s26], $0x80, s7, s26, $0xb8;
	[tilespmem:$0x1E400] =	vst v63  }
0x119: {  	_ =	swait.ge [sflag:s30], $0x4000  }
0x11a: {  	[sflag:s30] =	ssyncset.done $0x0  }
0x11b: {  	[sflag:s30] =	ssyncadd.s32 $0xFFFFC000  }
0x11c: {  	[spmem:s1] =	stream.indirect.scatter.add.f32 [tilespmem:s28], [sflag:$0x3], $0x80, s9, s26, $0xb8;
	[tilespmem:$0x1E400] =	vst v63  }
0x11d: {  	_ =	swait.ge [sflag:s21], $0x4000  }
0x11e: {  	[sflag:s21] =	ssyncset.done $0x0  }
0x11f: {  	[sflag:s21] =	ssyncadd.s32 $0xFFFFC000  }
0x120: {  	[tilespmem:s28], [sflag:$0x2] =	stream.indirect.gather [hbm4b:s4+s26], $0x80, s7, s26, $0xb8;
	[tilespmem:$0x1E400] =	vst v63  }
0x121: {  	_ =	swait.ge [sflag:s29], $0x4000  }
0x122: {  	[sflag:s29] =	ssyncset.done $0x0  }
0x123: {  	[sflag:s29] =	ssyncadd.s32 $0xFFFFC000  }
0x124: {  	_ =	swait.ge [sflag:s30], $0x4000  }
0x125: {  	[sflag:s30] =	ssyncset.done $0x0  }
0x126: {  	s10 =	stileid.u32;
	[sflag:s30] =	ssyncadd.s32 $0xFFFFC000  }
0x127: {  	s10 =	sshll.u32 s10, $0x6;
	[bflag:$0x0] =	sbarrier.arrive $0xFFFF  }
0x128: {  	s11 =	sshrl.u32 s5, $0x3;
	s10 =	sor.u32 $0x1C03, s10;
	s12 =	rddreg [dreg:$0x8]  }
0x129: {  	[hbm:s12], [sflag:s10] =	dma.local [spmem:s11], $0x800  }
0x12a: {  	_ =	swait.ge [sflag:s21], $0x800  }
0x12b: {  	[sflag:s21] =	ssyncset.done $0x0  }
0x12c: {  	[sflag:s21] =	ssyncadd.s32 $0xFFFFF800  }
0x12d: {  	[hbm:s17], [sflag:s10] =	dma.local [spmem:s23], $0x800  }
0x12e: {  	_ =	swait.ge [sflag:s21], $0x800  }
0x12f: {  	[sflag:s21] =	ssyncset.done $0x0  }
0x130: {  	[sflag:s21] =	ssyncadd.s32 $0xFFFFF800  }
0x131: {  	[hbm:s18], [sflag:s10] =	dma.local [spmem:s24], $0x800  }
0x132: {  	_ =	swait.ge [sflag:s21], $0x800  }
0x133: {  	[sflag:s21] =	ssyncset.done $0x0  }
0x134: {  	[sflag:s21] =	ssyncadd.s32 $0xFFFFF800  }
0x135: {  	[hbm:s19], [sflag:s10] =	dma.local [spmem:s25], $0x800  }
0x136: {  	s2 =	sadd.s32 $0x1, s2;
	_ =	swait.ge [sflag:s21], $0x800  }
0x137: {  	p0 =	sne.s32 s2, s13;
	s11 =	sshrl.u32 s6, $0x3;
	[sflag:s21] =	ssyncset.done $0x0  }
.Ltmp3:
0x138: {  	s12 =	rddreg [dreg:$0x7];
	[sflag:s21] =	ssyncadd.s32 $0xFFFFF800;
	(pc) =	sbr.rel @p0 .LBB2_1-.Ltmp3, $4  }
0x139: {  	[hbm:s12], [sflag:s10] =	dma.local [spmem:s11], $0x780  }
0x13a: {  	_ =	swait.ge [sflag:s21], $0x780  }
0x13b: {  	[sflag:s21] =	ssyncset.done $0x0  }
0x13c: {  	[sflag:s21] =	ssyncadd.s32 $0xFFFFF880  }
0x13d: {  	_ =	sfence.sel $0x180000  }
0x13e: {  	[bflag:$0x0] =	sbarrier.arrive $0xFFFF  }
0x13f: {  	_ =	strace $0x90000047  }
0x140: {  	s0 =	stileid.u32;
	[bflag:$0x2] =	sbarrier.arrive $0xFFFF  }
0x141: {  	p0 =	sne.s32 s0, $0x0;
	s0 =	rddreg [dreg:$0x2]  }
0x142: {  	s0 =	sadd.s32 @!p0 $0x100000, s0  }
0x143: {  	[sflag:s0] =	ssyncadd.tile.s32 @!p0 $0x1;
	_ =	shalt  }
.Lfunc_end2:
_tile_overlayer_lowered:
.L_overlay_start_2:
0x144: {  	(tag) =	ssettag $0x2  }
0x145: {  	s0 =	rddreg [dreg:$0x0];
	s2 =	stileid.u32  }
0x146: {  	s1 =	rddreg [dreg:$0x1];
	p0 =	sne.s32 s2, $0x0  }
0x147: {  	s3 =	rddreg [dreg:$0x2];
	[bflag:$0x3] =	sbarrier.arrive $0xFFFF;
	s2 =	simm.s32 @!p0 $0x1C03  }
0x148: {  	[timem:s3], [sflag:s2] =	dma.local @!p0 [hbm:s0], s1  }
0x149: {  	s0 =	simm.s32 @!p0 $0x3  }
0x14a: {  	_ =	swait.ge @!p0 [sflag:s0], s1  }
0x14b: {  	s1 =	ssub.s32 @!p0 $0x0, s1;
	[sflag:s0] =	ssyncset.done @!p0 $0x0  }
0x14c: {  	[sflag:s0] =	ssyncadd.s32 @!p0 s1  }
0x14d: {  	[bflag:$0x3] =	sbarrier.arrive $0xFFFF  }
0x14e: {  	_ =	shalt  }

// kernel: kernel.14.cloned.1.call-start
scs
__scs_entry_jumppad:
0x0: {  	(pc) =	sbr.rel $0x88, $3  }
0x1: {  	(tag) =	ssettag $0x0;
	lr =	simm.s32 $0x1  }
0x2: {  	[smem:$0x3F94] =	sst lr;
	_ =	strace $0xD0000000  }
0x3: {  	_ = 	snop  }
0x4: {  	_ = 	snop  }
0x5: {  	_ = 	snop  }
0x6: {  	_ = 	snop  }
0x7: {  	_ = 	snop  }
__scs_overlays_trampoline_lowered:
0x8: {  	[smem:$0x3FA3] =	sst s0  }
0x9: {  	[smem:$0x3FA4] =	sst s1  }
0xa: {  	[smem:$0x3FA5] =	sst s2  }
0xb: {  	[smem:$0x3FA6] =	sst s3  }
0xc: {  	[smem:$0x3FA7] =	sst s4  }
0xd: {  	[smem:$0x3FA8] =	sst s5  }
0xe: {  	[smem:$0x3FA9] =	sst s6  }
0xf: {  	[smem:$0x3FAA] =	sst s7  }
0x10: {  	[smem:$0x3FAB] =	sst s8  }
0x11: {  	[smem:$0x3FAC] =	sst s9;
	s0 =	simm.s32 @!p0 $0x0  }
0x12: {  	s1 =	sld [smem:$0x3F92];
	s0 =	simm.s32 @p0 $0x1  }
0x13: {  	[smem:$0x3FAD] =	sst s0;
	s0 =	simm.s32 @!p1 $0x0  }
0x14: {  	s2 =	sld [smem:$0x3F91];
	s0 =	simm.s32 @p1 $0x1  }
0x15: {  	[smem:$0x3FAE] =	sst s0;
	s0 =	simm.s32 @!p2 $0x0  }
0x16: {  	s3 =	sld [smem:$0x3FDB];
	s0 =	simm.s32 @p2 $0x1  }
0x17: {  	s4 =	simm.s32 $0x1BF5;
	[smem:$0x3FB0] =	sst s0  }
0x18: {  	s0 =	sld [smem:$0x3F93];
	_ =	swait.ge [sflag:s4], $0x0  }
0x19: {  	s7 =	sld [smem:$0x3F94]  }
0x1a: {  	s8 =	sadd.s32 $0xFFFFE003, lr  }
0x1b: {  	s9 =	sadd.s32 $0xFFFFFEF7, lr;
	s5 =	simm.s32 $0xFFFFFFFF;
	p2 =	slt.u32 s8, $0xFFFFF086  }
0x1c: {  	p1 =	slt.u32 s9, $0xF7A;
	s5 =	simm.s32 @!p2 $0x0  }
0x1d: {  	s5 =	simm.s32 @p1 $0x1;
	p0 =	seq.s32 s7, s2  }
0x1e: {  	s7 =	smul.u32 @!p0 $0xF7A, s2;
	p2 =	seq.s32 @!p0 s5, $0x0  }
0x1f: {  	s9 =	smul.u32 $0xF7A, s1;
	s8 =	simm.s32 @!p0 $0x1BF5;
	p2 =	por !p2, p0  }
0x20: {  	[sflag:s8] =	ssyncset.s32 @!p0 $0xFFFFF086;
	s6 =	sadd.s32 @!p0 s3, s7;
	s7 =	simm.s32 @!p0 $0x108  }
0x21: {  	s3 =	sadd.s32 s3, s9;
	s6 =	sadd.s32 @!p0 $0x88, s6;
	s7 =	simm.s32 @p2 $0x1082  }
0x22: {  	[simem:s7], [sflag:s8] =	dma.local @!p0 [hbm:s6], $0xF7A  }
0x23: {  	s9 =	sor.u32 $0xD0000000, s2;
	s6 =	simm.s32 $0x108;
	_ =	swait.ge @!p0 [sflag:s8], $0x0  }
0x24: {  	s3 =	sadd.s32 $0x88, s3;
	s6 =	simm.s32 @!p1 $0x1082;
	[sflag:s4] =	ssyncset.s32 $0xFFFFF086  }
0x25: {  	[simem:s6], [sflag:s4] =	dma.local [hbm:s3], $0xF7A  }
0x26: {  	[smem:$0x3F94] =	sst s1;
	(tag) =	ssettag s2;
	_ =	strace s9  }
0x27: {  	s1 =	sld [smem:$0x3FA4]  }
0x28: {  	s2 =	sld [smem:$0x3FA5]  }
0x29: {  	s4 =	sld [smem:$0x3FA7]  }
0x2a: {  	p0 =	seq.s32 s5, $0x0;
	s5 =	sld [smem:$0x3FA8]  }
0x2b: {  	s6 =	sld [smem:$0x3FA9]  }
0x2c: {  	s7 =	sld [smem:$0x3FAA]  }
0x2d: {  	s3 =	simm.s32 $0x108;
	s8 =	sld [smem:$0x3FAB]  }
0x2e: {  	s3 =	simm.s32 @!p0 $0x1082;
	s9 =	sld [smem:$0x3FAC]  }
0x2f: {  	lr =	sadd.s32 s0, s3;
	s0 =	sld [smem:$0x3FA3]  }
0x30: {  	s3 =	sld [smem:$0x3FA6]  }
0x31: {  	[smem:$0x3FAF] =	sst s10  }
0x32: {  	s10 =	sld [smem:$0x3FAD];
	_ =	sdelay $0x3  }
0x33: {  	p0 =	seq.s32 s10, $0x1;
	s10 =	sld [smem:$0x3FAF];
	_ =	sdelay $0x3  }
0x34: {  	[smem:$0x3FAF] =	sst s10  }
0x35: {  	s10 =	sld [smem:$0x3FAE];
	_ =	sdelay $0x3  }
0x36: {  	p1 =	seq.s32 s10, $0x1;
	s10 =	sld [smem:$0x3FAF];
	_ =	sdelay $0x3  }
0x37: {  	[smem:$0x3FAF] =	sst s10  }
0x38: {  	s10 =	sld [smem:$0x3FB0]  }
0x39: {  	_ = 	snop;
	(pc) =	sbr.ind lr, $3  }
0x3a: {  	_ = 	snop  }
0x3b: {  	_ = 	snop  }
0x3c: {  	p2 =	seq.s32 s10, $0x1;
	s10 =	sld [smem:$0x3FAF]  }
0x3d: {  	_ =	shalt  }
0x3e: {  	_ =	shalt  }
0x3f: {  	_ =	shalt  }
0x40: {  	_ =	shalt  }
0x41: {  	_ =	shalt  }
0x42: {  	_ =	shalt  }
0x43: {  	_ =	shalt  }
0x44: {  	_ =	shalt  }
0x45: {  	_ =	shalt  }
0x46: {  	_ =	shalt  }
0x47: {  	_ =	shalt  }
0x48: {  	_ =	shalt  }
0x49: {  	_ =	shalt  }
0x4a: {  	_ =	shalt  }
0x4b: {  	_ =	shalt  }
0x4c: {  	_ =	shalt  }
0x4d: {  	_ =	shalt  }
0x4e: {  	_ =	shalt  }
0x4f: {  	_ =	shalt  }
0x50: {  	_ =	shalt  }
0x51: {  	_ =	shalt  }
0x52: {  	_ =	shalt  }
0x53: {  	_ =	shalt  }
0x54: {  	_ =	shalt  }
0x55: {  	_ =	shalt  }
0x56: {  	_ =	shalt  }
0x57: {  	_ =	shalt  }
0x58: {  	_ =	shalt  }
0x59: {  	_ =	shalt  }
0x5a: {  	_ =	shalt  }
0x5b: {  	_ =	shalt  }
0x5c: {  	_ =	shalt  }
0x5d: {  	_ =	shalt  }
0x5e: {  	_ =	shalt  }
0x5f: {  	_ =	shalt  }
0x60: {  	_ =	shalt  }
0x61: {  	_ =	shalt  }
0x62: {  	_ =	shalt  }
0x63: {  	_ =	shalt  }
0x64: {  	_ =	shalt  }
0x65: {  	_ =	shalt  }
0x66: {  	_ =	shalt  }
0x67: {  	_ =	shalt  }
0x68: {  	_ =	shalt  }
0x69: {  	_ =	shalt  }
0x6a: {  	_ =	shalt  }
0x6b: {  	_ =	shalt  }
0x6c: {  	_ =	shalt  }
0x6d: {  	_ =	shalt  }
0x6e: {  	_ =	shalt  }
0x6f: {  	_ =	shalt  }
0x70: {  	_ =	shalt  }
0x71: {  	_ =	shalt  }
0x72: {  	_ =	shalt  }
0x73: {  	_ =	shalt  }
0x74: {  	_ =	shalt  }
0x75: {  	_ =	shalt  }
0x76: {  	_ =	shalt  }
0x77: {  	_ =	shalt  }
0x78: {  	_ =	shalt  }
0x79: {  	_ =	shalt  }
0x7a: {  	_ =	shalt  }
0x7b: {  	_ =	shalt  }
0x7c: {  	_ =	shalt  }
0x7d: {  	_ =	shalt  }
0x7e: {  	_ =	shalt  }
0x7f: {  	_ =	shalt  }
0x80: {  	_ =	shalt  }
0x81: {  	_ =	shalt  }
0x82: {  	_ =	shalt  }
0x83: {  	_ =	shalt  }
0x84: {  	_ =	shalt  }
0x85: {  	_ =	shalt  }
0x86: {  	_ =	shalt  }
0x87: {  	_ =	shalt  }
.Lfunc_end0:
.L_simem_size_0:
called_computation.2_lowered:
.L_overlay_start_0:
0x88: {  	s2 =	sld [smem:$0x3FD9]  }
0x89: {  	s3 =	sld [smem:$0x3FFE];
	_ =	sdelay $0x1  }
0x8a: {  	s1 =	srdreg.scid  }
0x8b: {  	s0 =	sand.u32 $0x1, s1  }
0x8c: {  	s16 =	sshll.u32 s0, $0xA;
	s2 =	sadd.s32 s3, s2  }
0x8d: {  	s2 =	sadd.s32 s2, s16  }
0x8e: {  	[smem:$0x3FBB] =	sst s2  }
0x8f: {  	_ = 	snop  }
0x90: {  	(tm) =	ssettm $0x1  }
0x91: {  	s17 =	sld [smem:$0x3FFB];
	_ =	sdelay $0x3  }
0x92: {  	_ =	strace s17  }
0x93: {  	s2 =	sld [smem:$0x3FFC];
	_ =	sdelay $0x3  }
0x94: {  	_ =	strace s2  }
0x95: {  	s2 =	sld [smem:$0x3FFD];
	_ =	sdelay $0x3  }
0x96: {  	_ =	strace s2  }
0x97: {  	_ =	strace $0x8FFFFFFF  }
0x98: {  	s18 =	sld [smem:$0x3FDB];
	_ =	sdelay $0x1  }
0x99: {  	s19 =	simm.s32 $_scs_section_size  }
0x9a: {  	s4 =	simm.s32 $_size__tile_overlayer_lowered;
	s5 =	simm.s32 $_tile_overlayer_lowered  }
0x9b: {  	s22 =	simm.s32 $0x1BFF;
	s21 =	sshll.u32 s5, $0x1;
	s2 =	sadd.s32 s19, s18  }
0x9c: {  	s6 =	simm.s32 $0x0;
	s20 =	sshll.u32 s4, $0x1;
	s4 =	sadd.s32 s21, s2  }
0x9d: {  	[timem:s6], [sflag:s22] =	dma.local [hbm:s4], s20  }
0x9e: {  	_ =	swait.ge [sflag:s22], s20  }
0x9f: {  	s3 =	ssub.s32 $0x0, s20;
	[sflag:s22] =	ssyncset.done $0x0  }
0xa0: {  	[sflag:s22] =	ssyncadd.s32 s3;
	_ =	sdelay $0x1  }
0xa1: {  	s23 =	simm.s32 $0x1B8B  }
0xa2: {  	_ =	swait.ge [sflag:s23], $0x1  }
0xa3: {  	[sflag:s23] =	ssyncset.done $0x0  }
0xa4: {  	s25 =	simm.s32 $0x1B8E;
	s24 =	sld [smem:$0x3FFE];
	[sflag:s23] =	ssyncadd.s32 $0xFFFFFFFF  }
0xa5: {  	s26 =	simm.s32 $execute0_lowered;
	[smem:$0x3FD2] =	sst s25  }
0xa6: {  	s4 =	sshll.u32 s26, $0x1;
	_ =	strace $0x8000004C;
	[dreg:$0x1] =	wrdreg $0xFFFFFFFF  }
0xa7: {  	s28 =	simm.s32 $_size_execute0_lowered;
	s2 =	sadd.s32 s2, s4;
	[dreg:$0x0] =	wrdreg $0x0  }
0xa8: {  	s4 =	sshll.u32 s28, $0x1;
	[dreg:$0x2] =	wrdreg s2  }
0xa9: {  	[dreg:$0x3] =	wrdreg s4  }
0xaa: {  	[dreg:$0x4] =	wrdreg $0xC0  }
0xab: {  	_ =	task [dreg:s6], $0x5FFFF  }
0xac: {  	[dreg:$0x1] =	wrdreg $0xFFFFFFFF  }
0xad: {  	[dreg:$0x0] =	wrdreg $0x60  }
0xae: {  	[dreg:$0x2] =	wrdreg s24  }
0xaf: {  	[dreg:$0x3] =	wrdreg $0xA8000  }
0xb0: {  	[dreg:$0x4] =	wrdreg $0x9  }
0xb1: {  	_ =	task.clear_ibuf [dreg:s6], $0x5FFFF;
	_ =	strace $0x9000004C  }
0xb2: {  	s29 =	simm.s32 $0x9;
	_ =	strace $0x8000004E  }
0xb3: {  	_ =	swait.ge [sflag:s29], $0x1  }
0xb4: {  	[sflag:s29] =	ssyncadd.s32 $0xFFFFFFFF  }
0xb5: {  	_ =	strace $0x9000004E  }
0xb6: {  	_ =	sfence  }
0xb7: {  	s30 =	sld [smem:$0x0];
	_ =	sdelay $0x2  }
0xb8: {  	s31 =	sshll.u32 s1, $0xD;
	s1 =	sshrl.u32 s1, $0x2  }
0xb9: {  	s3 =	sand.u32 $0x4000, s31;
	s1 =	sadd.s32 s1, s30  }
0xba: {  	s0 =	sor.u32 s3, s0;
	s1 =	sshll.u32 s1, $0x11  }
0xbb: {  	s0 =	sor.u32 s1, s0  }
0xbc: {  	s0 =	sadd.s32 $0x8F2B, s0  }
0xbd: {  	[sflag:s0] =	ssyncadd.remote.s32 $0x1  }
0xbe: {  	_ =	sfence.sel $0xFFFF  }
0xbf: {  	[dreg:$0x0] =	wrdreg $0xFFFFFFFF;
	(pc) =	sbr.abs _section_cstart, $3  }
0xc0: {  	[dreg:$0x1] =	wrdreg $0xFFFFFFFF  }
0xc1: {  	_ =	task.clear_ibuf [dreg:s6], $0x2FFFF;
	_ =	strace $0x9FFFFFFF  }
0xc2: {  	(tm) =	ssettm $0x7FFFFFFF  }
0xc3: {  	_ =	shalt  }
tec
execute0_lowered:
.L_overlay_start_1:
0x0: {  	(tag) =	ssettag $0x1  }
0x1: {  	s0 =	rddreg [dreg:$0x0]  }
0x2: {  	s1 =	rddreg [dreg:$0x1];
	s2 =	simm.s32 $0x0  }
0x3: {  	s5 =	srdreg.scid;
	s9 =	stileid.u32;
	s28 =	simm.s32 $0x6800  }
0x4: {  	s29 =	simm.s32 $0x1;
	s30 =	simm.s32 $0x2;
	s31 =	simm.s32 $0x2600  }
0x5: {  	[smem:$0x7FF] =	sst s2;
	s4 =	sadd.s32 $0x2600, s0;
	s3 =	sadd.s32 $0x29800, s0  }
0x6: {  	s5 =	sand.u32 $0x1, s5;
	s6 =	sshll.u32 s9, $0x1;
	s7 =	smul.u32 $0x4F000, s9  }
0x7: {  	s9 =	smul.u32 $0x13C00, s9;
	s10 =	sadd.s32 $0x33800, s0;
	s0 =	sadd.s32 $0x3D800, s0  }
0x8: {  	s8 =	ssub.s32 $0x2, s5;
	s6 =	sor.u32 s5, s6;
	s18 =	smul.u32 $0x13C000, s5  }
0x9: {  	_ =	strace $0x8000004D;
	s11 =	sshrl.u32 s8, $0x1;
	s6 =	smul.u32 $0x2800, s6  }
0xa: {  	s7 =	sshrl.u32 s7, $0x2;
	s25 =	sadd.s32 $0x10000, s9;
	s19 =	sadd.s32 $0x4000, s9  }
0xb: {  	s21 =	sadd.s32 $0x8000, s9;
	s8 =	ssub.s32 s8, s11;
	s5 =	sadd.s32 s7, s1  }
0xc: {  	s11 =	sadd.s32 s18, s25;
	s16 =	sadd.s32 s18, s9;
	s20 =	sadd.s32 s18, s19  }
0xd: {  	s22 =	sadd.s32 s18, s21;
	s9 =	sadd.s32 $0xC000, s9;
	s24 =	sadd.s32 s21, s1  }
0xe: {  	s21 =	simm.s32 $0x3;
	s12 =	sshrl.u32 s6, $0x3;
	s6 =	sadd.s32 s25, s1  }
0xf: {  	s15 =	sshrl.u32 s11, $0x3;
	s17 =	sshrl.u32 s16, $0x3;
	s16 =	sadd.s32 $0xC000, s5  }
0x10: {  	s23 =	sadd.s32 s18, s9;
	s24 =	sshrl.u32 s24, $0x3;
	s26 =	sadd.s32 s3, s12  }
0x11: {  	s13 =	sadd.s32 s10, s12;
	s14 =	sadd.s32 $0x280, s12;
	[dreg:$0x3] =	wrdreg s26  }
0x12: {  	s25 =	sshrl.u32 s23, $0x3;
	[dreg:$0x4] =	wrdreg s13;
	s3 =	sadd.s32 s3, s14  }
0x13: {  	s7 =	sadd.s32 s10, s14;
	s13 =	smax.u32 s8, $0x1;
	s14 =	sadd.s32 $0x4000, s5  }
0x14: {  	s26 =	sadd.s32 s9, s1;
	s8 =	simm.s32 $0x2700;
	[dreg:$0x5] =	wrdreg s3  }
0x15: {  	s9 =	simm.s32 $0x2780;
	[dreg:$0x6] =	wrdreg s7;
	s3 =	sadd.s32 s0, s15  }
0x16: {  	s15 =	sadd.s32 $0x8000, s5;
	s7 =	sshrl.u32 s20, $0x3;
	s20 =	simm.s32 $0x2800  }
0x17: {  	[dreg:$0x7] =	wrdreg s3;
	s3 =	sadd.s32 s0, s17;
	s17 =	sadd.s32 s0, s7  }
0x18: {  	s7 =	sshrl.u32 s22, $0x3;
	s22 =	simm.s32 $0x1400;
	[dreg:$0x8] =	wrdreg s3  }
0x19: {  	s3 =	sadd.s32 s19, s1;
	s18 =	sadd.s32 s0, s7;
	s19 =	sadd.s32 s0, s25  }
0x1a: {  	s25 =	sshrl.u32 s26, $0x3;
	s26 =	simm.s32 $0x80;
	s0 =	simm.s32 $0x1300  }
0x1b: {  	v0 =	vimm.f32 $0.0e+00;
	s7 =	simm.s32 $0x1380;
	s23 =	sshrl.u32 s3, $0x3;
	s3 =	simm.s32 $0x2680  }
.LBB2_1:
0x1c: {  	s10 =	simm.s32 $0x0;
	s11 =	simm.s32 $0x200  }
.LBB2_2:
0x1d: {  	p0 =	sne.s32 s11, $0xFE00;
	[tilespmem:s10+$0x2870] =	vst v0  }
0x1e: {  	[tilespmem:s10+$0x2800] =	vst v0  }
0x1f: {  	[tilespmem:s10+$0x2810] =	vst v0  }
.Ltmp0:
0x20: {  	[tilespmem:s10+$0x2820] =	vst v0;
	(pc) =	sbr.rel @p0 .LBB2_2-.Ltmp0, $4  }
0x21: {  	[tilespmem:s10+$0x2830] =	vst v0  }
0x22: {  	[tilespmem:s10+$0x2840] =	vst v0  }
0x23: {  	[tilespmem:s10+$0x2850] =	vst v0  }
0x24: {  	[tilespmem:s10+$0x2860] =	vst v0;
	s10 =	sshra.s32 s11, $0x2;
	s11 =	sadd.s32 $0x200, s11  }
0x25: {  	[tilespmem:s10+$0x2870] =	vst v0  }
0x26: {  	[tilespmem:s10+$0x2800] =	vst v0  }
0x27: {  	[tilespmem:s10+$0x2810] =	vst v0  }
0x28: {  	[tilespmem:s10+$0x2820] =	vst v0  }
0x29: {  	[tilespmem:s10+$0x2830] =	vst v0  }
0x2a: {  	[tilespmem:s10+$0x2840] =	vst v0  }
0x2b: {  	[tilespmem:s10+$0x2850] =	vst v0  }
0x2c: {  	[tilespmem:s10+$0x2860] =	vst v0  }
0x2d: {  	[spmem:s5] =	stream.linear.scatter [tilespmem:s20], [sflag:$0x3], $0x4000, $0x38;
	[tilespmem:$0x1E400] =	vst v63  }
0x2e: {  	_ =	swait.ge [sflag:s21], $0x4000  }
0x2f: {  	[sflag:s21] =	ssyncset.done $0x0  }
0x30: {  	[sflag:s21] =	ssyncadd.s32 $0xFFFFC000  }
0x31: {  	[spmem:s14] =	stream.linear.scatter [tilespmem:s20], [sflag:$0x3], $0x4000, $0x38;
	[tilespmem:$0x1E400] =	vst v63  }
0x32: {  	_ =	swait.ge [sflag:s21], $0x4000  }
0x33: {  	[sflag:s21] =	ssyncset.done $0x0  }
0x34: {  	[sflag:s21] =	ssyncadd.s32 $0xFFFFC000  }
0x35: {  	[spmem:s15] =	stream.linear.scatter [tilespmem:s20], [sflag:$0x3], $0x4000, $0x38;
	[tilespmem:$0x1E400] =	vst v63  }
0x36: {  	_ =	swait.ge [sflag:s21], $0x4000  }
0x37: {  	[sflag:s21] =	ssyncset.done $0x0  }
0x38: {  	[sflag:s21] =	ssyncadd.s32 $0xFFFFC000  }
0x39: {  	[spmem:s16] =	stream.linear.scatter [tilespmem:s20], [sflag:$0x3], $0x4000, $0x38;
	[tilespmem:$0x1E400] =	vst v63  }
0x3a: {  	_ =	swait.ge [sflag:s21], $0x4000  }
0x3b: {  	[sflag:s21] =	ssyncset.done $0x0  }
0x3c: {  	[sflag:s21] =	ssyncadd.s32 $0xFFFFC000  }
0x3d: {  	[spmem:s6] =	stream.linear.scatter [tilespmem:s20], [sflag:$0x3], $0x3C00, $0x38;
	[tilespmem:$0x1E400] =	vst v63  }
0x3e: {  	_ =	swait.ge [sflag:s21], $0x3C00  }
0x3f: {  	[sflag:s21] =	ssyncset.done $0x0  }
0x40: {  	[sflag:s21] =	ssyncadd.s32 $0xFFFFC400  }
0x41: {  	[bflag:$0x0] =	sbarrier.arrive $0xFFFF  }
0x42: {  	s10 =	simm.s32 $0x0;
	s11 =	rddreg [dreg:$0x3]  }
0x43: {  	[tilespmem:s10], [sflag:$0x3] =	stream.linear.gather [hbm4b:s11+s10], $0x1400, $0x38;
	[tilespmem:$0x1E400] =	vst v63  }
0x44: {  	_ =	swait.ge [sflag:s21], $0x1400  }
0x45: {  	[sflag:s21] =	ssyncset.done $0x0  }
0x46: {  	s12 =	rddreg [dreg:$0x4];
	[sflag:s21] =	ssyncadd.s32 $0xFFFFEC00  }
0x47: {  	[tilespmem:s22], [sflag:$0x3] =	stream.linear.gather [hbm4b:s12+s10], $0x1400, $0x38;
	[tilespmem:$0x1E400] =	vst v63  }
0x48: {  	_ =	swait.ge [sflag:s21], $0x1400  }
0x49: {  	[sflag:s21] =	ssyncset.done $0x0  }
0x4a: {  	[sflag:s21] =	ssyncadd.s32 $0xFFFFEC00  }
0x4b: {  	[tilespmem:s20], [sflag:$0x1] =	stream.indirect.gather [hbm4b:s4+s26], $0x80, s10, s26, $0xb8;
	[tilespmem:$0x1E400] =	vst v63  }
0x4c: {  	_ = 	snop  }
0x4d: {  	[tilespmem:s28], [sflag:$0x2] =	stream.indirect.gather [hbm4b:s4+s26], $0x80, s26, s26, $0xb8;
	[tilespmem:$0x1E400] =	vst v63  }
0x4e: {  	_ =	swait.ge [sflag:s29], $0x4000  }
0x4f: {  	[sflag:s29] =	ssyncset.done $0x0  }
0x50: {  	s12 =	simm.s32 $0x1400;
	[sflag:s29] =	ssyncadd.s32 $0xFFFFC000  }
0x51: {  	[spmem:s1] =	stream.indirect.scatter.add.f32 [tilespmem:s20], [sflag:$0x3], $0x80, s12, s26, $0xb8;
	[tilespmem:$0x1E400] =	vst v63  }
0x52: {  	_ =	swait.ge [sflag:s21], $0x4000  }
0x53: {  	[sflag:s21] =	ssyncset.done $0x0  }
0x54: {  	s11 =	simm.s32 $0x100;
	[sflag:s21] =	ssyncadd.s32 $0xFFFFC000  }
0x55: {  	[tilespmem:s20], [sflag:$0x1] =	stream.indirect.gather [hbm4b:s4+s26], $0x80, s11, s26, $0xb8;
	[tilespmem:$0x1E400] =	vst v63  }
0x56: {  	_ =	swait.ge [sflag:s30], $0x4000  }
0x57: {  	[sflag:s30] =	ssyncset.done $0x0  }
0x58: {  	s12 =	simm.s32 $0x1480;
	[sflag:s30] =	ssyncadd.s32 $0xFFFFC000  }
0x59: {  	[spmem:s1] =	stream.indirect.scatter.add.f32 [tilespmem:s28], [sflag:$0x3], $0x80, s12, s26, $0xb8;
	[tilespmem:$0x1E400] =	vst v63  }
0x5a: {  	_ =	swait.ge [sflag:s21], $0x4000  }
0x5b: {  	[sflag:s21] =	ssyncset.done $0x0  }
0x5c: {  	s11 =	simm.s32 $0x180;
	[sflag:s21] =	ssyncadd.s32 $0xFFFFC000  }
0x5d: {  	[tilespmem:s28], [sflag:$0x2] =	stream.indirect.gather [hbm4b:s4+s26], $0x80, s11, s26, $0xb8;
	[tilespmem:$0x1E400] =	vst v63  }
0x5e: {  	_ =	swait.ge [sflag:s29], $0x4000  }
0x5f: {  	[sflag:s29] =	ssyncset.done $0x0  }
0x60: {  	s12 =	simm.s32 $0x1500;
	[sflag:s29] =	ssyncadd.s32 $0xFFFFC000  }
0x61: {  	[spmem:s1] =	stream.indirect.scatter.add.f32 [tilespmem:s20], [sflag:$0x3], $0x80, s12, s26, $0xb8;
	[tilespmem:$0x1E400] =	vst v63  }
0x62: {  	_ =	swait.ge [sflag:s21], $0x4000  }
0x63: {  	[sflag:s21] =	ssyncset.done $0x0  }
0x64: {  	s11 =	simm.s32 $0x200;
	[sflag:s21] =	ssyncadd.s32 $0xFFFFC000  }
0x65: {  	[tilespmem:s20], [sflag:$0x1] =	stream.indirect.gather [hbm4b:s4+s26], $0x80, s11, s26, $0xb8;
	[tilespmem:$0x1E400] =	vst v63  }
0x66: {  	_ =	swait.ge [sflag:s30], $0x4000  }
0x67: {  	[sflag:s30] =	ssyncset.done $0x0  }
0x68: {  	s12 =	simm.s32 $0x1580;
	[sflag:s30] =	ssyncadd.s32 $0xFFFFC000  }
0x69: {  	[spmem:s1] =	stream.indirect.scatter.add.f32 [tilespmem:s28], [sflag:$0x3], $0x80, s12, s26, $0xb8;
	[tilespmem:$0x1E400] =	vst v63  }
0x6a: {  	_ =	swait.ge [sflag:s21], $0x4000  }
0x6b: {  	[sflag:s21] =	ssyncset.done $0x0  }
0x6c: {  	s10 =	simm.s32 $0x800;
	s11 =	simm.s32 $0x280;
	[sflag:s21] =	ssyncadd.s32 $0xFFFFC000  }
.LBB2_4:
0x6d: {  	[tilespmem:s28], [sflag:$0x2] =	stream.indirect.gather [hbm4b:s4+s26], $0x80, s11, s26, $0xb8;
	[tilespmem:$0x1E400] =	vst v63  }
0x6e: {  	s11 =	smov.u32 s10  }
0x6f: {  	p0 =	sne.s32 s10, $0x4000;
	s10 =	sadd.s32 $0x800, s10;
	_ =	swait.ge [sflag:s29], $0x4000  }
0x70: {  	s11 =	sshra.s32 s11, $0x2;
	[sflag:s29] =	ssyncset.done $0x0  }
0x71: {  	s12 =	sadd.s32 $0x1400, s11;
	[sflag:s29] =	ssyncadd.s32 $0xFFFFC000  }
0x72: {  	[spmem:s1] =	stream.indirect.scatter.add.f32 [tilespmem:s20], [sflag:$0x3], $0x80, s12, s26, $0xb8;
	[tilespmem:$0x1E400] =	vst v63  }
0x73: {  	_ =	swait.ge [sflag:s21], $0x4000  }
0x74: {  	[sflag:s21] =	ssyncset.done $0x0  }
0x75: {  	s12 =	sadd.s32 $0x100, s11;
	[sflag:s21] =	ssyncadd.s32 $0xFFFFC000  }
0x76: {  	[tilespmem:s20], [sflag:$0x1] =	stream.indirect.gather [hbm4b:s4+s26], $0x80, s12, s26, $0xb8;
	[tilespmem:$0x1E400] =	vst v63  }
0x77: {  	_ =	swait.ge [sflag:s30], $0x4000  }
0x78: {  	[sflag:s30] =	ssyncset.done $0x0  }
0x79: {  	s12 =	sadd.s32 $0x1480, s11;
	[sflag:s30] =	ssyncadd.s32 $0xFFFFC000  }
0x7a: {  	[spmem:s1] =	stream.indirect.scatter.add.f32 [tilespmem:s28], [sflag:$0x3], $0x80, s12, s26, $0xb8;
	[tilespmem:$0x1E400] =	vst v63  }
0x7b: {  	_ =	swait.ge [sflag:s21], $0x4000  }
0x7c: {  	[sflag:s21] =	ssyncset.done $0x0  }
0x7d: {  	s12 =	sadd.s32 $0x180, s11;
	[sflag:s21] =	ssyncadd.s32 $0xFFFFC000  }
0x7e: {  	[tilespmem:s28], [sflag:$0x2] =	stream.indirect.gather [hbm4b:s4+s26], $0x80, s12, s26, $0xb8;
	[tilespmem:$0x1E400] =	vst v63  }
0x7f: {  	_ =	swait.ge [sflag:s29], $0x4000  }
0x80: {  	[sflag:s29] =	ssyncset.done $0x0  }
0x81: {  	s12 =	sadd.s32 $0x1500, s11;
	[sflag:s29] =	ssyncadd.s32 $0xFFFFC000  }
0x82: {  	[spmem:s1] =	stream.indirect.scatter.add.f32 [tilespmem:s20], [sflag:$0x3], $0x80, s12, s26, $0xb8;
	[tilespmem:$0x1E400] =	vst v63  }
0x83: {  	_ =	swait.ge [sflag:s21], $0x4000  }
0x84: {  	[sflag:s21] =	ssyncset.done $0x0  }
0x85: {  	s12 =	sadd.s32 $0x200, s11;
	[sflag:s21] =	ssyncadd.s32 $0xFFFFC000  }
0x86: {  	[tilespmem:s20], [sflag:$0x1] =	stream.indirect.gather [hbm4b:s4+s26], $0x80, s12, s26, $0xb8;
	[tilespmem:$0x1E400] =	vst v63  }
0x87: {  	_ =	swait.ge [sflag:s30], $0x4000  }
0x88: {  	[sflag:s30] =	ssyncset.done $0x0  }
.Ltmp1:
0x89: {  	s12 =	sadd.s32 $0x1580, s11;
	[sflag:s30] =	ssyncadd.s32 $0xFFFFC000;
	(pc) =	sbr.rel @p0 .LBB2_4-.Ltmp1, $4  }
0x8a: {  	[spmem:s1] =	stream.indirect.scatter.add.f32 [tilespmem:s28], [sflag:$0x3], $0x80, s12, s26, $0xb8;
	[tilespmem:$0x1E400] =	vst v63  }
0x8b: {  	_ =	swait.ge [sflag:s21], $0x4000  }
0x8c: {  	[sflag:s21] =	ssyncset.done $0x0  }
0x8d: {  	s11 =	sadd.s32 $0x280, s11;
	[sflag:s21] =	ssyncadd.s32 $0xFFFFC000  }
0x8e: {  	[tilespmem:s28], [sflag:$0x2] =	stream.indirect.gather [hbm4b:s4+s26], $0x80, s11, s26, $0xb8;
	[tilespmem:$0x1E400] =	vst v63  }
0x8f: {  	_ =	swait.ge [sflag:s29], $0x4000  }
0x90: {  	[sflag:s29] =	ssyncset.done $0x0  }
0x91: {  	[sflag:s29] =	ssyncadd.s32 $0xFFFFC000  }
0x92: {  	[spmem:s1] =	stream.indirect.scatter.add.f32 [tilespmem:s20], [sflag:$0x3], $0x80, s31, s26, $0xb8;
	[tilespmem:$0x1E400] =	vst v63  }
0x93: {  	_ =	swait.ge [sflag:s21], $0x4000  }
0x94: {  	[sflag:s21] =	ssyncset.done $0x0  }
0x95: {  	[sflag:s21] =	ssyncadd.s32 $0xFFFFC000  }
0x96: {  	[tilespmem:s20], [sflag:$0x1] =	stream.indirect.gather [hbm4b:s4+s26], $0x80, s0, s26, $0xb8;
	[tilespmem:$0x1E400] =	vst v63  }
0x97: {  	_ =	swait.ge [sflag:s30], $0x4000  }
0x98: {  	[sflag:s30] =	ssyncset.done $0x0  }
0x99: {  	[sflag:s30] =	ssyncadd.s32 $0xFFFFC000  }
0x9a: {  	[spmem:s1] =	stream.indirect.scatter.add.f32 [tilespmem:s28], [sflag:$0x3], $0x80, s3, s26, $0xb8;
	[tilespmem:$0x1E400] =	vst v63  }
0x9b: {  	_ =	swait.ge [sflag:s21], $0x4000  }
0x9c: {  	[sflag:s21] =	ssyncset.done $0x0  }
0x9d: {  	[sflag:s21] =	ssyncadd.s32 $0xFFFFC000  }
0x9e: {  	[tilespmem:s28], [sflag:$0x2] =	stream.indirect.gather [hbm4b:s4+s26], $0x80, s7, s26, $0xb8;
	[tilespmem:$0x1E400] =	vst v63  }
0x9f: {  	_ =	swait.ge [sflag:s29], $0x4000  }
0xa0: {  	[sflag:s29] =	ssyncset.done $0x0  }
0xa1: {  	[sflag:s29] =	ssyncadd.s32 $0xFFFFC000  }
0xa2: {  	[spmem:s1] =	stream.indirect.scatter.add.f32 [tilespmem:s20], [sflag:$0x3], $0x80, s8, s26, $0xb8;
	[tilespmem:$0x1E400] =	vst v63  }
0xa3: {  	_ =	swait.ge [sflag:s21], $0x4000  }
0xa4: {  	[sflag:s21] =	ssyncset.done $0x0  }
0xa5: {  	[sflag:s21] =	ssyncadd.s32 $0xFFFFC000  }
0xa6: {  	[tilespmem:s20], [sflag:$0x1] =	stream.indirect.gather [hbm4b:s4+s26], $0x80, s7, s26, $0xb8;
	[tilespmem:$0x1E400] =	vst v63  }
0xa7: {  	_ =	swait.ge [sflag:s30], $0x4000  }
0xa8: {  	[sflag:s30] =	ssyncset.done $0x0  }
0xa9: {  	[sflag:s30] =	ssyncadd.s32 $0xFFFFC000  }
0xaa: {  	[spmem:s1] =	stream.indirect.scatter.add.f32 [tilespmem:s28], [sflag:$0x3], $0x80, s9, s26, $0xb8;
	[tilespmem:$0x1E400] =	vst v63  }
0xab: {  	_ =	swait.ge [sflag:s21], $0x4000  }
0xac: {  	[sflag:s21] =	ssyncset.done $0x0  }
0xad: {  	[sflag:s21] =	ssyncadd.s32 $0xFFFFC000  }
0xae: {  	[tilespmem:s28], [sflag:$0x2] =	stream.indirect.gather [hbm4b:s4+s26], $0x80, s7, s26, $0xb8;
	[tilespmem:$0x1E400] =	vst v63  }
0xaf: {  	_ =	swait.ge [sflag:s29], $0x4000  }
0xb0: {  	[sflag:s29] =	ssyncset.done $0x0  }
0xb1: {  	[sflag:s29] =	ssyncadd.s32 $0xFFFFC000  }
0xb2: {  	_ =	swait.ge [sflag:s30], $0x4000  }
0xb3: {  	[sflag:s30] =	ssyncset.done $0x0  }
0xb4: {  	s10 =	simm.s32 $0x0;
	s12 =	rddreg [dreg:$0x5];
	[sflag:s30] =	ssyncadd.s32 $0xFFFFC000  }
0xb5: {  	[tilespmem:s10], [sflag:$0x3] =	stream.linear.gather [hbm4b:s12+s10], $0x1400, $0x38;
	[tilespmem:$0x1E400] =	vst v63  }
0xb6: {  	_ =	swait.ge [sflag:s21], $0x1400  }
0xb7: {  	[sflag:s21] =	ssyncset.done $0x0  }
0xb8: {  	s12 =	rddreg [dreg:$0x6];
	[sflag:s21] =	ssyncadd.s32 $0xFFFFEC00  }
0xb9: {  	[tilespmem:s22], [sflag:$0x3] =	stream.linear.gather [hbm4b:s12+s10], $0x1400, $0x38;
	[tilespmem:$0x1E400] =	vst v63  }
0xba: {  	_ =	swait.ge [sflag:s21], $0x1400  }
0xbb: {  	[sflag:s21] =	ssyncset.done $0x0  }
0xbc: {  	[sflag:s21] =	ssyncadd.s32 $0xFFFFEC00  }
0xbd: {  	[tilespmem:s20], [sflag:$0x1] =	stream.indirect.gather [hbm4b:s4+s26], $0x80, s10, s26, $0xb8;
	[tilespmem:$0x1E400] =	vst v63  }
0xbe: {  	_ = 	snop  }
0xbf: {  	[tilespmem:s28], [sflag:$0x2] =	stream.indirect.gather [hbm4b:s4+s26], $0x80, s26, s26, $0xb8;
	[tilespmem:$0x1E400] =	vst v63  }
0xc0: {  	_ =	swait.ge [sflag:s29], $0x4000  }
0xc1: {  	[sflag:s29] =	ssyncset.done $0x0  }
0xc2: {  	s12 =	simm.s32 $0x1400;
	[sflag:s29] =	ssyncadd.s32 $0xFFFFC000  }
0xc3: {  	[spmem:s1] =	stream.indirect.scatter.add.f32 [tilespmem:s20], [sflag:$0x3], $0x80, s12, s26, $0xb8;
	[tilespmem:$0x1E400] =	vst v63  }
0xc4: {  	_ =	swait.ge [sflag:s21], $0x4000  }
0xc5: {  	[sflag:s21] =	ssyncset.done $0x0  }
0xc6: {  	s11 =	simm.s32 $0x100;
	[sflag:s21] =	ssyncadd.s32 $0xFFFFC000  }
0xc7: {  	[tilespmem:s20], [sflag:$0x1] =	stream.indirect.gather [hbm4b:s4+s26], $0x80, s11, s26, $0xb8;
	[tilespmem:$0x1E400] =	vst v63  }
0xc8: {  	_ =	swait.ge [sflag:s30], $0x4000  }
0xc9: {  	[sflag:s30] =	ssyncset.done $0x0  }
0xca: {  	s12 =	simm.s32 $0x1480;
	[sflag:s30] =	ssyncadd.s32 $0xFFFFC000  }
0xcb: {  	[spmem:s1] =	stream.indirect.scatter.add.f32 [tilespmem:s28], [sflag:$0x3], $0x80, s12, s26, $0xb8;
	[tilespmem:$0x1E400] =	vst v63  }
0xcc: {  	_ =	swait.ge [sflag:s21], $0x4000  }
0xcd: {  	[sflag:s21] =	ssyncset.done $0x0  }
0xce: {  	s11 =	simm.s32 $0x180;
	[sflag:s21] =	ssyncadd.s32 $0xFFFFC000  }
0xcf: {  	[tilespmem:s28], [sflag:$0x2] =	stream.indirect.gather [hbm4b:s4+s26], $0x80, s11, s26, $0xb8;
	[tilespmem:$0x1E400] =	vst v63  }
0xd0: {  	_ =	swait.ge [sflag:s29], $0x4000  }
0xd1: {  	[sflag:s29] =	ssyncset.done $0x0  }
0xd2: {  	s12 =	simm.s32 $0x1500;
	[sflag:s29] =	ssyncadd.s32 $0xFFFFC000  }
0xd3: {  	[spmem:s1] =	stream.indirect.scatter.add.f32 [tilespmem:s20], [sflag:$0x3], $0x80, s12, s26, $0xb8;
	[tilespmem:$0x1E400] =	vst v63  }
0xd4: {  	_ =	swait.ge [sflag:s21], $0x4000  }
0xd5: {  	[sflag:s21] =	ssyncset.done $0x0  }
0xd6: {  	s11 =	simm.s32 $0x200;
	[sflag:s21] =	ssyncadd.s32 $0xFFFFC000  }
0xd7: {  	[tilespmem:s20], [sflag:$0x1] =	stream.indirect.gather [hbm4b:s4+s26], $0x80, s11, s26, $0xb8;
	[tilespmem:$0x1E400] =	vst v63  }
0xd8: {  	_ =	swait.ge [sflag:s30], $0x4000  }
0xd9: {  	[sflag:s30] =	ssyncset.done $0x0  }
0xda: {  	s12 =	simm.s32 $0x1580;
	[sflag:s30] =	ssyncadd.s32 $0xFFFFC000  }
0xdb: {  	[spmem:s1] =	stream.indirect.scatter.add.f32 [tilespmem:s28], [sflag:$0x3], $0x80, s12, s26, $0xb8;
	[tilespmem:$0x1E400] =	vst v63  }
0xdc: {  	_ =	swait.ge [sflag:s21], $0x4000  }
0xdd: {  	[sflag:s21] =	ssyncset.done $0x0  }
0xde: {  	s10 =	simm.s32 $0x800;
	s11 =	simm.s32 $0x280;
	[sflag:s21] =	ssyncadd.s32 $0xFFFFC000  }
.LBB2_6:
0xdf: {  	[tilespmem:s28], [sflag:$0x2] =	stream.indirect.gather [hbm4b:s4+s26], $0x80, s11, s26, $0xb8;
	[tilespmem:$0x1E400] =	vst v63  }
0xe0: {  	s11 =	smov.u32 s10  }
0xe1: {  	p0 =	sne.s32 s10, $0x4000;
	s10 =	sadd.s32 $0x800, s10;
	_ =	swait.ge [sflag:s29], $0x4000  }
0xe2: {  	s11 =	sshra.s32 s11, $0x2;
	[sflag:s29] =	ssyncset.done $0x0  }
0xe3: {  	s12 =	sadd.s32 $0x1400, s11;
	[sflag:s29] =	ssyncadd.s32 $0xFFFFC000  }
0xe4: {  	[spmem:s1] =	stream.indirect.scatter.add.f32 [tilespmem:s20], [sflag:$0x3], $0x80, s12, s26, $0xb8;
	[tilespmem:$0x1E400] =	vst v63  }
0xe5: {  	_ =	swait.ge [sflag:s21], $0x4000  }
0xe6: {  	[sflag:s21] =	ssyncset.done $0x0  }
0xe7: {  	s12 =	sadd.s32 $0x100, s11;
	[sflag:s21] =	ssyncadd.s32 $0xFFFFC000  }
0xe8: {  	[tilespmem:s20], [sflag:$0x1] =	stream.indirect.gather [hbm4b:s4+s26], $0x80, s12, s26, $0xb8;
	[tilespmem:$0x1E400] =	vst v63  }
0xe9: {  	_ =	swait.ge [sflag:s30], $0x4000  }
0xea: {  	[sflag:s30] =	ssyncset.done $0x0  }
0xeb: {  	s12 =	sadd.s32 $0x1480, s11;
	[sflag:s30] =	ssyncadd.s32 $0xFFFFC000  }
0xec: {  	[spmem:s1] =	stream.indirect.scatter.add.f32 [tilespmem:s28], [sflag:$0x3], $0x80, s12, s26, $0xb8;
	[tilespmem:$0x1E400] =	vst v63  }
0xed: {  	_ =	swait.ge [sflag:s21], $0x4000  }
0xee: {  	[sflag:s21] =	ssyncset.done $0x0  }
0xef: {  	s12 =	sadd.s32 $0x180, s11;
	[sflag:s21] =	ssyncadd.s32 $0xFFFFC000  }
0xf0: {  	[tilespmem:s28], [sflag:$0x2] =	stream.indirect.gather [hbm4b:s4+s26], $0x80, s12, s26, $0xb8;
	[tilespmem:$0x1E400] =	vst v63  }
0xf1: {  	_ =	swait.ge [sflag:s29], $0x4000  }
0xf2: {  	[sflag:s29] =	ssyncset.done $0x0  }
0xf3: {  	s12 =	sadd.s32 $0x1500, s11;
	[sflag:s29] =	ssyncadd.s32 $0xFFFFC000  }
0xf4: {  	[spmem:s1] =	stream.indirect.scatter.add.f32 [tilespmem:s20], [sflag:$0x3], $0x80, s12, s26, $0xb8;
	[tilespmem:$0x1E400] =	vst v63  }
0xf5: {  	_ =	swait.ge [sflag:s21], $0x4000  }
0xf6: {  	[sflag:s21] =	ssyncset.done $0x0  }
0xf7: {  	s12 =	sadd.s32 $0x200, s11;
	[sflag:s21] =	ssyncadd.s32 $0xFFFFC000  }
0xf8: {  	[tilespmem:s20], [sflag:$0x1] =	stream.indirect.gather [hbm4b:s4+s26], $0x80, s12, s26, $0xb8;
	[tilespmem:$0x1E400] =	vst v63  }
0xf9: {  	_ =	swait.ge [sflag:s30], $0x4000  }
0xfa: {  	[sflag:s30] =	ssyncset.done $0x0  }
.Ltmp2:
0xfb: {  	s12 =	sadd.s32 $0x1580, s11;
	[sflag:s30] =	ssyncadd.s32 $0xFFFFC000;
	(pc) =	sbr.rel @p0 .LBB2_6-.Ltmp2, $4  }
0xfc: {  	[spmem:s1] =	stream.indirect.scatter.add.f32 [tilespmem:s28], [sflag:$0x3], $0x80, s12, s26, $0xb8;
	[tilespmem:$0x1E400] =	vst v63  }
0xfd: {  	_ =	swait.ge [sflag:s21], $0x4000  }
0xfe: {  	[sflag:s21] =	ssyncset.done $0x0  }
0xff: {  	s11 =	sadd.s32 $0x280, s11;
	[sflag:s21] =	ssyncadd.s32 $0xFFFFC000  }
0x100: {  	[tilespmem:s28], [sflag:$0x2] =	stream.indirect.gather [hbm4b:s4+s26], $0x80, s11, s26, $0xb8;
	[tilespmem:$0x1E400] =	vst v63  }
0x101: {  	_ =	swait.ge [sflag:s29], $0x4000  }
0x102: {  	[sflag:s29] =	ssyncset.done $0x0  }
0x103: {  	[sflag:s29] =	ssyncadd.s32 $0xFFFFC000  }
0x104: {  	[spmem:s1] =	stream.indirect.scatter.add.f32 [tilespmem:s20], [sflag:$0x3], $0x80, s31, s26, $0xb8;
	[tilespmem:$0x1E400] =	vst v63  }
0x105: {  	_ =	swait.ge [sflag:s21], $0x4000  }
0x106: {  	[sflag:s21] =	ssyncset.done $0x0  }
0x107: {  	[sflag:s21] =	ssyncadd.s32 $0xFFFFC000  }
0x108: {  	[tilespmem:s20], [sflag:$0x1] =	stream.indirect.gather [hbm4b:s4+s26], $0x80, s0, s26, $0xb8;
	[tilespmem:$0x1E400] =	vst v63  }
0x109: {  	_ =	swait.ge [sflag:s30], $0x4000  }
0x10a: {  	[sflag:s30] =	ssyncset.done $0x0  }
0x10b: {  	[sflag:s30] =	ssyncadd.s32 $0xFFFFC000  }
0x10c: {  	[spmem:s1] =	stream.indirect.scatter.add.f32 [tilespmem:s28], [sflag:$0x3], $0x80, s3, s26, $0xb8;
	[tilespmem:$0x1E400] =	vst v63  }
0x10d: {  	_ =	swait.ge [sflag:s21], $0x4000  }
0x10e: {  	[sflag:s21] =	ssyncset.done $0x0  }
0x10f: {  	[sflag:s21] =	ssyncadd.s32 $0xFFFFC000  }
0x110: {  	[tilespmem:s28], [sflag:$0x2] =	stream.indirect.gather [hbm4b:s4+s26], $0x80, s7, s26, $0xb8;
	[tilespmem:$0x1E400] =	vst v63  }
0x111: {  	_ =	swait.ge [sflag:s29], $0x4000  }
0x112: {  	[sflag:s29] =	ssyncset.done $0x0  }
0x113: {  	[sflag:s29] =	ssyncadd.s32 $0xFFFFC000  }
0x114: {  	[spmem:s1] =	stream.indirect.scatter.add.f32 [tilespmem:s20], [sflag:$0x3], $0x80, s8, s26, $0xb8;
	[tilespmem:$0x1E400] =	vst v63  }
0x115: {  	_ =	swait.ge [sflag:s21], $0x4000  }
0x116: {  	[sflag:s21] =	ssyncset.done $0x0  }
0x117: {  	[sflag:s21] =	ssyncadd.s32 $0xFFFFC000  }
0x118: {  	[tilespmem:s20], [sflag:$0x1] =	stream.indirect.gather [hbm4b:s4+s26], $0x80, s7, s26, $0xb8;
	[tilespmem:$0x1E400] =	vst v63  }
0x119: {  	_ =	swait.ge [sflag:s30], $0x4000  }
0x11a: {  	[sflag:s30] =	ssyncset.done $0x0  }
0x11b: {  	[sflag:s30] =	ssyncadd.s32 $0xFFFFC000  }
0x11c: {  	[spmem:s1] =	stream.indirect.scatter.add.f32 [tilespmem:s28], [sflag:$0x3], $0x80, s9, s26, $0xb8;
	[tilespmem:$0x1E400] =	vst v63  }
0x11d: {  	_ =	swait.ge [sflag:s21], $0x4000  }
0x11e: {  	[sflag:s21] =	ssyncset.done $0x0  }
0x11f: {  	[sflag:s21] =	ssyncadd.s32 $0xFFFFC000  }
0x120: {  	[tilespmem:s28], [sflag:$0x2] =	stream.indirect.gather [hbm4b:s4+s26], $0x80, s7, s26, $0xb8;
	[tilespmem:$0x1E400] =	vst v63  }
0x121: {  	_ =	swait.ge [sflag:s29], $0x4000  }
0x122: {  	[sflag:s29] =	ssyncset.done $0x0  }
0x123: {  	[sflag:s29] =	ssyncadd.s32 $0xFFFFC000  }
0x124: {  	_ =	swait.ge [sflag:s30], $0x4000  }
0x125: {  	[sflag:s30] =	ssyncset.done $0x0  }
0x126: {  	s10 =	stileid.u32;
	[sflag:s30] =	ssyncadd.s32 $0xFFFFC000  }
0x127: {  	s10 =	sshll.u32 s10, $0x6;
	[bflag:$0x0] =	sbarrier.arrive $0xFFFF  }
0x128: {  	s11 =	sshrl.u32 s5, $0x3;
	s10 =	sor.u32 $0x1C03, s10;
	s12 =	rddreg [dreg:$0x8]  }
0x129: {  	[hbm:s12], [sflag:s10] =	dma.local [spmem:s11], $0x800  }
0x12a: {  	_ =	swait.ge [sflag:s21], $0x800  }
0x12b: {  	[sflag:s21] =	ssyncset.done $0x0  }
0x12c: {  	[sflag:s21] =	ssyncadd.s32 $0xFFFFF800  }
0x12d: {  	[hbm:s17], [sflag:s10] =	dma.local [spmem:s23], $0x800  }
0x12e: {  	_ =	swait.ge [sflag:s21], $0x800  }
0x12f: {  	[sflag:s21] =	ssyncset.done $0x0  }
0x130: {  	[sflag:s21] =	ssyncadd.s32 $0xFFFFF800  }
0x131: {  	[hbm:s18], [sflag:s10] =	dma.local [spmem:s24], $0x800  }
0x132: {  	_ =	swait.ge [sflag:s21], $0x800  }
0x133: {  	[sflag:s21] =	ssyncset.done $0x0  }
0x134: {  	[sflag:s21] =	ssyncadd.s32 $0xFFFFF800  }
0x135: {  	[hbm:s19], [sflag:s10] =	dma.local [spmem:s25], $0x800  }
0x136: {  	s2 =	sadd.s32 $0x1, s2;
	_ =	swait.ge [sflag:s21], $0x800  }
0x137: {  	p0 =	sne.s32 s2, s13;
	s11 =	sshrl.u32 s6, $0x3;
	[sflag:s21] =	ssyncset.done $0x0  }
.Ltmp3:
0x138: {  	s12 =	rddreg [dreg:$0x7];
	[sflag:s21] =	ssyncadd.s32 $0xFFFFF800;
	(pc) =	sbr.rel @p0 .LBB2_1-.Ltmp3, $4  }
0x139: {  	[hbm:s12], [sflag:s10] =	dma.local [spmem:s11], $0x780  }
0x13a: {  	_ =	swait.ge [sflag:s21], $0x780  }
0x13b: {  	[sflag:s21] =	ssyncset.done $0x0  }
0x13c: {  	[sflag:s21] =	ssyncadd.s32 $0xFFFFF880  }
0x13d: {  	_ =	sfence.sel $0x180000  }
0x13e: {  	[bflag:$0x0] =	sbarrier.arrive $0xFFFF  }
0x13f: {  	_ =	strace $0x9000004D  }
0x140: {  	s0 =	stileid.u32;
	[bflag:$0x2] =	sbarrier.arrive $0xFFFF  }
0x141: {  	p0 =	sne.s32 s0, $0x0;
	s0 =	rddreg [dreg:$0x2]  }
0x142: {  	s0 =	sadd.s32 @!p0 $0x100000, s0  }
0x143: {  	[sflag:s0] =	ssyncadd.tile.s32 @!p0 $0x1;
	_ =	shalt  }
.Lfunc_end2:
_tile_overlayer_lowered:
.L_overlay_start_2:
0x144: {  	(tag) =	ssettag $0x2  }
0x145: {  	s0 =	rddreg [dreg:$0x0];
	s2 =	stileid.u32  }
0x146: {  	s1 =	rddreg [dreg:$0x1];
	p0 =	sne.s32 s2, $0x0  }
0x147: {  	s3 =	rddreg [dreg:$0x2];
	[bflag:$0x3] =	sbarrier.arrive $0xFFFF;
	s2 =	simm.s32 @!p0 $0x1C03  }
0x148: {  	[timem:s3], [sflag:s2] =	dma.local @!p0 [hbm:s0], s1  }
0x149: {  	s0 =	simm.s32 @!p0 $0x3  }
0x14a: {  	_ =	swait.ge @!p0 [sflag:s0], s1  }
0x14b: {  	s1 =	ssub.s32 @!p0 $0x0, s1;
	[sflag:s0] =	ssyncset.done @!p0 $0x0  }
0x14c: {  	[sflag:s0] =	ssyncadd.s32 @!p0 s1  }
0x14d: {  	[bflag:$0x3] =	sbarrier.arrive $0xFFFF  }
0x14e: {  	_ =	shalt  }

// kernel: kernel.8.cloned.1.call-start
scs
__scs_entry_jumppad:
0x0: {  	(pc) =	sbr.rel $0x88, $3  }
0x1: {  	(tag) =	ssettag $0x0;
	lr =	simm.s32 $0x1  }
0x2: {  	[smem:$0x3F94] =	sst lr;
	_ =	strace $0xD0000000  }
0x3: {  	_ = 	snop  }
0x4: {  	_ = 	snop  }
0x5: {  	_ = 	snop  }
0x6: {  	_ = 	snop  }
0x7: {  	_ = 	snop  }
__scs_overlays_trampoline_lowered:
0x8: {  	[smem:$0x3FA3] =	sst s0  }
0x9: {  	[smem:$0x3FA4] =	sst s1  }
0xa: {  	[smem:$0x3FA5] =	sst s2  }
0xb: {  	[smem:$0x3FA6] =	sst s3  }
0xc: {  	[smem:$0x3FA7] =	sst s4  }
0xd: {  	[smem:$0x3FA8] =	sst s5  }
0xe: {  	[smem:$0x3FA9] =	sst s6  }
0xf: {  	[smem:$0x3FAA] =	sst s7  }
0x10: {  	[smem:$0x3FAB] =	sst s8  }
0x11: {  	[smem:$0x3FAC] =	sst s9;
	s0 =	simm.s32 @!p0 $0x0  }
0x12: {  	s1 =	sld [smem:$0x3F92];
	s0 =	simm.s32 @p0 $0x1  }
0x13: {  	[smem:$0x3FAD] =	sst s0;
	s0 =	simm.s32 @!p1 $0x0  }
0x14: {  	s2 =	sld [smem:$0x3F91];
	s0 =	simm.s32 @p1 $0x1  }
0x15: {  	[smem:$0x3FAE] =	sst s0;
	s0 =	simm.s32 @!p2 $0x0  }
0x16: {  	s3 =	sld [smem:$0x3FDB];
	s0 =	simm.s32 @p2 $0x1  }
0x17: {  	s4 =	simm.s32 $0x1BF5;
	[smem:$0x3FB0] =	sst s0  }
0x18: {  	s0 =	sld [smem:$0x3F93];
	_ =	swait.ge [sflag:s4], $0x0  }
0x19: {  	s7 =	sld [smem:$0x3F94]  }
0x1a: {  	s8 =	sadd.s32 $0xFFFFE003, lr  }
0x1b: {  	s9 =	sadd.s32 $0xFFFFFEF7, lr;
	s5 =	simm.s32 $0xFFFFFFFF;
	p2 =	slt.u32 s8, $0xFFFFF086  }
0x1c: {  	p1 =	slt.u32 s9, $0xF7A;
	s5 =	simm.s32 @!p2 $0x0  }
0x1d: {  	s5 =	simm.s32 @p1 $0x1;
	p0 =	seq.s32 s7, s2  }
0x1e: {  	s7 =	smul.u32 @!p0 $0xF7A, s2;
	p2 =	seq.s32 @!p0 s5, $0x0  }
0x1f: {  	s9 =	smul.u32 $0xF7A, s1;
	s8 =	simm.s32 @!p0 $0x1BF5;
	p2 =	por !p2, p0  }
0x20: {  	[sflag:s8] =	ssyncset.s32 @!p0 $0xFFFFF086;
	s6 =	sadd.s32 @!p0 s3, s7;
	s7 =	simm.s32 @!p0 $0x108  }
0x21: {  	s3 =	sadd.s32 s3, s9;
	s6 =	sadd.s32 @!p0 $0x88, s6;
	s7 =	simm.s32 @p2 $0x1082  }
0x22: {  	[simem:s7], [sflag:s8] =	dma.local @!p0 [hbm:s6], $0xF7A  }
0x23: {  	s9 =	sor.u32 $0xD0000000, s2;
	s6 =	simm.s32 $0x108;
	_ =	swait.ge @!p0 [sflag:s8], $0x0  }
0x24: {  	s3 =	sadd.s32 $0x88, s3;
	s6 =	simm.s32 @!p1 $0x1082;
	[sflag:s4] =	ssyncset.s32 $0xFFFFF086  }
0x25: {  	[simem:s6], [sflag:s4] =	dma.local [hbm:s3], $0xF7A  }
0x26: {  	[smem:$0x3F94] =	sst s1;
	(tag) =	ssettag s2;
	_ =	strace s9  }
0x27: {  	s1 =	sld [smem:$0x3FA4]  }
0x28: {  	s2 =	sld [smem:$0x3FA5]  }
0x29: {  	s4 =	sld [smem:$0x3FA7]  }
0x2a: {  	p0 =	seq.s32 s5, $0x0;
	s5 =	sld [smem:$0x3FA8]  }
0x2b: {  	s6 =	sld [smem:$0x3FA9]  }
0x2c: {  	s7 =	sld [smem:$0x3FAA]  }
0x2d: {  	s3 =	simm.s32 $0x108;
	s8 =	sld [smem:$0x3FAB]  }
0x2e: {  	s3 =	simm.s32 @!p0 $0x1082;
	s9 =	sld [smem:$0x3FAC]  }
0x2f: {  	lr =	sadd.s32 s0, s3;
	s0 =	sld [smem:$0x3FA3]  }
0x30: {  	s3 =	sld [smem:$0x3FA6]  }
0x31: {  	[smem:$0x3FAF] =	sst s10  }
0x32: {  	s10 =	sld [smem:$0x3FAD];
	_ =	sdelay $0x3  }
0x33: {  	p0 =	seq.s32 s10, $0x1;
	s10 =	sld [smem:$0x3FAF];
	_ =	sdelay $0x3  }
0x34: {  	[smem:$0x3FAF] =	sst s10  }
0x35: {  	s10 =	sld [smem:$0x3FAE];
	_ =	sdelay $0x3  }
0x36: {  	p1 =	seq.s32 s10, $0x1;
	s10 =	sld [smem:$0x3FAF];
	_ =	sdelay $0x3  }
0x37: {  	[smem:$0x3FAF] =	sst s10  }
0x38: {  	s10 =	sld [smem:$0x3FB0]  }
0x39: {  	_ = 	snop;
	(pc) =	sbr.ind lr, $3  }
0x3a: {  	_ = 	snop  }
0x3b: {  	_ = 	snop  }
0x3c: {  	p2 =	seq.s32 s10, $0x1;
	s10 =	sld [smem:$0x3FAF]  }
0x3d: {  	_ =	shalt  }
0x3e: {  	_ =	shalt  }
0x3f: {  	_ =	shalt  }
0x40: {  	_ =	shalt  }
0x41: {  	_ =	shalt  }
0x42: {  	_ =	shalt  }
0x43: {  	_ =	shalt  }
0x44: {  	_ =	shalt  }
0x45: {  	_ =	shalt  }
0x46: {  	_ =	shalt  }
0x47: {  	_ =	shalt  }
0x48: {  	_ =	shalt  }
0x49: {  	_ =	shalt  }
0x4a: {  	_ =	shalt  }
0x4b: {  	_ =	shalt  }
0x4c: {  	_ =	shalt  }
0x4d: {  	_ =	shalt  }
0x4e: {  	_ =	shalt  }
0x4f: {  	_ =	shalt  }
0x50: {  	_ =	shalt  }
0x51: {  	_ =	shalt  }
0x52: {  	_ =	shalt  }
0x53: {  	_ =	shalt  }
0x54: {  	_ =	shalt  }
0x55: {  	_ =	shalt  }
0x56: {  	_ =	shalt  }
0x57: {  	_ =	shalt  }
0x58: {  	_ =	shalt  }
0x59: {  	_ =	shalt  }
0x5a: {  	_ =	shalt  }
0x5b: {  	_ =	shalt  }
0x5c: {  	_ =	shalt  }
0x5d: {  	_ =	shalt  }
0x5e: {  	_ =	shalt  }
0x5f: {  	_ =	shalt  }
0x60: {  	_ =	shalt  }
0x61: {  	_ =	shalt  }
0x62: {  	_ =	shalt  }
0x63: {  	_ =	shalt  }
0x64: {  	_ =	shalt  }
0x65: {  	_ =	shalt  }
0x66: {  	_ =	shalt  }
0x67: {  	_ =	shalt  }
0x68: {  	_ =	shalt  }
0x69: {  	_ =	shalt  }
0x6a: {  	_ =	shalt  }
0x6b: {  	_ =	shalt  }
0x6c: {  	_ =	shalt  }
0x6d: {  	_ =	shalt  }
0x6e: {  	_ =	shalt  }
0x6f: {  	_ =	shalt  }
0x70: {  	_ =	shalt  }
0x71: {  	_ =	shalt  }
0x72: {  	_ =	shalt  }
0x73: {  	_ =	shalt  }
0x74: {  	_ =	shalt  }
0x75: {  	_ =	shalt  }
0x76: {  	_ =	shalt  }
0x77: {  	_ =	shalt  }
0x78: {  	_ =	shalt  }
0x79: {  	_ =	shalt  }
0x7a: {  	_ =	shalt  }
0x7b: {  	_ =	shalt  }
0x7c: {  	_ =	shalt  }
0x7d: {  	_ =	shalt  }
0x7e: {  	_ =	shalt  }
0x7f: {  	_ =	shalt  }
0x80: {  	_ =	shalt  }
0x81: {  	_ =	shalt  }
0x82: {  	_ =	shalt  }
0x83: {  	_ =	shalt  }
0x84: {  	_ =	shalt  }
0x85: {  	_ =	shalt  }
0x86: {  	_ =	shalt  }
0x87: {  	_ =	shalt  }
.Lfunc_end0:
.L_simem_size_0:
called_computation_lowered:
.L_overlay_start_0:
0x88: {  	s2 =	sld [smem:$0x3FD9]  }
0x89: {  	s3 =	sld [smem:$0x3FFE];
	_ =	sdelay $0x1  }
0x8a: {  	s1 =	srdreg.scid  }
0x8b: {  	s0 =	sand.u32 $0x1, s1  }
0x8c: {  	s17 =	sshll.u32 s0, $0xA;
	s2 =	sadd.s32 s3, s2  }
0x8d: {  	s2 =	sadd.s32 s2, s17  }
0x8e: {  	[smem:$0x3FBB] =	sst s2  }
0x8f: {  	_ = 	snop  }
0x90: {  	(tm) =	ssettm $0x1  }
0x91: {  	s18 =	sld [smem:$0x3FFB];
	_ =	sdelay $0x3  }
0x92: {  	_ =	strace s18  }
0x93: {  	s2 =	sld [smem:$0x3FFC];
	_ =	sdelay $0x3  }
0x94: {  	_ =	strace s2  }
0x95: {  	s2 =	sld [smem:$0x3FFD];
	_ =	sdelay $0x3  }
0x96: {  	_ =	strace s2  }
0x97: {  	_ =	strace $0x8FFFFFFF  }
0x98: {  	s19 =	sld [smem:$0x3FDB];
	_ =	sdelay $0x1  }
0x99: {  	s20 =	simm.s32 $_scs_section_size  }
0x9a: {  	s4 =	simm.s32 $_size__tile_overlayer_lowered;
	s5 =	simm.s32 $_tile_overlayer_lowered  }
0x9b: {  	s6 =	simm.s32 $0x1BFF;
	s21 =	sshll.u32 s5, $0x1;
	s3 =	sadd.s32 s20, s19  }
0x9c: {  	s22 =	simm.s32 $0x0;
	s4 =	sshll.u32 s4, $0x1;
	s5 =	sadd.s32 s21, s3  }
0x9d: {  	[timem:s22], [sflag:s6] =	dma.local [hbm:s5], s4  }
0x9e: {  	_ =	swait.ge [sflag:s6], s4  }
0x9f: {  	s4 =	ssub.s32 $0x0, s4;
	[sflag:s6] =	ssyncset.done $0x0  }
0xa0: {  	[sflag:s6] =	ssyncadd.s32 s4;
	_ =	sdelay $0x1  }
0xa1: {  	s23 =	simm.s32 $0x1B8B  }
0xa2: {  	_ =	swait.ge [sflag:s23], $0x1  }
0xa3: {  	[sflag:s23] =	ssyncset.done $0x0  }
0xa4: {  	[sflag:s23] =	ssyncadd.s32 $0xFFFFFFFF  }
0xa5: {  	s4 =	sld [smem:$0x0]  }
0xa6: {  	s5 =	sand.u32 $0xFFFFFFFE, s1  }
0xa7: {  	p0 =	sne.s32 s1, s5  }
0xa8: {  	s5 =	sshll.u32 @p0 s5, $0xE  }
0xa9: {  	s5 =	sadd.s32 @p0 $0x11B8D, s5;
	s6 =	sshll.u32 @p0 s4, $0x11  }
0xaa: {  	s5 =	sor.u32 @p0 s6, s5  }
0xab: {  	[sflag:s5] =	ssyncadd.remote.s32 @p0 $0x1;
	_ =	sdelay $0x1  }
0xac: {  	s5 =	simm.s32 @p0 $0x1B8D  }
0xad: {  	_ =	swait.eq @p0 [sflag:s5], $0x1  }
0xae: {  	[sflag:s5] =	ssyncadd.s32 @p0 $0xFFFFFFFF  }
0xaf: {  	s6 =	sshll.u32 @!p0 s1, $0xE  }
0xb0: {  	s6 =	sor.u32 @!p0 $0x4000, s6;
	s5 =	simm.s32 @!p0 $0x1B8D  }
0xb1: {  	s4 =	sshll.u32 @!p0 s4, $0x11;
	s6 =	sadd.s32 @!p0 $0x11B8D, s6;
	_ =	swait.eq @!p0 [sflag:s5], $0x1  }
0xb2: {  	s4 =	sor.u32 @!p0 s4, s6;
	[sflag:s5] =	ssyncadd.s32 @!p0 $0xFFFFFFFF  }
0xb3: {  	s25 =	simm.s32 $0x1B8E;
	s24 =	sld [smem:$0x3FFE];
	[sflag:s4] =	ssyncadd.remote.s32 @!p0 $0x1  }
0xb4: {  	s26 =	simm.s32 $execute0_lowered;
	[smem:$0x3FD2] =	sst s25  }
0xb5: {  	s5 =	sshll.u32 s26, $0x1;
	_ =	strace $0x80000049;
	[dreg:$0x1] =	wrdreg $0xFFFFFFFF  }
0xb6: {  	s28 =	simm.s32 $_size_execute0_lowered;
	s3 =	sadd.s32 s3, s5;
	[dreg:$0x0] =	wrdreg $0x0  }
0xb7: {  	s5 =	sshll.u32 s28, $0x1;
	[dreg:$0x2] =	wrdreg s3  }
0xb8: {  	[dreg:$0x3] =	wrdreg s5  }
0xb9: {  	[dreg:$0x4] =	wrdreg $0xC0  }
0xba: {  	_ =	task [dreg:s22], $0x5FFFF  }
0xbb: {  	[dreg:$0x1] =	wrdreg $0xFFFFFFFF  }
0xbc: {  	[dreg:$0x0] =	wrdreg $0x60  }
0xbd: {  	[dreg:$0x2] =	wrdreg s24  }
0xbe: {  	[dreg:$0x3] =	wrdreg $0x68000  }
0xbf: {  	[dreg:$0x4] =	wrdreg $0x9  }
0xc0: {  	_ =	task.clear_ibuf [dreg:s22], $0x5FFFF;
	_ =	strace $0x90000049  }
0xc1: {  	s29 =	simm.s32 $0x9;
	_ =	strace $0x8000004B  }
0xc2: {  	_ =	swait.ge [sflag:s29], $0x1  }
0xc3: {  	[sflag:s29] =	ssyncadd.s32 $0xFFFFFFFF  }
0xc4: {  	_ =	strace $0x9000004B  }
0xc5: {  	_ =	sfence  }
0xc6: {  	s30 =	sld [smem:$0x0];
	_ =	sdelay $0x2  }
0xc7: {  	s31 =	sshll.u32 s1, $0xD;
	s1 =	sshrl.u32 s1, $0x2  }
0xc8: {  	s4 =	sand.u32 $0x4000, s31;
	s1 =	sadd.s32 s1, s30  }
0xc9: {  	s0 =	sor.u32 s4, s0;
	s1 =	sshll.u32 s1, $0x11  }
0xca: {  	s0 =	sor.u32 s1, s0  }
0xcb: {  	s0 =	sadd.s32 $0x8F2B, s0  }
0xcc: {  	[sflag:s0] =	ssyncadd.remote.s32 $0x1  }
0xcd: {  	_ =	sfence.sel $0xFFFF  }
0xce: {  	[dreg:$0x0] =	wrdreg $0xFFFFFFFF;
	(pc) =	sbr.abs _section_cstart, $3  }
0xcf: {  	[dreg:$0x1] =	wrdreg $0xFFFFFFFF  }
0xd0: {  	_ =	task.clear_ibuf [dreg:s22], $0x2FFFF;
	_ =	strace $0x9FFFFFFF  }
0xd1: {  	(tm) =	ssettm $0x7FFFFFFF  }
tec
execute0_lowered:
.L_overlay_start_1:
0x0: {  	(tag) =	ssettag $0x1  }
0x1: {  	s1 =	srdreg.scid;
	s4 =	rddreg [dreg:$0x0]  }
0x2: {  	s0 =	stileid.u32;
	s2 =	rddreg [dreg:$0x1];
	s3 =	simm.s32 $0x0  }
0x3: {  	s5 =	sand.u32 $0x1, s1;
	s1 =	rddreg [dreg:$0x2];
	s7 =	smul.u32 $0x4F000, s0  }
0x4: {  	s24 =	sshll.u32 s0, $0x1;
	[smem:$0x7FF] =	sst s3;
	s13 =	smul.u32 $0x13C00, s0  }
0x5: {  	s15 =	sadd.s32 $0x8C800, s4;
	s6 =	sor.u32 s5, s24;
	s14 =	smul.u32 $0x13C000, s5  }
0x6: {  	_ =	strace $0x8000004A;
	s25 =	ssub.s32 $0x2, s5;
	s6 =	smul.u32 $0x500, s6  }
0x7: {  	s8 =	sshrl.u32 s25, $0x1;
	s7 =	sshrl.u32 s7, $0x2;
	s26 =	sadd.s32 $0x10000, s13  }
0x8: {  	s16 =	sadd.s32 $0x4000, s13;
	s18 =	sadd.s32 $0x8000, s13;
	s20 =	sadd.s32 $0xC000, s13  }
0x9: {  	s9 =	ssub.s32 s25, s8;
	s5 =	sadd.s32 s26, s2;
	s28 =	sadd.s32 s14, s13  }
0xa: {  	s17 =	sadd.s32 s14, s16;
	s19 =	sadd.s32 s14, s18;
	s30 =	sadd.s32 s14, s20  }
0xb: {  	s21 =	sadd.s32 s16, s2;
	s22 =	sadd.s32 s18, s2;
	s23 =	sadd.s32 s20, s2  }
0xc: {  	s16 =	simm.s32 $0x2800;
	s18 =	simm.s32 $0x80;
	s6 =	sadd.s32 s6, s4  }
0xd: {  	s4 =	sadd.s32 s7, s2;
	s7 =	sadd.s32 s14, s26;
	s8 =	sshrl.u32 s28, $0x3  }
0xe: {  	s9 =	smax.u32 s9, $0x1;
	s17 =	sshrl.u32 s17, $0x3;
	s29 =	sshrl.u32 s19, $0x3  }
0xf: {  	s31 =	sshrl.u32 s30, $0x3;
	s19 =	sshrl.u32 s21, $0x3;
	s20 =	sshrl.u32 s22, $0x3  }
0x10: {  	s21 =	sshrl.u32 s23, $0x3;
	s6 =	sadd.s32 $0x33800, s6;
	s7 =	sshrl.u32 s7, $0x3  }
0x11: {  	s8 =	sadd.s32 s15, s8;
	s10 =	sadd.s32 $0x4000, s4;
	s11 =	sadd.s32 $0x8000, s4  }
0x12: {  	s12 =	sadd.s32 $0xC000, s4;
	s13 =	sadd.s32 s15, s17;
	s14 =	sadd.s32 s15, s29  }
0x13: {  	v0 =	vimm.f32 $0.0e+00;
	v1 =	vimm.f32 $1.000000000e+00;
	s17 =	simm.s32 $0x1;
	s7 =	sadd.s32 s15, s7;
	s15 =	sadd.s32 s15, s31  }
.LBB2_1:
0x14: {  	s22 =	simm.s32 $0x0;
	s23 =	simm.s32 $0x200  }
.LBB2_2:
0x15: {  	p0 =	sne.s32 s23, $0xFE00;
	[tilespmem:s22+$0x2870] =	vst v0  }
0x16: {  	[tilespmem:s22+$0x2800] =	vst v0  }
0x17: {  	[tilespmem:s22+$0x2810] =	vst v0  }
.Ltmp0:
0x18: {  	[tilespmem:s22+$0x2820] =	vst v0;
	(pc) =	sbr.rel @p0 .LBB2_2-.Ltmp0, $4  }
0x19: {  	[tilespmem:s22+$0x2830] =	vst v0  }
0x1a: {  	[tilespmem:s22+$0x2840] =	vst v0  }
0x1b: {  	[tilespmem:s22+$0x2850] =	vst v0  }
0x1c: {  	[tilespmem:s22+$0x2860] =	vst v0;
	s22 =	sshra.s32 s23, $0x2;
	s23 =	sadd.s32 $0x200, s23  }
0x1d: {  	[tilespmem:s22+$0x2870] =	vst v0  }
0x1e: {  	[tilespmem:s22+$0x2800] =	vst v0  }
0x1f: {  	[tilespmem:s22+$0x2810] =	vst v0  }
0x20: {  	[tilespmem:s22+$0x2820] =	vst v0  }
0x21: {  	[tilespmem:s22+$0x2830] =	vst v0  }
0x22: {  	[tilespmem:s22+$0x2840] =	vst v0  }
0x23: {  	[tilespmem:s22+$0x2850] =	vst v0  }
0x24: {  	[tilespmem:s22+$0x2860] =	vst v0  }
0x25: {  	[spmem:s4] =	stream.linear.scatter [tilespmem:s16], [sflag:$0x1], $0x4000, $0x38;
	[tilespmem:$0x1A400] =	vst v63  }
0x26: {  	_ =	swait.ge [sflag:s17], $0x4000  }
0x27: {  	[sflag:s17] =	ssyncset.done $0x0  }
0x28: {  	[sflag:s17] =	ssyncadd.s32 $0xFFFFC000  }
0x29: {  	[spmem:s10] =	stream.linear.scatter [tilespmem:s16], [sflag:$0x1], $0x4000, $0x38;
	[tilespmem:$0x1A400] =	vst v63  }
0x2a: {  	_ =	swait.ge [sflag:s17], $0x4000  }
0x2b: {  	[sflag:s17] =	ssyncset.done $0x0  }
0x2c: {  	[sflag:s17] =	ssyncadd.s32 $0xFFFFC000  }
0x2d: {  	[spmem:s11] =	stream.linear.scatter [tilespmem:s16], [sflag:$0x1], $0x4000, $0x38;
	[tilespmem:$0x1A400] =	vst v63  }
0x2e: {  	_ =	swait.ge [sflag:s17], $0x4000  }
0x2f: {  	[sflag:s17] =	ssyncset.done $0x0  }
0x30: {  	[sflag:s17] =	ssyncadd.s32 $0xFFFFC000  }
0x31: {  	[spmem:s12] =	stream.linear.scatter [tilespmem:s16], [sflag:$0x1], $0x4000, $0x38;
	[tilespmem:$0x1A400] =	vst v63  }
0x32: {  	_ =	swait.ge [sflag:s17], $0x4000  }
0x33: {  	[sflag:s17] =	ssyncset.done $0x0  }
0x34: {  	[sflag:s17] =	ssyncadd.s32 $0xFFFFC000  }
0x35: {  	[spmem:s5] =	stream.linear.scatter [tilespmem:s16], [sflag:$0x1], $0x3C00, $0x38;
	[tilespmem:$0x1A400] =	vst v63  }
0x36: {  	_ =	swait.ge [sflag:s17], $0x3C00  }
0x37: {  	[sflag:s17] =	ssyncset.done $0x0  }
0x38: {  	s22 =	simm.s32 $0x0;
	s23 =	simm.s32 $0x200;
	[sflag:s17] =	ssyncadd.s32 $0xFFFFC400  }
.LBB2_4:
0x39: {  	p0 =	sne.s32 s23, $0xFE00;
	[tilespmem:s22+$0x2870] =	vst v1  }
0x3a: {  	[tilespmem:s22+$0x2800] =	vst v1  }
0x3b: {  	[tilespmem:s22+$0x2810] =	vst v1  }
.Ltmp1:
0x3c: {  	[tilespmem:s22+$0x2820] =	vst v1;
	(pc) =	sbr.rel @p0 .LBB2_4-.Ltmp1, $4  }
0x3d: {  	[tilespmem:s22+$0x2830] =	vst v1  }
0x3e: {  	[tilespmem:s22+$0x2840] =	vst v1  }
0x3f: {  	[tilespmem:s22+$0x2850] =	vst v1  }
0x40: {  	[tilespmem:s22+$0x2860] =	vst v1;
	s22 =	sshra.s32 s23, $0x2;
	s23 =	sadd.s32 $0x200, s23  }
0x41: {  	[tilespmem:s22+$0x2870] =	vst v1  }
0x42: {  	[tilespmem:s22+$0x2800] =	vst v1  }
0x43: {  	[tilespmem:s22+$0x2810] =	vst v1  }
0x44: {  	[tilespmem:s22+$0x2820] =	vst v1  }
0x45: {  	[tilespmem:s22+$0x2830] =	vst v1  }
0x46: {  	[tilespmem:s22+$0x2840] =	vst v1  }
0x47: {  	[tilespmem:s22+$0x2850] =	vst v1  }
0x48: {  	[tilespmem:s22+$0x2860] =	vst v1;
	s30 =	simm.s32 $0x0  }
0x49: {  	[tilespmem:s30], [sflag:$0x1] =	stream.linear.gather [hbm4b:s6+s30], $0x2800, $0x38;
	[tilespmem:$0x1A400] =	vst v63  }
0x4a: {  	_ =	swait.ge [sflag:s17], $0x2800  }
0x4b: {  	[sflag:s17] =	ssyncset.done $0x0  }
0x4c: {  	[sflag:s17] =	ssyncadd.s32 $0xFFFFD800  }
0x4d: {  	s31 =	simm.s32 $0x0;
	[bflag:$0x0] =	sbarrier.arrive $0xFFFF  }
0x4e: {  	[spmem:s2] =	stream.indirect.scatter.add.f32 [tilespmem:s16], [sflag:$0x1], $0x80, s31, s18, $0xb8;
	[tilespmem:$0x1A400] =	vst v63  }
0x4f: {  	_ =	swait.ge [sflag:s17], $0x4000  }
0x50: {  	s22 =	simm.s32 $0x200;
	[sflag:s17] =	ssyncset.done $0x0  }
.LBB2_6:
0x51: {  	s23 =	sshra.s32 s22, $0x2;
	[sflag:s17] =	ssyncadd.s32 $0xFFFFC000;
	p0 =	sne.s32 s22, $0x4E00  }
0x52: {  	[spmem:s2] =	stream.indirect.scatter.add.f32 [tilespmem:s16], [sflag:$0x1], $0x80, s23, s18, $0xb8;
	[tilespmem:$0x1A400] =	vst v63  }
.Ltmp2:
0x53: {  	_ = 	snop;
	(pc) =	sbr.rel @p0 .LBB2_6-.Ltmp2, $4  }
0x54: {  	_ = 	snop  }
0x55: {  	s22 =	sadd.s32 $0x200, s22  }
0x56: {  	_ =	swait.ge [sflag:s17], $0x4000  }
0x57: {  	[sflag:s17] =	ssyncset.done $0x0  }
0x58: {  	[sflag:s17] =	ssyncadd.s32 $0xFFFFC000;
	s22 =	simm.s32 $0x1400  }
0x59: {  	[spmem:s2] =	stream.indirect.scatter.add.f32 [tilespmem:s16], [sflag:$0x1], $0x80, s22, s18, $0xb8;
	[tilespmem:$0x1A400] =	vst v63  }
0x5a: {  	s22 =	simm.s32 $0x200;
	_ =	swait.ge [sflag:s17], $0x4000  }
.LBB2_8:
0x5b: {  	s23 =	sshra.s32 s22, $0x2;
	[sflag:s17] =	ssyncset.done $0x0;
	p0 =	sne.s32 s22, $0x4E00  }
.Ltmp3:
0x5c: {  	s23 =	sadd.s32 $0x1400, s23;
	[sflag:s17] =	ssyncadd.s32 $0xFFFFC000;
	(pc) =	sbr.rel @p0 .LBB2_8-.Ltmp3, $3  }
0x5d: {  	[spmem:s2] =	stream.indirect.scatter.add.f32 [tilespmem:s16], [sflag:$0x1], $0x80, s23, s18, $0xb8;
	[tilespmem:$0x1A400] =	vst v63  }
0x5e: {  	s22 =	sadd.s32 $0x200, s22;
	_ =	sdelay $0x1  }
0x5f: {  	_ =	swait.ge [sflag:s17], $0x4000  }
0x60: {  	[sflag:s17] =	ssyncset.done $0x0  }
0x61: {  	s22 =	sshll.u32 s0, $0x6;
	[sflag:s17] =	ssyncadd.s32 $0xFFFFC000  }
0x62: {  	s23 =	sshrl.u32 s4, $0x3;
	s22 =	sor.u32 $0x1C01, s22;
	[bflag:$0x0] =	sbarrier.arrive $0xFFFF  }
0x63: {  	[hbm:s8], [sflag:s22] =	dma.local [spmem:s23], $0x800  }
0x64: {  	_ =	swait.ge [sflag:s17], $0x800  }
0x65: {  	[sflag:s17] =	ssyncset.done $0x0  }
0x66: {  	[sflag:s17] =	ssyncadd.s32 $0xFFFFF800  }
0x67: {  	[hbm:s13], [sflag:s22] =	dma.local [spmem:s19], $0x800  }
0x68: {  	_ =	swait.ge [sflag:s17], $0x800  }
0x69: {  	[sflag:s17] =	ssyncset.done $0x0  }
0x6a: {  	[sflag:s17] =	ssyncadd.s32 $0xFFFFF800  }
0x6b: {  	[hbm:s14], [sflag:s22] =	dma.local [spmem:s20], $0x800  }
0x6c: {  	_ =	swait.ge [sflag:s17], $0x800  }
0x6d: {  	[sflag:s17] =	ssyncset.done $0x0  }
0x6e: {  	[sflag:s17] =	ssyncadd.s32 $0xFFFFF800  }
0x6f: {  	[hbm:s15], [sflag:s22] =	dma.local [spmem:s21], $0x800  }
0x70: {  	s3 =	sadd.s32 $0x1, s3;
	_ =	swait.ge [sflag:s17], $0x800  }
0x71: {  	p0 =	sne.s32 s3, s9;
	[sflag:s17] =	ssyncset.done $0x0  }
.Ltmp4:
0x72: {  	s31 =	sshrl.u32 s5, $0x3;
	[sflag:s17] =	ssyncadd.s32 $0xFFFFF800;
	(pc) =	sbr.rel @p0 .LBB2_1-.Ltmp4, $4  }
0x73: {  	[hbm:s7], [sflag:s22] =	dma.local [spmem:s31], $0x780  }
0x74: {  	_ =	swait.ge [sflag:s17], $0x780  }
0x75: {  	[sflag:s17] =	ssyncset.done $0x0  }
0x76: {  	[sflag:s17] =	ssyncadd.s32 $0xFFFFF880  }
0x77: {  	_ =	sfence.sel $0x180000  }
0x78: {  	[bflag:$0x0] =	sbarrier.arrive $0xFFFF  }
0x79: {  	p0 =	sne.s32 s0, $0x0;
	_ =	strace $0x9000004A  }
0x7a: {  	s0 =	sadd.s32 @!p0 $0x100000, s1;
	[bflag:$0x2] =	sbarrier.arrive $0xFFFF  }
0x7b: {  	[sflag:s0] =	ssyncadd.tile.s32 @!p0 $0x1;
	_ =	shalt  }
.Lfunc_end2:
_tile_overlayer_lowered:
.L_overlay_start_2:
0x7c: {  	(tag) =	ssettag $0x2  }
0x7d: {  	s0 =	rddreg [dreg:$0x0];
	s2 =	stileid.u32  }
0x7e: {  	s1 =	rddreg [dreg:$0x1];
	p0 =	sne.s32 s2, $0x0  }
0x7f: {  	s3 =	rddreg [dreg:$0x2];
	[bflag:$0x3] =	sbarrier.arrive $0xFFFF;
	s2 =	simm.s32 @!p0 $0x1C01  }
0x80: {  	[timem:s3], [sflag:s2] =	dma.local @!p0 [hbm:s0], s1  }
0x81: {  	s0 =	simm.s32 @!p0 $0x1  }
0x82: {  	_ =	swait.ge @!p0 [sflag:s0], s1  }
0x83: {  	s1 =	ssub.s32 @!p0 $0x0, s1;
	[sflag:s0] =	ssyncset.done @!p0 $0x0  }
0x84: {  	[sflag:s0] =	ssyncadd.s32 @!p0 s1  }
0x85: {  	[bflag:$0x3] =	sbarrier.arrive $0xFFFF  }
0x86: {  	_ =	shalt  }

</sc_bundles>
